<compile_context>
chip_gen: v7x
topology: tpu7x:2x2x1
jax: 0.10.2.dev20260603
libtpu: 0.0.44.dev20260713+nightly
codegen_flags: <defaults>
</compile_context>

<pallas_src>
import numpy as np
import jax
import jax.numpy as jnp
from jax import lax
from jax.experimental import pallas as pl
from jax.experimental.pallas import tpu as pltpu
from jax.experimental.pallas import tpu_sc as plsc

B = 16384
K = 32
N_ROWS = 1000000
D = 16
H = 20
NC, NS = 2, 16
NW = NC * NS
BPW = B // NW
CPW = BPW // 128
APW = BPW * H // 128
G = 8
GC = APW // G
GR = GC * 128

_j_over_h = (np.arange(BPW * H) // H).astype(np.int32)
_SIDX_ALL = np.stack(
    [(w // NC) * BPW + _j_over_h for w in range(NW)]
).reshape(NW, APW, 128)


def _sc_body(u_ref, i_ref, uo_ref, io_ref, ia_ref, sidx_ref, P_ref, Q_ref,
             bu_ref, bi_ref, ae_ref, uf_out, if_out, as_out, buv_out, biv_out,
             iu_v, ii_v, iuo_v, iio_v, ia_v, sx_v, uf_v, if_v, bu_v, bi_v,
             rows_v, acc_s, sem, sem2, sg0, sg1, se0, se1):
    c = lax.axis_index("c")
    s = lax.axis_index("s")
    wid = s * NC + c
    pltpu.sync_copy(u_ref.at[wid], iu_v)
    pltpu.sync_copy(i_ref.at[wid], ii_v)
    pltpu.sync_copy(uo_ref.at[wid], iuo_v)
    pltpu.sync_copy(io_ref.at[wid], iio_v)
    pltpu.sync_copy(ia_ref.at[wid], ia_v)
    pltpu.sync_copy(sidx_ref.at[wid], sx_v)

    handles = []
    for cc in range(CPW):
        dst = pl.ds(cc * 128, 128)
        handles.append(pltpu.async_copy(bu_ref.at[iuo_v.at[cc]], bu_v.at[dst], sem))
        handles.append(pltpu.async_copy(bi_ref.at[iio_v.at[cc]], bi_v.at[dst], sem))

    sg = (sg0, sg1)
    se = (se0, se1)
    gh = [None] * CPW
    eh = [None] * CPW
    for cc in range(2):
        gh[cc] = (pltpu.async_copy(P_ref.at[iu_v.at[cc]], uf_v.at[cc], sg[cc]),
                  pltpu.async_copy(Q_ref.at[ii_v.at[cc]], if_v.at[cc], sg[cc]))
    for cc in range(CPW):
        slot = cc % 2
        gh[cc][0].wait()
        gh[cc][1].wait()
        dst = pl.ds(wid * BPW + cc * 128, 128)
        eh[cc] = (pltpu.async_copy(uf_v.at[slot], uf_out.at[dst], se[slot]),
                  pltpu.async_copy(if_v.at[slot], if_out.at[dst], se[slot]))
        nxt = cc + 2
        if nxt < CPW:
            eh[cc][0].wait()
            eh[cc][1].wait()
            gh[nxt] = (pltpu.async_copy(P_ref.at[iu_v.at[nxt]], uf_v.at[slot], sg[slot]),
                       pltpu.async_copy(Q_ref.at[ii_v.at[nxt]], if_v.at[slot], sg[slot]))
    for cc in range(CPW - 2, CPW):
        eh[cc][0].wait()
        eh[cc][1].wait()

    def zero_body(j, carry):
        rows_v[j] = jnp.zeros((D,), jnp.float32)
        return carry
    lax.fori_loop(0, BPW, zero_body, 0)
    pltpu.sync_copy(rows_v.at[pl.ds(0, BPW)], acc_s.at[pl.ds(s * BPW, BPW)])

    def group_body(g, carry):
        gh = []
        for j in range(GC):
            gh.append(pltpu.async_copy(
                ae_ref.at[ia_v.at[g * GC + j]],
                rows_v.at[pl.ds(j * 128, 128)], sem2))
        for hnd in gh:
            hnd.wait()
        for j in range(GC):
            pltpu.sync_copy(rows_v.at[pl.ds(j * 128, 128)],
                            acc_s.at[sx_v.at[g * GC + j]], add=True)
        return carry
    lax.fori_loop(0, G, group_body, 0)

    for hnd in handles:
        hnd.wait()

    out = pl.ds(wid * BPW, BPW)
    pltpu.sync_copy(bu_v, buv_out.at[out])
    pltpu.sync_copy(bi_v, biv_out.at[out])
    pltpu.sync_copy(acc_s.at[pl.ds(s * BPW, BPW)], as_out.at[out])


PACK_W = 32768
PACK_S = PACK_W // 4
PACK_G = -(-N_ROWS // PACK_W)
PACK_ROWS = PACK_G * PACK_S


def _pack_body(x_ref, out_ref):
    eye = (lax.broadcasted_iota(jnp.int32, (K, K), 0)
           == lax.broadcasted_iota(jnp.int32, (K, K), 1)).astype(jnp.bfloat16)
    for g in range(4):
        x = x_ref[:, g * PACK_S:(g + 1) * PACK_S]
        hi = x.astype(jnp.bfloat16)
        lo = (x - hi.astype(jnp.float32)).astype(jnp.bfloat16)
        z = (lax.dot_general(hi, eye, (((0,), (0,)), ((), ())),
                             preferred_element_type=jnp.float32)
             + lax.dot_general(lo, eye, (((0,), (0,)), ((), ())),
                               preferred_element_type=jnp.float32))
        out_ref[:, g * K:(g + 1) * K] = z


def _pack4(xt):
    return pl.pallas_call(
        _pack_body,
        grid=(PACK_G,),
        in_specs=[pl.BlockSpec((K, PACK_W), lambda j: (0, j))],
        out_specs=pl.BlockSpec((PACK_S, 128), lambda j: (j, 0)),
        out_shape=jax.ShapeDtypeStruct((PACK_ROWS, 128), jnp.float32),
    )(xt)


def _tc_body(uf4_ref, if4_ref, uq_ref, iq_ref, as_ref, buv_ref, biv_ref,
             wt_ref, bf_ref, mu_ref, out_ref):
    uf4 = uf4_ref[...]
    if4 = if4_ref[...]
    uq = uq_ref[...][:, None]
    iq = iq_ref[...][:, None]
    uf = jnp.zeros(uf4[:, :K].shape, jnp.float32)
    itf = jnp.zeros_like(uf)
    for q in range(4):
        uf = uf + jnp.where(uq == q, uf4[:, q * K:(q + 1) * K], 0.0)
        itf = itf + jnp.where(iq == q, if4[:, q * K:(q + 1) * K], 0.0)
    avg = as_ref[...] * (1.0 / H)
    attr = jnp.dot(avg, wt_ref[...], preferred_element_type=jnp.float32)
    itf = itf + attr + bf_ref[...]
    pred = jnp.sum(uf * itf, axis=1)
    out_ref[...] = pred + buv_ref[...] + biv_ref[...] + mu_ref[0, 0]


def _make_sc_call():
    f32 = jnp.float32
    return pl.kernel(
        _sc_body,
        out_type=[
            jax.ShapeDtypeStruct((B, 128), f32),
            jax.ShapeDtypeStruct((B, 128), f32),
            jax.ShapeDtypeStruct((B, D), f32),
            jax.ShapeDtypeStruct((B,), f32),
            jax.ShapeDtypeStruct((B,), f32),
        ],
        mesh=plsc.VectorSubcoreMesh(core_axis_name="c", subcore_axis_name="s"),
        scratch_types=[
            pltpu.VMEM((CPW, 128), jnp.int32),
            pltpu.VMEM((CPW, 128), jnp.int32),
            pltpu.VMEM((CPW, 128), jnp.int32),
            pltpu.VMEM((CPW, 128), jnp.int32),
            pltpu.VMEM((APW, 128), jnp.int32),
            pltpu.VMEM((APW, 128), jnp.int32),
            pltpu.VMEM((2, 128, 128), f32),
            pltpu.VMEM((2, 128, 128), f32),
            pltpu.VMEM((BPW,), f32),
            pltpu.VMEM((BPW,), f32),
            pltpu.VMEM((GR, D), f32),
            pltpu.VMEM_SHARED((NS * BPW, D), f32),
            pltpu.SemaphoreType.DMA,
            pltpu.SemaphoreType.DMA,
            pltpu.SemaphoreType.DMA,
            pltpu.SemaphoreType.DMA,
            pltpu.SemaphoreType.DMA,
            pltpu.SemaphoreType.DMA,
        ],
        compiler_params=pltpu.CompilerParams(use_tc_tiling_on_sc=False),
    )


def kernel(u, i, item_attrs, P, Q, bu, bi, mu, attr_emb, W_fusion, b_fusion):
    ui = u.astype(jnp.int32)
    ii = i.astype(jnp.int32)
    u3 = (((ui >> 15) << 13) + (ui & (PACK_S - 1))).reshape(NW, CPW, 128)
    i3 = (((ii >> 15) << 13) + (ii & (PACK_S - 1))).reshape(NW, CPW, 128)
    u3o = ui.reshape(NW, CPW, 128)
    i3o = ii.reshape(NW, CPW, 128)
    ia3 = item_attrs.astype(jnp.int32).reshape(NW, APW, 128)
    sidx = jnp.asarray(_SIDX_ALL)

    f32 = jnp.float32
    P4 = _pack4(P.T)
    Q4 = _pack4(Q.T)
    uf4, if4, asum, buv, biv = _make_sc_call()(
        u3, i3, u3o, i3o, ia3, sidx, P4, Q4,
        bu.reshape(-1), bi.reshape(-1), attr_emb)

    TB = 2048
    combine = pl.pallas_call(
        _tc_body,
        grid=(B // TB,),
        in_specs=[
            pl.BlockSpec((TB, 128), lambda j: (j, 0)),
            pl.BlockSpec((TB, 128), lambda j: (j, 0)),
            pl.BlockSpec((TB,), lambda j: (j,)),
            pl.BlockSpec((TB,), lambda j: (j,)),
            pl.BlockSpec((TB, D), lambda j: (j, 0)),
            pl.BlockSpec((TB,), lambda j: (j,)),
            pl.BlockSpec((TB,), lambda j: (j,)),
            pl.BlockSpec((D, K), lambda j: (0, 0)),
            pl.BlockSpec((1, K), lambda j: (0, 0)),
            pl.BlockSpec((1, 1), lambda j: (0, 0)),
        ],
        out_specs=pl.BlockSpec((TB,), lambda j: (j,)),
        out_shape=jax.ShapeDtypeStruct((B,), f32),
    )
    return combine(uf4, if4, (ui >> 13) & 3, (ii >> 13) & 3, asum, buv, biv,
                   W_fusion.T.astype(f32), b_fusion.reshape(1, K),
                   mu.reshape(1, 1))

# --- scband reference (transcript-rebuilt; emitter-appended) ---
"""Pipeline reference for scband-svdattr-model-88587995447760 (READ-ONLY COPY).

The authoritative reference and input builder live on the scoring server;
editing this copy changes nothing except your own understanding.
"""

import jax, jax.numpy as jnp
import numpy as np

B = 16384
N_USERS = 1000000
N_ITEMS = 1000000
N_ATTRS = 100000
K = 32
ATTR_DIM = 16
HIST = 20


def setup_inputs(seed: int = 0) -> dict:
    key = jax.random.key(seed)
    ks = jax.random.split(key, 12)
    u = jax.random.randint(ks[0], (B,), 0, N_USERS, dtype=jnp.int64) if jax.config.jax_enable_x64 else jax.random.randint(ks[0], (B,), 0, N_USERS, dtype=jnp.int32)
    i = jax.random.randint(ks[1], (B,), 0, N_ITEMS, dtype=u.dtype)
    item_attrs = jax.random.randint(ks[2], (B, HIST), 0, N_ATTRS, dtype=u.dtype)
    P = 0.05 * jax.random.normal(ks[3], (N_USERS, K), dtype=jnp.float32)
    Q = 0.05 * jax.random.normal(ks[4], (N_ITEMS, K), dtype=jnp.float32)
    bu = 0.05 * jax.random.normal(ks[5], (N_USERS, 1), dtype=jnp.float32)
    bi = 0.05 * jax.random.normal(ks[6], (N_ITEMS, 1), dtype=jnp.float32)
    mu = jnp.zeros((1,), dtype=jnp.float32)
    attr_emb = 0.05 * jax.random.normal(ks[7], (N_ATTRS, ATTR_DIM), dtype=jnp.float32)
    W_fusion = 0.05 * jax.random.normal(ks[8], (K, ATTR_DIM), dtype=jnp.float32)
    b_fusion = jnp.zeros((K,), dtype=jnp.float32)
    return {
        'u': u, 'i': i, 'item_attrs': item_attrs,
        'P': P, 'Q': Q, 'bu': bu, 'bi': bi, 'mu': mu,
        'attr_emb': attr_emb, 'W_fusion': W_fusion, 'b_fusion': b_fusion,
    }


def reference(u, i, item_attrs, P, Q, bu, bi, mu, attr_emb, W_fusion, b_fusion):
    user_factors = jnp.take(P, u, axis=0)                 # [B, K]
    item_factors = jnp.take(Q, i, axis=0)                 # [B, K]
    attr_embeds = jnp.take(attr_emb, item_attrs, axis=0)  # [B, HIST, ATTR_DIM]
    avg_attr_embed = jnp.mean(attr_embeds, axis=1)        # [B, ATTR_DIM]
    attr_factors = avg_attr_embed @ W_fusion.T + b_fusion # [B, K]
    item_factors = item_factors + attr_factors
    dot_product = jnp.sum(user_factors * item_factors, axis=1)  # [B]
    prediction = dot_product + jnp.take(bu, u, axis=0).squeeze(-1) + jnp.take(bi, i, axis=0).squeeze(-1) + mu
    return prediction

if __name__ == "__main__":
    import jax
    _d = setup_inputs()
    print(jax.jit(kernel)(*tuple(_d.values())))

</pallas_src>

<mosaic_0001>
#map = affine_map<(d0, d1) -> (0, 0, 0)>
#map1 = affine_map<(d0, d1) -> (0, 0)>
#map2 = affine_map<(d0, d1) -> (0)>
module attributes {stable_mosaic.version = 14 : i64} {
  func.func @_sc_body(%arg0: i32, %arg1: i32, %arg2: memref<32x4x128xi32, #tpu.memory_space<hbm>>, %arg3: memref<32x4x128xi32, #tpu.memory_space<hbm>>, %arg4: memref<32x4x128xi32, #tpu.memory_space<hbm>>, %arg5: memref<32x4x128xi32, #tpu.memory_space<hbm>>, %arg6: memref<32x80x128xi32, #tpu.memory_space<hbm>>, %arg7: memref<32x80x128xi32, #tpu.memory_space<hbm>>, %arg8: memref<253952x128xf32, #tpu.memory_space<hbm>>, %arg9: memref<253952x128xf32, #tpu.memory_space<hbm>>, %arg10: memref<1000000xf32, #tpu.memory_space<hbm>>, %arg11: memref<1000000xf32, #tpu.memory_space<hbm>>, %arg12: memref<100000x16xf32, #tpu.memory_space<hbm>>, %arg13: memref<16384x128xf32, #tpu.memory_space<hbm>>, %arg14: memref<16384x128xf32, #tpu.memory_space<hbm>>, %arg15: memref<16384x16xf32, #tpu.memory_space<hbm>>, %arg16: memref<16384xf32, #tpu.memory_space<hbm>>, %arg17: memref<16384xf32, #tpu.memory_space<hbm>>, %arg18: memref<4x128xi32, #tpu.memory_space<vmem>>, %arg19: memref<4x128xi32, #tpu.memory_space<vmem>>, %arg20: memref<4x128xi32, #tpu.memory_space<vmem>>, %arg21: memref<4x128xi32, #tpu.memory_space<vmem>>, %arg22: memref<80x128xi32, #tpu.memory_space<vmem>>, %arg23: memref<80x128xi32, #tpu.memory_space<vmem>>, %arg24: memref<2x128x128xf32, #tpu.memory_space<vmem>>, %arg25: memref<2x128x128xf32, #tpu.memory_space<vmem>>, %arg26: memref<512xf32, #tpu.memory_space<vmem>>, %arg27: memref<512xf32, #tpu.memory_space<vmem>>, %arg28: memref<1280x16xf32, #tpu.memory_space<vmem>>, %arg29: memref<8192x16xf32, #tpu.memory_space<vmem_shared>>, %arg30: memref<!tpu.dma_semaphore, #tpu.memory_space<semaphore_mem>>, %arg31: memref<!tpu.dma_semaphore, #tpu.memory_space<semaphore_mem>>, %arg32: memref<!tpu.dma_semaphore, #tpu.memory_space<semaphore_mem>>, %arg33: memref<!tpu.dma_semaphore, #tpu.memory_space<semaphore_mem>>, %arg34: memref<!tpu.dma_semaphore, #tpu.memory_space<semaphore_mem>>, %arg35: memref<!tpu.dma_semaphore, #tpu.memory_space<semaphore_mem>>) attributes {dimension_semantics = [#tpu.dimension_semantics<core_parallel>, #tpu.dimension_semantics<subcore_parallel>], iteration_bounds = array<i64: 2, 16>, scalar_prefetch = 0 : i64, scratch_operands = 18 : i64, tpu.core_type = #tpu.core_type<sc_vector_subcore>, window_params = [{transform_indices = #map}, {transform_indices = #map}, {transform_indices = #map}, {transform_indices = #map}, {transform_indices = #map}, {transform_indices = #map}, {transform_indices = #map1}, {transform_indices = #map1}, {transform_indices = #map2}, {transform_indices = #map2}, {transform_indices = #map1}, {transform_indices = #map1}, {transform_indices = #map1}, {transform_indices = #map1}, {transform_indices = #map2}, {transform_indices = #map2}]} {
    %mul3A = arith.constant 2 : i32
    %mul3A_0 = arith.muli %arg1, %mul3A : i32
    %add3A = arith.addi %mul3A_0, %arg0 : i32
    "tpu.region"() ({
      %run_scoped3A = tpu.sem_alloc : memref<!tpu.dma_semaphore, #tpu.memory_space<semaphore_mem>>
      %dma_start3A_560 = arith.constant 0 : i32
      %dma_start3A_561 = arith.constant 0 : i32
      %dma_start3A_562 = tpu.memref_slice %arg2[%add3A, %dma_start3A_560, %dma_start3A_561] : memref<32x4x128xi32, #tpu.memory_space<hbm>> -> memref<1x4x128xi32, #tpu.memory_space<hbm>>
      %dma_start3A_563 = tpu.memref_squeeze %dma_start3A_562 : memref<1x4x128xi32, #tpu.memory_space<hbm>> -> memref<4x128xi32, #tpu.memory_space<hbm>>
      %dma_start3A_564 = arith.constant 0 : i32
      %dma_start3A_565 = arith.constant 0 : i32
      %dma_start3A_566 = tpu.memref_slice %arg2[%add3A, %dma_start3A_564, %dma_start3A_565] : memref<32x4x128xi32, #tpu.memory_space<hbm>> -> memref<1x4x128xi32, #tpu.memory_space<hbm>>
      %dma_start3A_567 = tpu.memref_squeeze %dma_start3A_566 : memref<1x4x128xi32, #tpu.memory_space<hbm>> -> memref<4x128xi32, #tpu.memory_space<hbm>>
      tpu.enqueue_dma source(%dma_start3A_567 : memref<4x128xi32, #tpu.memory_space<hbm>>) target(%arg18 : memref<4x128xi32, #tpu.memory_space<vmem>>) target_semaphore(%run_scoped3A : memref<!tpu.dma_semaphore, #tpu.memory_space<semaphore_mem>>)
      %dma_wait3A_568 = arith.constant 0 : i32
      %dma_wait3A_569 = arith.constant 0 : i32
      %dma_wait3A_570 = tpu.memref_slice %arg2[%add3A, %dma_wait3A_568, %dma_wait3A_569] : memref<32x4x128xi32, #tpu.memory_space<hbm>> -> memref<1x4x128xi32, #tpu.memory_space<hbm>>
      %dma_wait3A_571 = tpu.memref_squeeze %dma_wait3A_570 : memref<1x4x128xi32, #tpu.memory_space<hbm>> -> memref<4x128xi32, #tpu.memory_space<hbm>>
      %dma_wait3A_572 = arith.constant 0 : i32
      %dma_wait3A_573 = arith.constant 0 : i32
      %dma_wait3A_574 = tpu.memref_slice %arg2[%add3A, %dma_wait3A_572, %dma_wait3A_573] : memref<32x4x128xi32, #tpu.memory_space<hbm>> -> memref<1x4x128xi32, #tpu.memory_space<hbm>>
      %dma_wait3A_575 = tpu.memref_squeeze %dma_wait3A_574 : memref<1x4x128xi32, #tpu.memory_space<hbm>> -> memref<4x128xi32, #tpu.memory_space<hbm>>
      tpu.wait_dma2 semaphore(%run_scoped3A : memref<!tpu.dma_semaphore, #tpu.memory_space<semaphore_mem>>) src(%dma_wait3A_575 : memref<4x128xi32, #tpu.memory_space<hbm>>) dst(%arg18 : memref<4x128xi32, #tpu.memory_space<vmem>>)
      tpu.yield
    }) : () -> ()
    "tpu.region"() ({
      %run_scoped3A = tpu.sem_alloc : memref<!tpu.dma_semaphore, #tpu.memory_space<semaphore_mem>>
      %dma_start3A_560 = arith.constant 0 : i32
      %dma_start3A_561 = arith.constant 0 : i32
      %dma_start3A_562 = tpu.memref_slice %arg3[%add3A, %dma_start3A_560, %dma_start3A_561] : memref<32x4x128xi32, #tpu.memory_space<hbm>> -> memref<1x4x128xi32, #tpu.memory_space<hbm>>
      %dma_start3A_563 = tpu.memref_squeeze %dma_start3A_562 : memref<1x4x128xi32, #tpu.memory_space<hbm>> -> memref<4x128xi32, #tpu.memory_space<hbm>>
      %dma_start3A_564 = arith.constant 0 : i32
      %dma_start3A_565 = arith.constant 0 : i32
      %dma_start3A_566 = tpu.memref_slice %arg3[%add3A, %dma_start3A_564, %dma_start3A_565] : memref<32x4x128xi32, #tpu.memory_space<hbm>> -> memref<1x4x128xi32, #tpu.memory_space<hbm>>
      %dma_start3A_567 = tpu.memref_squeeze %dma_start3A_566 : memref<1x4x128xi32, #tpu.memory_space<hbm>> -> memref<4x128xi32, #tpu.memory_space<hbm>>
      tpu.enqueue_dma source(%dma_start3A_567 : memref<4x128xi32, #tpu.memory_space<hbm>>) target(%arg19 : memref<4x128xi32, #tpu.memory_space<vmem>>) target_semaphore(%run_scoped3A : memref<!tpu.dma_semaphore, #tpu.memory_space<semaphore_mem>>)
      %dma_wait3A_568 = arith.constant 0 : i32
      %dma_wait3A_569 = arith.constant 0 : i32
      %dma_wait3A_570 = tpu.memref_slice %arg3[%add3A, %dma_wait3A_568, %dma_wait3A_569] : memref<32x4x128xi32, #tpu.memory_space<hbm>> -> memref<1x4x128xi32, #tpu.memory_space<hbm>>
      %dma_wait3A_571 = tpu.memref_squeeze %dma_wait3A_570 : memref<1x4x128xi32, #tpu.memory_space<hbm>> -> memref<4x128xi32, #tpu.memory_space<hbm>>
      %dma_wait3A_572 = arith.constant 0 : i32
      %dma_wait3A_573 = arith.constant 0 : i32
      %dma_wait3A_574 = tpu.memref_slice %arg3[%add3A, %dma_wait3A_572, %dma_wait3A_573] : memref<32x4x128xi32, #tpu.memory_space<hbm>> -> memref<1x4x128xi32, #tpu.memory_space<hbm>>
      %dma_wait3A_575 = tpu.memref_squeeze %dma_wait3A_574 : memref<1x4x128xi32, #tpu.memory_space<hbm>> -> memref<4x128xi32, #tpu.memory_space<hbm>>
      tpu.wait_dma2 semaphore(%run_scoped3A : memref<!tpu.dma_semaphore, #tpu.memory_space<semaphore_mem>>) src(%dma_wait3A_575 : memref<4x128xi32, #tpu.memory_space<hbm>>) dst(%arg19 : memref<4x128xi32, #tpu.memory_space<vmem>>)
      tpu.yield
    }) : () -> ()
    "tpu.region"() ({
      %run_scoped3A = tpu.sem_alloc : memref<!tpu.dma_semaphore, #tpu.memory_space<semaphore_mem>>
      %dma_start3A_560 = arith.constant 0 : i32
      %dma_start3A_561 = arith.constant 0 : i32
      %dma_start3A_562 = tpu.memref_slice %arg4[%add3A, %dma_start3A_560, %dma_start3A_561] : memref<32x4x128xi32, #tpu.memory_space<hbm>> -> memref<1x4x128xi32, #tpu.memory_space<hbm>>
      %dma_start3A_563 = tpu.memref_squeeze %dma_start3A_562 : memref<1x4x128xi32, #tpu.memory_space<hbm>> -> memref<4x128xi32, #tpu.memory_space<hbm>>
      %dma_start3A_564 = arith.constant 0 : i32
      %dma_start3A_565 = arith.constant 0 : i32
      %dma_start3A_566 = tpu.memref_slice %arg4[%add3A, %dma_start3A_564, %dma_start3A_565] : memref<32x4x128xi32, #tpu.memory_space<hbm>> -> memref<1x4x128xi32, #tpu.memory_space<hbm>>
      %dma_start3A_567 = tpu.memref_squeeze %dma_start3A_566 : memref<1x4x128xi32, #tpu.memory_space<hbm>> -> memref<4x128xi32, #tpu.memory_space<hbm>>
      tpu.enqueue_dma source(%dma_start3A_567 : memref<4x128xi32, #tpu.memory_space<hbm>>) target(%arg20 : memref<4x128xi32, #tpu.memory_space<vmem>>) target_semaphore(%run_scoped3A : memref<!tpu.dma_semaphore, #tpu.memory_space<semaphore_mem>>)
      %dma_wait3A_568 = arith.constant 0 : i32
      %dma_wait3A_569 = arith.constant 0 : i32
      %dma_wait3A_570 = tpu.memref_slice %arg4[%add3A, %dma_wait3A_568, %dma_wait3A_569] : memref<32x4x128xi32, #tpu.memory_space<hbm>> -> memref<1x4x128xi32, #tpu.memory_space<hbm>>
      %dma_wait3A_571 = tpu.memref_squeeze %dma_wait3A_570 : memref<1x4x128xi32, #tpu.memory_space<hbm>> -> memref<4x128xi32, #tpu.memory_space<hbm>>
      %dma_wait3A_572 = arith.constant 0 : i32
      %dma_wait3A_573 = arith.constant 0 : i32
      %dma_wait3A_574 = tpu.memref_slice %arg4[%add3A, %dma_wait3A_572, %dma_wait3A_573] : memref<32x4x128xi32, #tpu.memory_space<hbm>> -> memref<1x4x128xi32, #tpu.memory_space<hbm>>
      %dma_wait3A_575 = tpu.memref_squeeze %dma_wait3A_574 : memref<1x4x128xi32, #tpu.memory_space<hbm>> -> memref<4x128xi32, #tpu.memory_space<hbm>>
      tpu.wait_dma2 semaphore(%run_scoped3A : memref<!tpu.dma_semaphore, #tpu.memory_space<semaphore_mem>>) src(%dma_wait3A_575 : memref<4x128xi32, #tpu.memory_space<hbm>>) dst(%arg20 : memref<4x128xi32, #tpu.memory_space<vmem>>)
      tpu.yield
    }) : () -> ()
    "tpu.region"() ({
      %run_scoped3A = tpu.sem_alloc : memref<!tpu.dma_semaphore, #tpu.memory_space<semaphore_mem>>
      %dma_start3A_560 = arith.constant 0 : i32
      %dma_start3A_561 = arith.constant 0 : i32
      %dma_start3A_562 = tpu.memref_slice %arg5[%add3A, %dma_start3A_560, %dma_start3A_561] : memref<32x4x128xi32, #tpu.memory_space<hbm>> -> memref<1x4x128xi32, #tpu.memory_space<hbm>>
      %dma_start3A_563 = tpu.memref_squeeze %dma_start3A_562 : memref<1x4x128xi32, #tpu.memory_space<hbm>> -> memref<4x128xi32, #tpu.memory_space<hbm>>
      %dma_start3A_564 = arith.constant 0 : i32
      %dma_start3A_565 = arith.constant 0 : i32
      %dma_start3A_566 = tpu.memref_slice %arg5[%add3A, %dma_start3A_564, %dma_start3A_565] : memref<32x4x128xi32, #tpu.memory_space<hbm>> -> memref<1x4x128xi32, #tpu.memory_space<hbm>>
      %dma_start3A_567 = tpu.memref_squeeze %dma_start3A_566 : memref<1x4x128xi32, #tpu.memory_space<hbm>> -> memref<4x128xi32, #tpu.memory_space<hbm>>
      tpu.enqueue_dma source(%dma_start3A_567 : memref<4x128xi32, #tpu.memory_space<hbm>>) target(%arg21 : memref<4x128xi32, #tpu.memory_space<vmem>>) target_semaphore(%run_scoped3A : memref<!tpu.dma_semaphore, #tpu.memory_space<semaphore_mem>>)
      %dma_wait3A_568 = arith.constant 0 : i32
      %dma_wait3A_569 = arith.constant 0 : i32
      %dma_wait3A_570 = tpu.memref_slice %arg5[%add3A, %dma_wait3A_568, %dma_wait3A_569] : memref<32x4x128xi32, #tpu.memory_space<hbm>> -> memref<1x4x128xi32, #tpu.memory_space<hbm>>
      %dma_wait3A_571 = tpu.memref_squeeze %dma_wait3A_570 : memref<1x4x128xi32, #tpu.memory_space<hbm>> -> memref<4x128xi32, #tpu.memory_space<hbm>>
      %dma_wait3A_572 = arith.constant 0 : i32
      %dma_wait3A_573 = arith.constant 0 : i32
      %dma_wait3A_574 = tpu.memref_slice %arg5[%add3A, %dma_wait3A_572, %dma_wait3A_573] : memref<32x4x128xi32, #tpu.memory_space<hbm>> -> memref<1x4x128xi32, #tpu.memory_space<hbm>>
      %dma_wait3A_575 = tpu.memref_squeeze %dma_wait3A_574 : memref<1x4x128xi32, #tpu.memory_space<hbm>> -> memref<4x128xi32, #tpu.memory_space<hbm>>
      tpu.wait_dma2 semaphore(%run_scoped3A : memref<!tpu.dma_semaphore, #tpu.memory_space<semaphore_mem>>) src(%dma_wait3A_575 : memref<4x128xi32, #tpu.memory_space<hbm>>) dst(%arg21 : memref<4x128xi32, #tpu.memory_space<vmem>>)
      tpu.yield
    }) : () -> ()
    "tpu.region"() ({
      %run_scoped3A = tpu.sem_alloc : memref<!tpu.dma_semaphore, #tpu.memory_space<semaphore_mem>>
      %dma_start3A_560 = arith.constant 0 : i32
      %dma_start3A_561 = arith.constant 0 : i32
      %dma_start3A_562 = tpu.memref_slice %arg6[%add3A, %dma_start3A_560, %dma_start3A_561] : memref<32x80x128xi32, #tpu.memory_space<hbm>> -> memref<1x80x128xi32, #tpu.memory_space<hbm>>
      %dma_start3A_563 = tpu.memref_squeeze %dma_start3A_562 : memref<1x80x128xi32, #tpu.memory_space<hbm>> -> memref<80x128xi32, #tpu.memory_space<hbm>>
      %dma_start3A_564 = arith.constant 0 : i32
      %dma_start3A_565 = arith.constant 0 : i32
      %dma_start3A_566 = tpu.memref_slice %arg6[%add3A, %dma_start3A_564, %dma_start3A_565] : memref<32x80x128xi32, #tpu.memory_space<hbm>> -> memref<1x80x128xi32, #tpu.memory_space<hbm>>
      %dma_start3A_567 = tpu.memref_squeeze %dma_start3A_566 : memref<1x80x128xi32, #tpu.memory_space<hbm>> -> memref<80x128xi32, #tpu.memory_space<hbm>>
      tpu.enqueue_dma source(%dma_start3A_567 : memref<80x128xi32, #tpu.memory_space<hbm>>) target(%arg22 : memref<80x128xi32, #tpu.memory_space<vmem>>) target_semaphore(%run_scoped3A : memref<!tpu.dma_semaphore, #tpu.memory_space<semaphore_mem>>)
      %dma_wait3A_568 = arith.constant 0 : i32
      %dma_wait3A_569 = arith.constant 0 : i32
      %dma_wait3A_570 = tpu.memref_slice %arg6[%add3A, %dma_wait3A_568, %dma_wait3A_569] : memref<32x80x128xi32, #tpu.memory_space<hbm>> -> memref<1x80x128xi32, #tpu.memory_space<hbm>>
      %dma_wait3A_571 = tpu.memref_squeeze %dma_wait3A_570 : memref<1x80x128xi32, #tpu.memory_space<hbm>> -> memref<80x128xi32, #tpu.memory_space<hbm>>
      %dma_wait3A_572 = arith.constant 0 : i32
      %dma_wait3A_573 = arith.constant 0 : i32
      %dma_wait3A_574 = tpu.memref_slice %arg6[%add3A, %dma_wait3A_572, %dma_wait3A_573] : memref<32x80x128xi32, #tpu.memory_space<hbm>> -> memref<1x80x128xi32, #tpu.memory_space<hbm>>
      %dma_wait3A_575 = tpu.memref_squeeze %dma_wait3A_574 : memref<1x80x128xi32, #tpu.memory_space<hbm>> -> memref<80x128xi32, #tpu.memory_space<hbm>>
      tpu.wait_dma2 semaphore(%run_scoped3A : memref<!tpu.dma_semaphore, #tpu.memory_space<semaphore_mem>>) src(%dma_wait3A_575 : memref<80x128xi32, #tpu.memory_space<hbm>>) dst(%arg22 : memref<80x128xi32, #tpu.memory_space<vmem>>)
      tpu.yield
    }) : () -> ()
    "tpu.region"() ({
      %run_scoped3A = tpu.sem_alloc : memref<!tpu.dma_semaphore, #tpu.memory_space<semaphore_mem>>
      %dma_start3A_560 = arith.constant 0 : i32
      %dma_start3A_561 = arith.constant 0 : i32
      %dma_start3A_562 = tpu.memref_slice %arg7[%add3A, %dma_start3A_560, %dma_start3A_561] : memref<32x80x128xi32, #tpu.memory_space<hbm>> -> memref<1x80x128xi32, #tpu.memory_space<hbm>>
      %dma_start3A_563 = tpu.memref_squeeze %dma_start3A_562 : memref<1x80x128xi32, #tpu.memory_space<hbm>> -> memref<80x128xi32, #tpu.memory_space<hbm>>
      %dma_start3A_564 = arith.constant 0 : i32
      %dma_start3A_565 = arith.constant 0 : i32
      %dma_start3A_566 = tpu.memref_slice %arg7[%add3A, %dma_start3A_564, %dma_start3A_565] : memref<32x80x128xi32, #tpu.memory_space<hbm>> -> memref<1x80x128xi32, #tpu.memory_space<hbm>>
      %dma_start3A_567 = tpu.memref_squeeze %dma_start3A_566 : memref<1x80x128xi32, #tpu.memory_space<hbm>> -> memref<80x128xi32, #tpu.memory_space<hbm>>
      tpu.enqueue_dma source(%dma_start3A_567 : memref<80x128xi32, #tpu.memory_space<hbm>>) target(%arg23 : memref<80x128xi32, #tpu.memory_space<vmem>>) target_semaphore(%run_scoped3A : memref<!tpu.dma_semaphore, #tpu.memory_space<semaphore_mem>>)
      %dma_wait3A_568 = arith.constant 0 : i32
      %dma_wait3A_569 = arith.constant 0 : i32
      %dma_wait3A_570 = tpu.memref_slice %arg7[%add3A, %dma_wait3A_568, %dma_wait3A_569] : memref<32x80x128xi32, #tpu.memory_space<hbm>> -> memref<1x80x128xi32, #tpu.memory_space<hbm>>
      %dma_wait3A_571 = tpu.memref_squeeze %dma_wait3A_570 : memref<1x80x128xi32, #tpu.memory_space<hbm>> -> memref<80x128xi32, #tpu.memory_space<hbm>>
      %dma_wait3A_572 = arith.constant 0 : i32
      %dma_wait3A_573 = arith.constant 0 : i32
      %dma_wait3A_574 = tpu.memref_slice %arg7[%add3A, %dma_wait3A_572, %dma_wait3A_573] : memref<32x80x128xi32, #tpu.memory_space<hbm>> -> memref<1x80x128xi32, #tpu.memory_space<hbm>>
      %dma_wait3A_575 = tpu.memref_squeeze %dma_wait3A_574 : memref<1x80x128xi32, #tpu.memory_space<hbm>> -> memref<80x128xi32, #tpu.memory_space<hbm>>
      tpu.wait_dma2 semaphore(%run_scoped3A : memref<!tpu.dma_semaphore, #tpu.memory_space<semaphore_mem>>) src(%dma_wait3A_575 : memref<80x128xi32, #tpu.memory_space<hbm>>) dst(%arg23 : memref<80x128xi32, #tpu.memory_space<vmem>>)
      tpu.yield
    }) : () -> ()
    %dma_start3A = arith.constant 0 : i32
    %dma_start3A_1 = arith.constant 0 : i32
    %dma_start3A_2 = tpu.memref_slice %arg26[%dma_start3A_1] : memref<512xf32, #tpu.memory_space<vmem>> -> memref<128xf32, #tpu.memory_space<vmem>>
    %dma_start3A_3 = arith.constant 0 : i32
    %dma_start3A_4 = tpu.memref_slice %arg20[%dma_start3A, %dma_start3A_3] : memref<4x128xi32, #tpu.memory_space<vmem>> -> memref<1x128xi32, #tpu.memory_space<vmem>>
    %dma_start3A_5 = tpu.memref_squeeze %dma_start3A_4 : memref<1x128xi32, #tpu.memory_space<vmem>> -> memref<128xi32, #tpu.memory_space<vmem>>
    %dma_start3A_6 = arith.constant 0 : i32
    %dma_start3A_7 = tpu.memref_slice %arg10[%dma_start3A_6] : memref<1000000xf32, #tpu.memory_space<hbm>> -> memref<1000000xf32, #tpu.memory_space<hbm>>
    tpu.enqueue_indirect_dma source(%dma_start3A_7 : memref<1000000xf32, #tpu.memory_space<hbm>>) target(%dma_start3A_2 : memref<128xf32, #tpu.memory_space<vmem>>) offsets(%dma_start3A_5 : memref<128xi32, #tpu.memory_space<vmem>>) semaphore(%arg30 : memref<!tpu.dma_semaphore, #tpu.memory_space<semaphore_mem>>)
    %dma_start3A_8 = arith.constant 0 : i32
    %dma_start3A_9 = arith.constant 0 : i32
    %dma_start3A_10 = tpu.memref_slice %arg27[%dma_start3A_9] : memref<512xf32, #tpu.memory_space<vmem>> -> memref<128xf32, #tpu.memory_space<vmem>>
    %dma_start3A_11 = arith.constant 0 : i32
    %dma_start3A_12 = tpu.memref_slice %arg21[%dma_start3A_8, %dma_start3A_11] : memref<4x128xi32, #tpu.memory_space<vmem>> -> memref<1x128xi32, #tpu.memory_space<vmem>>
    %dma_start3A_13 = tpu.memref_squeeze %dma_start3A_12 : memref<1x128xi32, #tpu.memory_space<vmem>> -> memref<128xi32, #tpu.memory_space<vmem>>
    %dma_start3A_14 = arith.constant 0 : i32
    %dma_start3A_15 = tpu.memref_slice %arg11[%dma_start3A_14] : memref<1000000xf32, #tpu.memory_space<hbm>> -> memref<1000000xf32, #tpu.memory_space<hbm>>
    tpu.enqueue_indirect_dma source(%dma_start3A_15 : memref<1000000xf32, #tpu.memory_space<hbm>>) target(%dma_start3A_10 : memref<128xf32, #tpu.memory_space<vmem>>) offsets(%dma_start3A_13 : memref<128xi32, #tpu.memory_space<vmem>>) semaphore(%arg30 : memref<!tpu.dma_semaphore, #tpu.memory_space<semaphore_mem>>)
    %dma_start3A_16 = arith.constant 1 : i32
    %dma_start3A_17 = arith.constant 128 : i32
    %dma_start3A_18 = tpu.memref_slice %arg26[%dma_start3A_17] : memref<512xf32, #tpu.memory_space<vmem>> -> memref<128xf32, #tpu.memory_space<vmem>>
    %dma_start3A_19 = arith.constant 0 : i32
    %dma_start3A_20 = tpu.memref_slice %arg20[%dma_start3A_16, %dma_start3A_19] : memref<4x128xi32, #tpu.memory_space<vmem>> -> memref<1x128xi32, #tpu.memory_space<vmem>>
    %dma_start3A_21 = tpu.memref_squeeze %dma_start3A_20 : memref<1x128xi32, #tpu.memory_space<vmem>> -> memref<128xi32, #tpu.memory_space<vmem>>
    %dma_start3A_22 = arith.constant 0 : i32
    %dma_start3A_23 = tpu.memref_slice %arg10[%dma_start3A_22] : memref<1000000xf32, #tpu.memory_space<hbm>> -> memref<1000000xf32, #tpu.memory_space<hbm>>
    tpu.enqueue_indirect_dma source(%dma_start3A_23 : memref<1000000xf32, #tpu.memory_space<hbm>>) target(%dma_start3A_18 : memref<128xf32, #tpu.memory_space<vmem>>) offsets(%dma_start3A_21 : memref<128xi32, #tpu.memory_space<vmem>>) semaphore(%arg30 : memref<!tpu.dma_semaphore, #tpu.memory_space<semaphore_mem>>)
    %dma_start3A_24 = arith.constant 1 : i32
    %dma_start3A_25 = arith.constant 128 : i32
    %dma_start3A_26 = tpu.memref_slice %arg27[%dma_start3A_25] : memref<512xf32, #tpu.memory_space<vmem>> -> memref<128xf32, #tpu.memory_space<vmem>>
    %dma_start3A_27 = arith.constant 0 : i32
    %dma_start3A_28 = tpu.memref_slice %arg21[%dma_start3A_24, %dma_start3A_27] : memref<4x128xi32, #tpu.memory_space<vmem>> -> memref<1x128xi32, #tpu.memory_space<vmem>>
    %dma_start3A_29 = tpu.memref_squeeze %dma_start3A_28 : memref<1x128xi32, #tpu.memory_space<vmem>> -> memref<128xi32, #tpu.memory_space<vmem>>
    %dma_start3A_30 = arith.constant 0 : i32
    %dma_start3A_31 = tpu.memref_slice %arg11[%dma_start3A_30] : memref<1000000xf32, #tpu.memory_space<hbm>> -> memref<1000000xf32, #tpu.memory_space<hbm>>
    tpu.enqueue_indirect_dma source(%dma_start3A_31 : memref<1000000xf32, #tpu.memory_space<hbm>>) target(%dma_start3A_26 : memref<128xf32, #tpu.memory_space<vmem>>) offsets(%dma_start3A_29 : memref<128xi32, #tpu.memory_space<vmem>>) semaphore(%arg30 : memref<!tpu.dma_semaphore, #tpu.memory_space<semaphore_mem>>)
    %dma_start3A_32 = arith.constant 2 : i32
    %dma_start3A_33 = arith.constant 256 : i32
    %dma_start3A_34 = tpu.memref_slice %arg26[%dma_start3A_33] : memref<512xf32, #tpu.memory_space<vmem>> -> memref<128xf32, #tpu.memory_space<vmem>>
    %dma_start3A_35 = arith.constant 0 : i32
    %dma_start3A_36 = tpu.memref_slice %arg20[%dma_start3A_32, %dma_start3A_35] : memref<4x128xi32, #tpu.memory_space<vmem>> -> memref<1x128xi32, #tpu.memory_space<vmem>>
    %dma_start3A_37 = tpu.memref_squeeze %dma_start3A_36 : memref<1x128xi32, #tpu.memory_space<vmem>> -> memref<128xi32, #tpu.memory_space<vmem>>
    %dma_start3A_38 = arith.constant 0 : i32
    %dma_start3A_39 = tpu.memref_slice %arg10[%dma_start3A_38] : memref<1000000xf32, #tpu.memory_space<hbm>> -> memref<1000000xf32, #tpu.memory_space<hbm>>
    tpu.enqueue_indirect_dma source(%dma_start3A_39 : memref<1000000xf32, #tpu.memory_space<hbm>>) target(%dma_start3A_34 : memref<128xf32, #tpu.memory_space<vmem>>) offsets(%dma_start3A_37 : memref<128xi32, #tpu.memory_space<vmem>>) semaphore(%arg30 : memref<!tpu.dma_semaphore, #tpu.memory_space<semaphore_mem>>)
    %dma_start3A_40 = arith.constant 2 : i32
    %dma_start3A_41 = arith.constant 256 : i32
    %dma_start3A_42 = tpu.memref_slice %arg27[%dma_start3A_41] : memref<512xf32, #tpu.memory_space<vmem>> -> memref<128xf32, #tpu.memory_space<vmem>>
    %dma_start3A_43 = arith.constant 0 : i32
    %dma_start3A_44 = tpu.memref_slice %arg21[%dma_start3A_40, %dma_start3A_43] : memref<4x128xi32, #tpu.memory_space<vmem>> -> memref<1x128xi32, #tpu.memory_space<vmem>>
    %dma_start3A_45 = tpu.memref_squeeze %dma_start3A_44 : memref<1x128xi32, #tpu.memory_space<vmem>> -> memref<128xi32, #tpu.memory_space<vmem>>
    %dma_start3A_46 = arith.constant 0 : i32
    %dma_start3A_47 = tpu.memref_slice %arg11[%dma_start3A_46] : memref<1000000xf32, #tpu.memory_space<hbm>> -> memref<1000000xf32, #tpu.memory_space<hbm>>
    tpu.enqueue_indirect_dma source(%dma_start3A_47 : memref<1000000xf32, #tpu.memory_space<hbm>>) target(%dma_start3A_42 : memref<128xf32, #tpu.memory_space<vmem>>) offsets(%dma_start3A_45 : memref<128xi32, #tpu.memory_space<vmem>>) semaphore(%arg30 : memref<!tpu.dma_semaphore, #tpu.memory_space<semaphore_mem>>)
    %dma_start3A_48 = arith.constant 3 : i32
    %dma_start3A_49 = arith.constant 384 : i32
    %dma_start3A_50 = tpu.memref_slice %arg26[%dma_start3A_49] : memref<512xf32, #tpu.memory_space<vmem>> -> memref<128xf32, #tpu.memory_space<vmem>>
    %dma_start3A_51 = arith.constant 0 : i32
    %dma_start3A_52 = tpu.memref_slice %arg20[%dma_start3A_48, %dma_start3A_51] : memref<4x128xi32, #tpu.memory_space<vmem>> -> memref<1x128xi32, #tpu.memory_space<vmem>>
    %dma_start3A_53 = tpu.memref_squeeze %dma_start3A_52 : memref<1x128xi32, #tpu.memory_space<vmem>> -> memref<128xi32, #tpu.memory_space<vmem>>
    %dma_start3A_54 = arith.constant 0 : i32
    %dma_start3A_55 = tpu.memref_slice %arg10[%dma_start3A_54] : memref<1000000xf32, #tpu.memory_space<hbm>> -> memref<1000000xf32, #tpu.memory_space<hbm>>
    tpu.enqueue_indirect_dma source(%dma_start3A_55 : memref<1000000xf32, #tpu.memory_space<hbm>>) target(%dma_start3A_50 : memref<128xf32, #tpu.memory_space<vmem>>) offsets(%dma_start3A_53 : memref<128xi32, #tpu.memory_space<vmem>>) semaphore(%arg30 : memref<!tpu.dma_semaphore, #tpu.memory_space<semaphore_mem>>)
    %dma_start3A_56 = arith.constant 3 : i32
    %dma_start3A_57 = arith.constant 384 : i32
    %dma_start3A_58 = tpu.memref_slice %arg27[%dma_start3A_57] : memref<512xf32, #tpu.memory_space<vmem>> -> memref<128xf32, #tpu.memory_space<vmem>>
    %dma_start3A_59 = arith.constant 0 : i32
    %dma_start3A_60 = tpu.memref_slice %arg21[%dma_start3A_56, %dma_start3A_59] : memref<4x128xi32, #tpu.memory_space<vmem>> -> memref<1x128xi32, #tpu.memory_space<vmem>>
    %dma_start3A_61 = tpu.memref_squeeze %dma_start3A_60 : memref<1x128xi32, #tpu.memory_space<vmem>> -> memref<128xi32, #tpu.memory_space<vmem>>
    %dma_start3A_62 = arith.constant 0 : i32
    %dma_start3A_63 = tpu.memref_slice %arg11[%dma_start3A_62] : memref<1000000xf32, #tpu.memory_space<hbm>> -> memref<1000000xf32, #tpu.memory_space<hbm>>
    tpu.enqueue_indirect_dma source(%dma_start3A_63 : memref<1000000xf32, #tpu.memory_space<hbm>>) target(%dma_start3A_58 : memref<128xf32, #tpu.memory_space<vmem>>) offsets(%dma_start3A_61 : memref<128xi32, #tpu.memory_space<vmem>>) semaphore(%arg30 : memref<!tpu.dma_semaphore, #tpu.memory_space<semaphore_mem>>)
    %dma_start3A_64 = arith.constant 0 : i32
    %dma_start3A_65 = arith.constant 0 : i32
    %dma_start3A_66 = arith.constant 0 : i32
    %dma_start3A_67 = arith.constant 0 : i32
    %dma_start3A_68 = tpu.memref_slice %arg24[%dma_start3A_65, %dma_start3A_66, %dma_start3A_67] : memref<2x128x128xf32, #tpu.memory_space<vmem>> -> memref<1x128x128xf32, #tpu.memory_space<vmem>>
    %dma_start3A_69 = tpu.memref_squeeze %dma_start3A_68 : memref<1x128x128xf32, #tpu.memory_space<vmem>> -> memref<128x128xf32, #tpu.memory_space<vmem>>
    %dma_start3A_70 = arith.constant 0 : i32
    %dma_start3A_71 = tpu.memref_slice %arg18[%dma_start3A_64, %dma_start3A_70] : memref<4x128xi32, #tpu.memory_space<vmem>> -> memref<1x128xi32, #tpu.memory_space<vmem>>
    %dma_start3A_72 = tpu.memref_squeeze %dma_start3A_71 : memref<1x128xi32, #tpu.memory_space<vmem>> -> memref<128xi32, #tpu.memory_space<vmem>>
    %dma_start3A_73 = arith.constant 0 : i32
    %dma_start3A_74 = arith.constant 0 : i32
    %dma_start3A_75 = tpu.memref_slice %arg8[%dma_start3A_73, %dma_start3A_74] : memref<253952x128xf32, #tpu.memory_space<hbm>> -> memref<253952x128xf32, #tpu.memory_space<hbm>>
    tpu.enqueue_indirect_dma source(%dma_start3A_75 : memref<253952x128xf32, #tpu.memory_space<hbm>>) target(%dma_start3A_69 : memref<128x128xf32, #tpu.memory_space<vmem>>) offsets(%dma_start3A_72 : memref<128xi32, #tpu.memory_space<vmem>>) semaphore(%arg32 : memref<!tpu.dma_semaphore, #tpu.memory_space<semaphore_mem>>)
    %dma_start3A_76 = arith.constant 0 : i32
    %dma_start3A_77 = arith.constant 0 : i32
    %dma_start3A_78 = arith.constant 0 : i32
    %dma_start3A_79 = arith.constant 0 : i32
    %dma_start3A_80 = tpu.memref_slice %arg25[%dma_start3A_77, %dma_start3A_78, %dma_start3A_79] : memref<2x128x128xf32, #tpu.memory_space<vmem>> -> memref<1x128x128xf32, #tpu.memory_space<vmem>>
    %dma_start3A_81 = tpu.memref_squeeze %dma_start3A_80 : memref<1x128x128xf32, #tpu.memory_space<vmem>> -> memref<128x128xf32, #tpu.memory_space<vmem>>
    %dma_start3A_82 = arith.constant 0 : i32
    %dma_start3A_83 = tpu.memref_slice %arg19[%dma_start3A_76, %dma_start3A_82] : memref<4x128xi32, #tpu.memory_space<vmem>> -> memref<1x128xi32, #tpu.memory_space<vmem>>
    %dma_start3A_84 = tpu.memref_squeeze %dma_start3A_83 : memref<1x128xi32, #tpu.memory_space<vmem>> -> memref<128xi32, #tpu.memory_space<vmem>>
    %dma_start3A_85 = arith.constant 0 : i32
    %dma_start3A_86 = arith.constant 0 : i32
    %dma_start3A_87 = tpu.memref_slice %arg9[%dma_start3A_85, %dma_start3A_86] : memref<253952x128xf32, #tpu.memory_space<hbm>> -> memref<253952x128xf32, #tpu.memory_space<hbm>>
    tpu.enqueue_indirect_dma source(%dma_start3A_87 : memref<253952x128xf32, #tpu.memory_space<hbm>>) target(%dma_start3A_81 : memref<128x128xf32, #tpu.memory_space<vmem>>) offsets(%dma_start3A_84 : memref<128xi32, #tpu.memory_space<vmem>>) semaphore(%arg32 : memref<!tpu.dma_semaphore, #tpu.memory_space<semaphore_mem>>)
    %dma_start3A_88 = arith.constant 1 : i32
    %dma_start3A_89 = arith.constant 1 : i32
    %dma_start3A_90 = arith.constant 0 : i32
    %dma_start3A_91 = arith.constant 0 : i32
    %dma_start3A_92 = tpu.memref_slice %arg24[%dma_start3A_89, %dma_start3A_90, %dma_start3A_91] : memref<2x128x128xf32, #tpu.memory_space<vmem>> -> memref<1x128x128xf32, #tpu.memory_space<vmem>>
    %dma_start3A_93 = tpu.memref_squeeze %dma_start3A_92 : memref<1x128x128xf32, #tpu.memory_space<vmem>> -> memref<128x128xf32, #tpu.memory_space<vmem>>
    %dma_start3A_94 = arith.constant 0 : i32
    %dma_start3A_95 = tpu.memref_slice %arg18[%dma_start3A_88, %dma_start3A_94] : memref<4x128xi32, #tpu.memory_space<vmem>> -> memref<1x128xi32, #tpu.memory_space<vmem>>
    %dma_start3A_96 = tpu.memref_squeeze %dma_start3A_95 : memref<1x128xi32, #tpu.memory_space<vmem>> -> memref<128xi32, #tpu.memory_space<vmem>>
    %dma_start3A_97 = arith.constant 0 : i32
    %dma_start3A_98 = arith.constant 0 : i32
    %dma_start3A_99 = tpu.memref_slice %arg8[%dma_start3A_97, %dma_start3A_98] : memref<253952x128xf32, #tpu.memory_space<hbm>> -> memref<253952x128xf32, #tpu.memory_space<hbm>>
    tpu.enqueue_indirect_dma source(%dma_start3A_99 : memref<253952x128xf32, #tpu.memory_space<hbm>>) target(%dma_start3A_93 : memref<128x128xf32, #tpu.memory_space<vmem>>) offsets(%dma_start3A_96 : memref<128xi32, #tpu.memory_space<vmem>>) semaphore(%arg33 : memref<!tpu.dma_semaphore, #tpu.memory_space<semaphore_mem>>)
    %dma_start3A_100 = arith.constant 1 : i32
    %dma_start3A_101 = arith.constant 1 : i32
    %dma_start3A_102 = arith.constant 0 : i32
    %dma_start3A_103 = arith.constant 0 : i32
    %dma_start3A_104 = tpu.memref_slice %arg25[%dma_start3A_101, %dma_start3A_102, %dma_start3A_103] : memref<2x128x128xf32, #tpu.memory_space<vmem>> -> memref<1x128x128xf32, #tpu.memory_space<vmem>>
    %dma_start3A_105 = tpu.memref_squeeze %dma_start3A_104 : memref<1x128x128xf32, #tpu.memory_space<vmem>> -> memref<128x128xf32, #tpu.memory_space<vmem>>
    %dma_start3A_106 = arith.constant 0 : i32
    %dma_start3A_107 = tpu.memref_slice %arg19[%dma_start3A_100, %dma_start3A_106] : memref<4x128xi32, #tpu.memory_space<vmem>> -> memref<1x128xi32, #tpu.memory_space<vmem>>
    %dma_start3A_108 = tpu.memref_squeeze %dma_start3A_107 : memref<1x128xi32, #tpu.memory_space<vmem>> -> memref<128xi32, #tpu.memory_space<vmem>>
    %dma_start3A_109 = arith.constant 0 : i32
    %dma_start3A_110 = arith.constant 0 : i32
    %dma_start3A_111 = tpu.memref_slice %arg9[%dma_start3A_109, %dma_start3A_110] : memref<253952x128xf32, #tpu.memory_space<hbm>> -> memref<253952x128xf32, #tpu.memory_space<hbm>>
    tpu.enqueue_indirect_dma source(%dma_start3A_111 : memref<253952x128xf32, #tpu.memory_space<hbm>>) target(%dma_start3A_105 : memref<128x128xf32, #tpu.memory_space<vmem>>) offsets(%dma_start3A_108 : memref<128xi32, #tpu.memory_space<vmem>>) semaphore(%arg33 : memref<!tpu.dma_semaphore, #tpu.memory_space<semaphore_mem>>)
    %dma_wait3A = arith.constant 0 : i32
    %dma_wait3A_112 = arith.constant 0 : i32
    %dma_wait3A_113 = arith.constant 0 : i32
    %dma_wait3A_114 = arith.constant 0 : i32
    %dma_wait3A_115 = tpu.memref_slice %arg24[%dma_wait3A_112, %dma_wait3A_113, %dma_wait3A_114] : memref<2x128x128xf32, #tpu.memory_space<vmem>> -> memref<1x128x128xf32, #tpu.memory_space<vmem>>
    %dma_wait3A_116 = tpu.memref_squeeze %dma_wait3A_115 : memref<1x128x128xf32, #tpu.memory_space<vmem>> -> memref<128x128xf32, #tpu.memory_space<vmem>>
    %dma_wait3A_117 = arith.constant 0 : i32
    %dma_wait3A_118 = tpu.memref_slice %arg18[%dma_wait3A, %dma_wait3A_117] : memref<4x128xi32, #tpu.memory_space<vmem>> -> memref<1x128xi32, #tpu.memory_space<vmem>>
    %dma_wait3A_119 = tpu.memref_squeeze %dma_wait3A_118 : memref<1x128xi32, #tpu.memory_space<vmem>> -> memref<128xi32, #tpu.memory_space<vmem>>
    %dma_wait3A_120 = arith.constant 0 : i32
    %dma_wait3A_121 = arith.constant 0 : i32
    %dma_wait3A_122 = tpu.memref_slice %arg8[%dma_wait3A_120, %dma_wait3A_121] : memref<253952x128xf32, #tpu.memory_space<hbm>> -> memref<253952x128xf32, #tpu.memory_space<hbm>>
    tpu.wait_indirect_dma semaphore(%arg32 : memref<!tpu.dma_semaphore, #tpu.memory_space<semaphore_mem>>) src(%dma_wait3A_122 : memref<253952x128xf32, #tpu.memory_space<hbm>>) dst(%dma_wait3A_116 : memref<128x128xf32, #tpu.memory_space<vmem>>)
    %dma_wait3A_123 = arith.constant 0 : i32
    %dma_wait3A_124 = arith.constant 0 : i32
    %dma_wait3A_125 = arith.constant 0 : i32
    %dma_wait3A_126 = arith.constant 0 : i32
    %dma_wait3A_127 = tpu.memref_slice %arg25[%dma_wait3A_124, %dma_wait3A_125, %dma_wait3A_126] : memref<2x128x128xf32, #tpu.memory_space<vmem>> -> memref<1x128x128xf32, #tpu.memory_space<vmem>>
    %dma_wait3A_128 = tpu.memref_squeeze %dma_wait3A_127 : memref<1x128x128xf32, #tpu.memory_space<vmem>> -> memref<128x128xf32, #tpu.memory_space<vmem>>
    %dma_wait3A_129 = arith.constant 0 : i32
    %dma_wait3A_130 = tpu.memref_slice %arg19[%dma_wait3A_123, %dma_wait3A_129] : memref<4x128xi32, #tpu.memory_space<vmem>> -> memref<1x128xi32, #tpu.memory_space<vmem>>
    %dma_wait3A_131 = tpu.memref_squeeze %dma_wait3A_130 : memref<1x128xi32, #tpu.memory_space<vmem>> -> memref<128xi32, #tpu.memory_space<vmem>>
    %dma_wait3A_132 = arith.constant 0 : i32
    %dma_wait3A_133 = arith.constant 0 : i32
    %dma_wait3A_134 = tpu.memref_slice %arg9[%dma_wait3A_132, %dma_wait3A_133] : memref<253952x128xf32, #tpu.memory_space<hbm>> -> memref<253952x128xf32, #tpu.memory_space<hbm>>
    tpu.wait_indirect_dma semaphore(%arg32 : memref<!tpu.dma_semaphore, #tpu.memory_space<semaphore_mem>>) src(%dma_wait3A_134 : memref<253952x128xf32, #tpu.memory_space<hbm>>) dst(%dma_wait3A_128 : memref<128x128xf32, #tpu.memory_space<vmem>>)
    %mul3A_135 = arith.constant 512 : i32
    %mul3A_136 = arith.muli %add3A, %mul3A_135 : i32
    %add3A_137 = arith.constant 0 : i32
    %add3A_138 = arith.addi %mul3A_136, %add3A_137 : i32
    %dma_start3A_139 = arith.constant 0 : i32
    %dma_start3A_140 = arith.constant 0 : i32
    %dma_start3A_141 = arith.constant 0 : i32
    %dma_start3A_142 = tpu.memref_slice %arg24[%dma_start3A_139, %dma_start3A_140, %dma_start3A_141] : memref<2x128x128xf32, #tpu.memory_space<vmem>> -> memref<1x128x128xf32, #tpu.memory_space<vmem>>
    %dma_start3A_143 = tpu.memref_squeeze %dma_start3A_142 : memref<1x128x128xf32, #tpu.memory_space<vmem>> -> memref<128x128xf32, #tpu.memory_space<vmem>>
    %dma_start3A_144 = arith.constant 0 : i32
    %dma_start3A_145 = tpu.memref_slice %arg13[%add3A_138, %dma_start3A_144] : memref<16384x128xf32, #tpu.memory_space<hbm>> -> memref<128x128xf32, #tpu.memory_space<hbm>>
    %dma_start3A_146 = arith.constant 0 : i32
    %dma_start3A_147 = tpu.memref_slice %arg13[%add3A_138, %dma_start3A_146] : memref<16384x128xf32, #tpu.memory_space<hbm>> -> memref<128x128xf32, #tpu.memory_space<hbm>>
    %dma_start3A_148 = arith.constant 0 : i32
    %dma_start3A_149 = arith.constant 0 : i32
    %dma_start3A_150 = tpu.memref_slice %arg24[%dma_start3A_139, %dma_start3A_148, %dma_start3A_149] : memref<2x128x128xf32, #tpu.memory_space<vmem>> -> memref<1x128x128xf32, #tpu.memory_space<vmem>>
    %dma_start3A_151 = tpu.memref_squeeze %dma_start3A_150 : memref<1x128x128xf32, #tpu.memory_space<vmem>> -> memref<128x128xf32, #tpu.memory_space<vmem>>
    tpu.enqueue_dma source(%dma_start3A_151 : memref<128x128xf32, #tpu.memory_space<vmem>>) target(%dma_start3A_147 : memref<128x128xf32, #tpu.memory_space<hbm>>) target_semaphore(%arg34 : memref<!tpu.dma_semaphore, #tpu.memory_space<semaphore_mem>>)
    %dma_start3A_152 = arith.constant 0 : i32
    %dma_start3A_153 = arith.constant 0 : i32
    %dma_start3A_154 = arith.constant 0 : i32
    %dma_start3A_155 = tpu.memref_slice %arg25[%dma_start3A_152, %dma_start3A_153, %dma_start3A_154] : memref<2x128x128xf32, #tpu.memory_space<vmem>> -> memref<1x128x128xf32, #tpu.memory_space<vmem>>
    %dma_start3A_156 = tpu.memref_squeeze %dma_start3A_155 : memref<1x128x128xf32, #tpu.memory_space<vmem>> -> memref<128x128xf32, #tpu.memory_space<vmem>>
    %dma_start3A_157 = arith.constant 0 : i32
    %dma_start3A_158 = tpu.memref_slice %arg14[%add3A_138, %dma_start3A_157] : memref<16384x128xf32, #tpu.memory_space<hbm>> -> memref<128x128xf32, #tpu.memory_space<hbm>>
    %dma_start3A_159 = arith.constant 0 : i32
    %dma_start3A_160 = tpu.memref_slice %arg14[%add3A_138, %dma_start3A_159] : memref<16384x128xf32, #tpu.memory_space<hbm>> -> memref<128x128xf32, #tpu.memory_space<hbm>>
    %dma_start3A_161 = arith.constant 0 : i32
    %dma_start3A_162 = arith.constant 0 : i32
    %dma_start3A_163 = tpu.memref_slice %arg25[%dma_start3A_152, %dma_start3A_161, %dma_start3A_162] : memref<2x128x128xf32, #tpu.memory_space<vmem>> -> memref<1x128x128xf32, #tpu.memory_space<vmem>>
    %dma_start3A_164 = tpu.memref_squeeze %dma_start3A_163 : memref<1x128x128xf32, #tpu.memory_space<vmem>> -> memref<128x128xf32, #tpu.memory_space<vmem>>
    tpu.enqueue_dma source(%dma_start3A_164 : memref<128x128xf32, #tpu.memory_space<vmem>>) target(%dma_start3A_160 : memref<128x128xf32, #tpu.memory_space<hbm>>) target_semaphore(%arg34 : memref<!tpu.dma_semaphore, #tpu.memory_space<semaphore_mem>>)
    %dma_wait3A_165 = arith.constant 0 : i32
    %dma_wait3A_166 = arith.constant 0 : i32
    %dma_wait3A_167 = arith.constant 0 : i32
    %dma_wait3A_168 = tpu.memref_slice %arg24[%dma_wait3A_165, %dma_wait3A_166, %dma_wait3A_167] : memref<2x128x128xf32, #tpu.memory_space<vmem>> -> memref<1x128x128xf32, #tpu.memory_space<vmem>>
    %dma_wait3A_169 = tpu.memref_squeeze %dma_wait3A_168 : memref<1x128x128xf32, #tpu.memory_space<vmem>> -> memref<128x128xf32, #tpu.memory_space<vmem>>
    %dma_wait3A_170 = arith.constant 0 : i32
    %dma_wait3A_171 = tpu.memref_slice %arg13[%add3A_138, %dma_wait3A_170] : memref<16384x128xf32, #tpu.memory_space<hbm>> -> memref<128x128xf32, #tpu.memory_space<hbm>>
    %dma_wait3A_172 = arith.constant 0 : i32
    %dma_wait3A_173 = tpu.memref_slice %arg13[%add3A_138, %dma_wait3A_172] : memref<16384x128xf32, #tpu.memory_space<hbm>> -> memref<128x128xf32, #tpu.memory_space<hbm>>
    %dma_wait3A_174 = arith.constant 0 : i32
    %dma_wait3A_175 = arith.constant 0 : i32
    %dma_wait3A_176 = tpu.memref_slice %arg24[%dma_wait3A_165, %dma_wait3A_174, %dma_wait3A_175] : memref<2x128x128xf32, #tpu.memory_space<vmem>> -> memref<1x128x128xf32, #tpu.memory_space<vmem>>
    %dma_wait3A_177 = tpu.memref_squeeze %dma_wait3A_176 : memref<1x128x128xf32, #tpu.memory_space<vmem>> -> memref<128x128xf32, #tpu.memory_space<vmem>>
    tpu.wait_dma2 semaphore(%arg34 : memref<!tpu.dma_semaphore, #tpu.memory_space<semaphore_mem>>) src(%dma_wait3A_177 : memref<128x128xf32, #tpu.memory_space<vmem>>) dst(%dma_wait3A_173 : memref<128x128xf32, #tpu.memory_space<hbm>>)
    %dma_wait3A_178 = arith.constant 0 : i32
    %dma_wait3A_179 = arith.constant 0 : i32
    %dma_wait3A_180 = arith.constant 0 : i32
    %dma_wait3A_181 = tpu.memref_slice %arg25[%dma_wait3A_178, %dma_wait3A_179, %dma_wait3A_180] : memref<2x128x128xf32, #tpu.memory_space<vmem>> -> memref<1x128x128xf32, #tpu.memory_space<vmem>>
    %dma_wait3A_182 = tpu.memref_squeeze %dma_wait3A_181 : memref<1x128x128xf32, #tpu.memory_space<vmem>> -> memref<128x128xf32, #tpu.memory_space<vmem>>
    %dma_wait3A_183 = arith.constant 0 : i32
    %dma_wait3A_184 = tpu.memref_slice %arg14[%add3A_138, %dma_wait3A_183] : memref<16384x128xf32, #tpu.memory_space<hbm>> -> memref<128x128xf32, #tpu.memory_space<hbm>>
    %dma_wait3A_185 = arith.constant 0 : i32
    %dma_wait3A_186 = tpu.memref_slice %arg14[%add3A_138, %dma_wait3A_185] : memref<16384x128xf32, #tpu.memory_space<hbm>> -> memref<128x128xf32, #tpu.memory_space<hbm>>
    %dma_wait3A_187 = arith.constant 0 : i32
    %dma_wait3A_188 = arith.constant 0 : i32
    %dma_wait3A_189 = tpu.memref_slice %arg25[%dma_wait3A_178, %dma_wait3A_187, %dma_wait3A_188] : memref<2x128x128xf32, #tpu.memory_space<vmem>> -> memref<1x128x128xf32, #tpu.memory_space<vmem>>
    %dma_wait3A_190 = tpu.memref_squeeze %dma_wait3A_189 : memref<1x128x128xf32, #tpu.memory_space<vmem>> -> memref<128x128xf32, #tpu.memory_space<vmem>>
    tpu.wait_dma2 semaphore(%arg34 : memref<!tpu.dma_semaphore, #tpu.memory_space<semaphore_mem>>) src(%dma_wait3A_190 : memref<128x128xf32, #tpu.memory_space<vmem>>) dst(%dma_wait3A_186 : memref<128x128xf32, #tpu.memory_space<hbm>>)
    %dma_start3A_191 = arith.constant 2 : i32
    %dma_start3A_192 = arith.constant 0 : i32
    %dma_start3A_193 = arith.constant 0 : i32
    %dma_start3A_194 = arith.constant 0 : i32
    %dma_start3A_195 = tpu.memref_slice %arg24[%dma_start3A_192, %dma_start3A_193, %dma_start3A_194] : memref<2x128x128xf32, #tpu.memory_space<vmem>> -> memref<1x128x128xf32, #tpu.memory_space<vmem>>
    %dma_start3A_196 = tpu.memref_squeeze %dma_start3A_195 : memref<1x128x128xf32, #tpu.memory_space<vmem>> -> memref<128x128xf32, #tpu.memory_space<vmem>>
    %dma_start3A_197 = arith.constant 0 : i32
    %dma_start3A_198 = tpu.memref_slice %arg18[%dma_start3A_191, %dma_start3A_197] : memref<4x128xi32, #tpu.memory_space<vmem>> -> memref<1x128xi32, #tpu.memory_space<vmem>>
    %dma_start3A_199 = tpu.memref_squeeze %dma_start3A_198 : memref<1x128xi32, #tpu.memory_space<vmem>> -> memref<128xi32, #tpu.memory_space<vmem>>
    %dma_start3A_200 = arith.constant 0 : i32
    %dma_start3A_201 = arith.constant 0 : i32
    %dma_start3A_202 = tpu.memref_slice %arg8[%dma_start3A_200, %dma_start3A_201] : memref<253952x128xf32, #tpu.memory_space<hbm>> -> memref<253952x128xf32, #tpu.memory_space<hbm>>
    tpu.enqueue_indirect_dma source(%dma_start3A_202 : memref<253952x128xf32, #tpu.memory_space<hbm>>) target(%dma_start3A_196 : memref<128x128xf32, #tpu.memory_space<vmem>>) offsets(%dma_start3A_199 : memref<128xi32, #tpu.memory_space<vmem>>) semaphore(%arg32 : memref<!tpu.dma_semaphore, #tpu.memory_space<semaphore_mem>>)
    %dma_start3A_203 = arith.constant 2 : i32
    %dma_start3A_204 = arith.constant 0 : i32
    %dma_start3A_205 = arith.constant 0 : i32
    %dma_start3A_206 = arith.constant 0 : i32
    %dma_start3A_207 = tpu.memref_slice %arg25[%dma_start3A_204, %dma_start3A_205, %dma_start3A_206] : memref<2x128x128xf32, #tpu.memory_space<vmem>> -> memref<1x128x128xf32, #tpu.memory_space<vmem>>
    %dma_start3A_208 = tpu.memref_squeeze %dma_start3A_207 : memref<1x128x128xf32, #tpu.memory_space<vmem>> -> memref<128x128xf32, #tpu.memory_space<vmem>>
    %dma_start3A_209 = arith.constant 0 : i32
    %dma_start3A_210 = tpu.memref_slice %arg19[%dma_start3A_203, %dma_start3A_209] : memref<4x128xi32, #tpu.memory_space<vmem>> -> memref<1x128xi32, #tpu.memory_space<vmem>>
    %dma_start3A_211 = tpu.memref_squeeze %dma_start3A_210 : memref<1x128xi32, #tpu.memory_space<vmem>> -> memref<128xi32, #tpu.memory_space<vmem>>
    %dma_start3A_212 = arith.constant 0 : i32
    %dma_start3A_213 = arith.constant 0 : i32
    %dma_start3A_214 = tpu.memref_slice %arg9[%dma_start3A_212, %dma_start3A_213] : memref<253952x128xf32, #tpu.memory_space<hbm>> -> memref<253952x128xf32, #tpu.memory_space<hbm>>
    tpu.enqueue_indirect_dma source(%dma_start3A_214 : memref<253952x128xf32, #tpu.memory_space<hbm>>) target(%dma_start3A_208 : memref<128x128xf32, #tpu.memory_space<vmem>>) offsets(%dma_start3A_211 : memref<128xi32, #tpu.memory_space<vmem>>) semaphore(%arg32 : memref<!tpu.dma_semaphore, #tpu.memory_space<semaphore_mem>>)
    %dma_wait3A_215 = arith.constant 1 : i32
    %dma_wait3A_216 = arith.constant 1 : i32
    %dma_wait3A_217 = arith.constant 0 : i32
    %dma_wait3A_218 = arith.constant 0 : i32
    %dma_wait3A_219 = tpu.memref_slice %arg24[%dma_wait3A_216, %dma_wait3A_217, %dma_wait3A_218] : memref<2x128x128xf32, #tpu.memory_space<vmem>> -> memref<1x128x128xf32, #tpu.memory_space<vmem>>
    %dma_wait3A_220 = tpu.memref_squeeze %dma_wait3A_219 : memref<1x128x128xf32, #tpu.memory_space<vmem>> -> memref<128x128xf32, #tpu.memory_space<vmem>>
    %dma_wait3A_221 = arith.constant 0 : i32
    %dma_wait3A_222 = tpu.memref_slice %arg18[%dma_wait3A_215, %dma_wait3A_221] : memref<4x128xi32, #tpu.memory_space<vmem>> -> memref<1x128xi32, #tpu.memory_space<vmem>>
    %dma_wait3A_223 = tpu.memref_squeeze %dma_wait3A_222 : memref<1x128xi32, #tpu.memory_space<vmem>> -> memref<128xi32, #tpu.memory_space<vmem>>
    %dma_wait3A_224 = arith.constant 0 : i32
    %dma_wait3A_225 = arith.constant 0 : i32
    %dma_wait3A_226 = tpu.memref_slice %arg8[%dma_wait3A_224, %dma_wait3A_225] : memref<253952x128xf32, #tpu.memory_space<hbm>> -> memref<253952x128xf32, #tpu.memory_space<hbm>>
    tpu.wait_indirect_dma semaphore(%arg33 : memref<!tpu.dma_semaphore, #tpu.memory_space<semaphore_mem>>) src(%dma_wait3A_226 : memref<253952x128xf32, #tpu.memory_space<hbm>>) dst(%dma_wait3A_220 : memref<128x128xf32, #tpu.memory_space<vmem>>)
    %dma_wait3A_227 = arith.constant 1 : i32
    %dma_wait3A_228 = arith.constant 1 : i32
    %dma_wait3A_229 = arith.constant 0 : i32
    %dma_wait3A_230 = arith.constant 0 : i32
    %dma_wait3A_231 = tpu.memref_slice %arg25[%dma_wait3A_228, %dma_wait3A_229, %dma_wait3A_230] : memref<2x128x128xf32, #tpu.memory_space<vmem>> -> memref<1x128x128xf32, #tpu.memory_space<vmem>>
    %dma_wait3A_232 = tpu.memref_squeeze %dma_wait3A_231 : memref<1x128x128xf32, #tpu.memory_space<vmem>> -> memref<128x128xf32, #tpu.memory_space<vmem>>
    %dma_wait3A_233 = arith.constant 0 : i32
    %dma_wait3A_234 = tpu.memref_slice %arg19[%dma_wait3A_227, %dma_wait3A_233] : memref<4x128xi32, #tpu.memory_space<vmem>> -> memref<1x128xi32, #tpu.memory_space<vmem>>
    %dma_wait3A_235 = tpu.memref_squeeze %dma_wait3A_234 : memref<1x128xi32, #tpu.memory_space<vmem>> -> memref<128xi32, #tpu.memory_space<vmem>>
    %dma_wait3A_236 = arith.constant 0 : i32
    %dma_wait3A_237 = arith.constant 0 : i32
    %dma_wait3A_238 = tpu.memref_slice %arg9[%dma_wait3A_236, %dma_wait3A_237] : memref<253952x128xf32, #tpu.memory_space<hbm>> -> memref<253952x128xf32, #tpu.memory_space<hbm>>
    tpu.wait_indirect_dma semaphore(%arg33 : memref<!tpu.dma_semaphore, #tpu.memory_space<semaphore_mem>>) src(%dma_wait3A_238 : memref<253952x128xf32, #tpu.memory_space<hbm>>) dst(%dma_wait3A_232 : memref<128x128xf32, #tpu.memory_space<vmem>>)
    %mul3A_239 = arith.constant 512 : i32
    %mul3A_240 = arith.muli %add3A, %mul3A_239 : i32
    %add3A_241 = arith.constant 128 : i32
    %add3A_242 = arith.addi %mul3A_240, %add3A_241 : i32
    %dma_start3A_243 = arith.constant 1 : i32
    %dma_start3A_244 = arith.constant 0 : i32
    %dma_start3A_245 = arith.constant 0 : i32
    %dma_start3A_246 = tpu.memref_slice %arg24[%dma_start3A_243, %dma_start3A_244, %dma_start3A_245] : memref<2x128x128xf32, #tpu.memory_space<vmem>> -> memref<1x128x128xf32, #tpu.memory_space<vmem>>
    %dma_start3A_247 = tpu.memref_squeeze %dma_start3A_246 : memref<1x128x128xf32, #tpu.memory_space<vmem>> -> memref<128x128xf32, #tpu.memory_space<vmem>>
    %dma_start3A_248 = arith.constant 0 : i32
    %dma_start3A_249 = tpu.memref_slice %arg13[%add3A_242, %dma_start3A_248] : memref<16384x128xf32, #tpu.memory_space<hbm>> -> memref<128x128xf32, #tpu.memory_space<hbm>>
    %dma_start3A_250 = arith.constant 0 : i32
    %dma_start3A_251 = tpu.memref_slice %arg13[%add3A_242, %dma_start3A_250] : memref<16384x128xf32, #tpu.memory_space<hbm>> -> memref<128x128xf32, #tpu.memory_space<hbm>>
    %dma_start3A_252 = arith.constant 0 : i32
    %dma_start3A_253 = arith.constant 0 : i32
    %dma_start3A_254 = tpu.memref_slice %arg24[%dma_start3A_243, %dma_start3A_252, %dma_start3A_253] : memref<2x128x128xf32, #tpu.memory_space<vmem>> -> memref<1x128x128xf32, #tpu.memory_space<vmem>>
    %dma_start3A_255 = tpu.memref_squeeze %dma_start3A_254 : memref<1x128x128xf32, #tpu.memory_space<vmem>> -> memref<128x128xf32, #tpu.memory_space<vmem>>
    tpu.enqueue_dma source(%dma_start3A_255 : memref<128x128xf32, #tpu.memory_space<vmem>>) target(%dma_start3A_251 : memref<128x128xf32, #tpu.memory_space<hbm>>) target_semaphore(%arg35 : memref<!tpu.dma_semaphore, #tpu.memory_space<semaphore_mem>>)
    %dma_start3A_256 = arith.constant 1 : i32
    %dma_start3A_257 = arith.constant 0 : i32
    %dma_start3A_258 = arith.constant 0 : i32
    %dma_start3A_259 = tpu.memref_slice %arg25[%dma_start3A_256, %dma_start3A_257, %dma_start3A_258] : memref<2x128x128xf32, #tpu.memory_space<vmem>> -> memref<1x128x128xf32, #tpu.memory_space<vmem>>
    %dma_start3A_260 = tpu.memref_squeeze %dma_start3A_259 : memref<1x128x128xf32, #tpu.memory_space<vmem>> -> memref<128x128xf32, #tpu.memory_space<vmem>>
    %dma_start3A_261 = arith.constant 0 : i32
    %dma_start3A_262 = tpu.memref_slice %arg14[%add3A_242, %dma_start3A_261] : memref<16384x128xf32, #tpu.memory_space<hbm>> -> memref<128x128xf32, #tpu.memory_space<hbm>>
    %dma_start3A_263 = arith.constant 0 : i32
    %dma_start3A_264 = tpu.memref_slice %arg14[%add3A_242, %dma_start3A_263] : memref<16384x128xf32, #tpu.memory_space<hbm>> -> memref<128x128xf32, #tpu.memory_space<hbm>>
    %dma_start3A_265 = arith.constant 0 : i32
    %dma_start3A_266 = arith.constant 0 : i32
    %dma_start3A_267 = tpu.memref_slice %arg25[%dma_start3A_256, %dma_start3A_265, %dma_start3A_266] : memref<2x128x128xf32, #tpu.memory_space<vmem>> -> memref<1x128x128xf32, #tpu.memory_space<vmem>>
    %dma_start3A_268 = tpu.memref_squeeze %dma_start3A_267 : memref<1x128x128xf32, #tpu.memory_space<vmem>> -> memref<128x128xf32, #tpu.memory_space<vmem>>
    tpu.enqueue_dma source(%dma_start3A_268 : memref<128x128xf32, #tpu.memory_space<vmem>>) target(%dma_start3A_264 : memref<128x128xf32, #tpu.memory_space<hbm>>) target_semaphore(%arg35 : memref<!tpu.dma_semaphore, #tpu.memory_space<semaphore_mem>>)
    %dma_wait3A_269 = arith.constant 1 : i32
    %dma_wait3A_270 = arith.constant 0 : i32
    %dma_wait3A_271 = arith.constant 0 : i32
    %dma_wait3A_272 = tpu.memref_slice %arg24[%dma_wait3A_269, %dma_wait3A_270, %dma_wait3A_271] : memref<2x128x128xf32, #tpu.memory_space<vmem>> -> memref<1x128x128xf32, #tpu.memory_space<vmem>>
    %dma_wait3A_273 = tpu.memref_squeeze %dma_wait3A_272 : memref<1x128x128xf32, #tpu.memory_space<vmem>> -> memref<128x128xf32, #tpu.memory_space<vmem>>
    %dma_wait3A_274 = arith.constant 0 : i32
    %dma_wait3A_275 = tpu.memref_slice %arg13[%add3A_242, %dma_wait3A_274] : memref<16384x128xf32, #tpu.memory_space<hbm>> -> memref<128x128xf32, #tpu.memory_space<hbm>>
    %dma_wait3A_276 = arith.constant 0 : i32
    %dma_wait3A_277 = tpu.memref_slice %arg13[%add3A_242, %dma_wait3A_276] : memref<16384x128xf32, #tpu.memory_space<hbm>> -> memref<128x128xf32, #tpu.memory_space<hbm>>
    %dma_wait3A_278 = arith.constant 0 : i32
    %dma_wait3A_279 = arith.constant 0 : i32
    %dma_wait3A_280 = tpu.memref_slice %arg24[%dma_wait3A_269, %dma_wait3A_278, %dma_wait3A_279] : memref<2x128x128xf32, #tpu.memory_space<vmem>> -> memref<1x128x128xf32, #tpu.memory_space<vmem>>
    %dma_wait3A_281 = tpu.memref_squeeze %dma_wait3A_280 : memref<1x128x128xf32, #tpu.memory_space<vmem>> -> memref<128x128xf32, #tpu.memory_space<vmem>>
    tpu.wait_dma2 semaphore(%arg35 : memref<!tpu.dma_semaphore, #tpu.memory_space<semaphore_mem>>) src(%dma_wait3A_281 : memref<128x128xf32, #tpu.memory_space<vmem>>) dst(%dma_wait3A_277 : memref<128x128xf32, #tpu.memory_space<hbm>>)
    %dma_wait3A_282 = arith.constant 1 : i32
    %dma_wait3A_283 = arith.constant 0 : i32
    %dma_wait3A_284 = arith.constant 0 : i32
    %dma_wait3A_285 = tpu.memref_slice %arg25[%dma_wait3A_282, %dma_wait3A_283, %dma_wait3A_284] : memref<2x128x128xf32, #tpu.memory_space<vmem>> -> memref<1x128x128xf32, #tpu.memory_space<vmem>>
    %dma_wait3A_286 = tpu.memref_squeeze %dma_wait3A_285 : memref<1x128x128xf32, #tpu.memory_space<vmem>> -> memref<128x128xf32, #tpu.memory_space<vmem>>
    %dma_wait3A_287 = arith.constant 0 : i32
    %dma_wait3A_288 = tpu.memref_slice %arg14[%add3A_242, %dma_wait3A_287] : memref<16384x128xf32, #tpu.memory_space<hbm>> -> memref<128x128xf32, #tpu.memory_space<hbm>>
    %dma_wait3A_289 = arith.constant 0 : i32
    %dma_wait3A_290 = tpu.memref_slice %arg14[%add3A_242, %dma_wait3A_289] : memref<16384x128xf32, #tpu.memory_space<hbm>> -> memref<128x128xf32, #tpu.memory_space<hbm>>
    %dma_wait3A_291 = arith.constant 0 : i32
    %dma_wait3A_292 = arith.constant 0 : i32
    %dma_wait3A_293 = tpu.memref_slice %arg25[%dma_wait3A_282, %dma_wait3A_291, %dma_wait3A_292] : memref<2x128x128xf32, #tpu.memory_space<vmem>> -> memref<1x128x128xf32, #tpu.memory_space<vmem>>
    %dma_wait3A_294 = tpu.memref_squeeze %dma_wait3A_293 : memref<1x128x128xf32, #tpu.memory_space<vmem>> -> memref<128x128xf32, #tpu.memory_space<vmem>>
    tpu.wait_dma2 semaphore(%arg35 : memref<!tpu.dma_semaphore, #tpu.memory_space<semaphore_mem>>) src(%dma_wait3A_294 : memref<128x128xf32, #tpu.memory_space<vmem>>) dst(%dma_wait3A_290 : memref<128x128xf32, #tpu.memory_space<hbm>>)
    %dma_start3A_295 = arith.constant 3 : i32
    %dma_start3A_296 = arith.constant 1 : i32
    %dma_start3A_297 = arith.constant 0 : i32
    %dma_start3A_298 = arith.constant 0 : i32
    %dma_start3A_299 = tpu.memref_slice %arg24[%dma_start3A_296, %dma_start3A_297, %dma_start3A_298] : memref<2x128x128xf32, #tpu.memory_space<vmem>> -> memref<1x128x128xf32, #tpu.memory_space<vmem>>
    %dma_start3A_300 = tpu.memref_squeeze %dma_start3A_299 : memref<1x128x128xf32, #tpu.memory_space<vmem>> -> memref<128x128xf32, #tpu.memory_space<vmem>>
    %dma_start3A_301 = arith.constant 0 : i32
    %dma_start3A_302 = tpu.memref_slice %arg18[%dma_start3A_295, %dma_start3A_301] : memref<4x128xi32, #tpu.memory_space<vmem>> -> memref<1x128xi32, #tpu.memory_space<vmem>>
    %dma_start3A_303 = tpu.memref_squeeze %dma_start3A_302 : memref<1x128xi32, #tpu.memory_space<vmem>> -> memref<128xi32, #tpu.memory_space<vmem>>
    %dma_start3A_304 = arith.constant 0 : i32
    %dma_start3A_305 = arith.constant 0 : i32
    %dma_start3A_306 = tpu.memref_slice %arg8[%dma_start3A_304, %dma_start3A_305] : memref<253952x128xf32, #tpu.memory_space<hbm>> -> memref<253952x128xf32, #tpu.memory_space<hbm>>
    tpu.enqueue_indirect_dma source(%dma_start3A_306 : memref<253952x128xf32, #tpu.memory_space<hbm>>) target(%dma_start3A_300 : memref<128x128xf32, #tpu.memory_space<vmem>>) offsets(%dma_start3A_303 : memref<128xi32, #tpu.memory_space<vmem>>) semaphore(%arg33 : memref<!tpu.dma_semaphore, #tpu.memory_space<semaphore_mem>>)
    %dma_start3A_307 = arith.constant 3 : i32
    %dma_start3A_308 = arith.constant 1 : i32
    %dma_start3A_309 = arith.constant 0 : i32
    %dma_start3A_310 = arith.constant 0 : i32
    %dma_start3A_311 = tpu.memref_slice %arg25[%dma_start3A_308, %dma_start3A_309, %dma_start3A_310] : memref<2x128x128xf32, #tpu.memory_space<vmem>> -> memref<1x128x128xf32, #tpu.memory_space<vmem>>
    %dma_start3A_312 = tpu.memref_squeeze %dma_start3A_311 : memref<1x128x128xf32, #tpu.memory_space<vmem>> -> memref<128x128xf32, #tpu.memory_space<vmem>>
    %dma_start3A_313 = arith.constant 0 : i32
    %dma_start3A_314 = tpu.memref_slice %arg19[%dma_start3A_307, %dma_start3A_313] : memref<4x128xi32, #tpu.memory_space<vmem>> -> memref<1x128xi32, #tpu.memory_space<vmem>>
    %dma_start3A_315 = tpu.memref_squeeze %dma_start3A_314 : memref<1x128xi32, #tpu.memory_space<vmem>> -> memref<128xi32, #tpu.memory_space<vmem>>
    %dma_start3A_316 = arith.constant 0 : i32
    %dma_start3A_317 = arith.constant 0 : i32
    %dma_start3A_318 = tpu.memref_slice %arg9[%dma_start3A_316, %dma_start3A_317] : memref<253952x128xf32, #tpu.memory_space<hbm>> -> memref<253952x128xf32, #tpu.memory_space<hbm>>
    tpu.enqueue_indirect_dma source(%dma_start3A_318 : memref<253952x128xf32, #tpu.memory_space<hbm>>) target(%dma_start3A_312 : memref<128x128xf32, #tpu.memory_space<vmem>>) offsets(%dma_start3A_315 : memref<128xi32, #tpu.memory_space<vmem>>) semaphore(%arg33 : memref<!tpu.dma_semaphore, #tpu.memory_space<semaphore_mem>>)
    %dma_wait3A_319 = arith.constant 2 : i32
    %dma_wait3A_320 = arith.constant 0 : i32
    %dma_wait3A_321 = arith.constant 0 : i32
    %dma_wait3A_322 = arith.constant 0 : i32
    %dma_wait3A_323 = tpu.memref_slice %arg24[%dma_wait3A_320, %dma_wait3A_321, %dma_wait3A_322] : memref<2x128x128xf32, #tpu.memory_space<vmem>> -> memref<1x128x128xf32, #tpu.memory_space<vmem>>
    %dma_wait3A_324 = tpu.memref_squeeze %dma_wait3A_323 : memref<1x128x128xf32, #tpu.memory_space<vmem>> -> memref<128x128xf32, #tpu.memory_space<vmem>>
    %dma_wait3A_325 = arith.constant 0 : i32
    %dma_wait3A_326 = tpu.memref_slice %arg18[%dma_wait3A_319, %dma_wait3A_325] : memref<4x128xi32, #tpu.memory_space<vmem>> -> memref<1x128xi32, #tpu.memory_space<vmem>>
    %dma_wait3A_327 = tpu.memref_squeeze %dma_wait3A_326 : memref<1x128xi32, #tpu.memory_space<vmem>> -> memref<128xi32, #tpu.memory_space<vmem>>
    %dma_wait3A_328 = arith.constant 0 : i32
    %dma_wait3A_329 = arith.constant 0 : i32
    %dma_wait3A_330 = tpu.memref_slice %arg8[%dma_wait3A_328, %dma_wait3A_329] : memref<253952x128xf32, #tpu.memory_space<hbm>> -> memref<253952x128xf32, #tpu.memory_space<hbm>>
    tpu.wait_indirect_dma semaphore(%arg32 : memref<!tpu.dma_semaphore, #tpu.memory_space<semaphore_mem>>) src(%dma_wait3A_330 : memref<253952x128xf32, #tpu.memory_space<hbm>>) dst(%dma_wait3A_324 : memref<128x128xf32, #tpu.memory_space<vmem>>)
    %dma_wait3A_331 = arith.constant 2 : i32
    %dma_wait3A_332 = arith.constant 0 : i32
    %dma_wait3A_333 = arith.constant 0 : i32
    %dma_wait3A_334 = arith.constant 0 : i32
    %dma_wait3A_335 = tpu.memref_slice %arg25[%dma_wait3A_332, %dma_wait3A_333, %dma_wait3A_334] : memref<2x128x128xf32, #tpu.memory_space<vmem>> -> memref<1x128x128xf32, #tpu.memory_space<vmem>>
    %dma_wait3A_336 = tpu.memref_squeeze %dma_wait3A_335 : memref<1x128x128xf32, #tpu.memory_space<vmem>> -> memref<128x128xf32, #tpu.memory_space<vmem>>
    %dma_wait3A_337 = arith.constant 0 : i32
    %dma_wait3A_338 = tpu.memref_slice %arg19[%dma_wait3A_331, %dma_wait3A_337] : memref<4x128xi32, #tpu.memory_space<vmem>> -> memref<1x128xi32, #tpu.memory_space<vmem>>
    %dma_wait3A_339 = tpu.memref_squeeze %dma_wait3A_338 : memref<1x128xi32, #tpu.memory_space<vmem>> -> memref<128xi32, #tpu.memory_space<vmem>>
    %dma_wait3A_340 = arith.constant 0 : i32
    %dma_wait3A_341 = arith.constant 0 : i32
    %dma_wait3A_342 = tpu.memref_slice %arg9[%dma_wait3A_340, %dma_wait3A_341] : memref<253952x128xf32, #tpu.memory_space<hbm>> -> memref<253952x128xf32, #tpu.memory_space<hbm>>
    tpu.wait_indirect_dma semaphore(%arg32 : memref<!tpu.dma_semaphore, #tpu.memory_space<semaphore_mem>>) src(%dma_wait3A_342 : memref<253952x128xf32, #tpu.memory_space<hbm>>) dst(%dma_wait3A_336 : memref<128x128xf32, #tpu.memory_space<vmem>>)
    %mul3A_343 = arith.constant 512 : i32
    %mul3A_344 = arith.muli %add3A, %mul3A_343 : i32
    %add3A_345 = arith.constant 256 : i32
    %add3A_346 = arith.addi %mul3A_344, %add3A_345 : i32
    %dma_start3A_347 = arith.constant 0 : i32
    %dma_start3A_348 = arith.constant 0 : i32
    %dma_start3A_349 = arith.constant 0 : i32
    %dma_start3A_350 = tpu.memref_slice %arg24[%dma_start3A_347, %dma_start3A_348, %dma_start3A_349] : memref<2x128x128xf32, #tpu.memory_space<vmem>> -> memref<1x128x128xf32, #tpu.memory_space<vmem>>
    %dma_start3A_351 = tpu.memref_squeeze %dma_start3A_350 : memref<1x128x128xf32, #tpu.memory_space<vmem>> -> memref<128x128xf32, #tpu.memory_space<vmem>>
    %dma_start3A_352 = arith.constant 0 : i32
    %dma_start3A_353 = tpu.memref_slice %arg13[%add3A_346, %dma_start3A_352] : memref<16384x128xf32, #tpu.memory_space<hbm>> -> memref<128x128xf32, #tpu.memory_space<hbm>>
    %dma_start3A_354 = arith.constant 0 : i32
    %dma_start3A_355 = tpu.memref_slice %arg13[%add3A_346, %dma_start3A_354] : memref<16384x128xf32, #tpu.memory_space<hbm>> -> memref<128x128xf32, #tpu.memory_space<hbm>>
    %dma_start3A_356 = arith.constant 0 : i32
    %dma_start3A_357 = arith.constant 0 : i32
    %dma_start3A_358 = tpu.memref_slice %arg24[%dma_start3A_347, %dma_start3A_356, %dma_start3A_357] : memref<2x128x128xf32, #tpu.memory_space<vmem>> -> memref<1x128x128xf32, #tpu.memory_space<vmem>>
    %dma_start3A_359 = tpu.memref_squeeze %dma_start3A_358 : memref<1x128x128xf32, #tpu.memory_space<vmem>> -> memref<128x128xf32, #tpu.memory_space<vmem>>
    tpu.enqueue_dma source(%dma_start3A_359 : memref<128x128xf32, #tpu.memory_space<vmem>>) target(%dma_start3A_355 : memref<128x128xf32, #tpu.memory_space<hbm>>) target_semaphore(%arg34 : memref<!tpu.dma_semaphore, #tpu.memory_space<semaphore_mem>>)
    %dma_start3A_360 = arith.constant 0 : i32
    %dma_start3A_361 = arith.constant 0 : i32
    %dma_start3A_362 = arith.constant 0 : i32
    %dma_start3A_363 = tpu.memref_slice %arg25[%dma_start3A_360, %dma_start3A_361, %dma_start3A_362] : memref<2x128x128xf32, #tpu.memory_space<vmem>> -> memref<1x128x128xf32, #tpu.memory_space<vmem>>
    %dma_start3A_364 = tpu.memref_squeeze %dma_start3A_363 : memref<1x128x128xf32, #tpu.memory_space<vmem>> -> memref<128x128xf32, #tpu.memory_space<vmem>>
    %dma_start3A_365 = arith.constant 0 : i32
    %dma_start3A_366 = tpu.memref_slice %arg14[%add3A_346, %dma_start3A_365] : memref<16384x128xf32, #tpu.memory_space<hbm>> -> memref<128x128xf32, #tpu.memory_space<hbm>>
    %dma_start3A_367 = arith.constant 0 : i32
    %dma_start3A_368 = tpu.memref_slice %arg14[%add3A_346, %dma_start3A_367] : memref<16384x128xf32, #tpu.memory_space<hbm>> -> memref<128x128xf32, #tpu.memory_space<hbm>>
    %dma_start3A_369 = arith.constant 0 : i32
    %dma_start3A_370 = arith.constant 0 : i32
    %dma_start3A_371 = tpu.memref_slice %arg25[%dma_start3A_360, %dma_start3A_369, %dma_start3A_370] : memref<2x128x128xf32, #tpu.memory_space<vmem>> -> memref<1x128x128xf32, #tpu.memory_space<vmem>>
    %dma_start3A_372 = tpu.memref_squeeze %dma_start3A_371 : memref<1x128x128xf32, #tpu.memory_space<vmem>> -> memref<128x128xf32, #tpu.memory_space<vmem>>
    tpu.enqueue_dma source(%dma_start3A_372 : memref<128x128xf32, #tpu.memory_space<vmem>>) target(%dma_start3A_368 : memref<128x128xf32, #tpu.memory_space<hbm>>) target_semaphore(%arg34 : memref<!tpu.dma_semaphore, #tpu.memory_space<semaphore_mem>>)
    %dma_wait3A_373 = arith.constant 3 : i32
    %dma_wait3A_374 = arith.constant 1 : i32
    %dma_wait3A_375 = arith.constant 0 : i32
    %dma_wait3A_376 = arith.constant 0 : i32
    %dma_wait3A_377 = tpu.memref_slice %arg24[%dma_wait3A_374, %dma_wait3A_375, %dma_wait3A_376] : memref<2x128x128xf32, #tpu.memory_space<vmem>> -> memref<1x128x128xf32, #tpu.memory_space<vmem>>
    %dma_wait3A_378 = tpu.memref_squeeze %dma_wait3A_377 : memref<1x128x128xf32, #tpu.memory_space<vmem>> -> memref<128x128xf32, #tpu.memory_space<vmem>>
    %dma_wait3A_379 = arith.constant 0 : i32
    %dma_wait3A_380 = tpu.memref_slice %arg18[%dma_wait3A_373, %dma_wait3A_379] : memref<4x128xi32, #tpu.memory_space<vmem>> -> memref<1x128xi32, #tpu.memory_space<vmem>>
    %dma_wait3A_381 = tpu.memref_squeeze %dma_wait3A_380 : memref<1x128xi32, #tpu.memory_space<vmem>> -> memref<128xi32, #tpu.memory_space<vmem>>
    %dma_wait3A_382 = arith.constant 0 : i32
    %dma_wait3A_383 = arith.constant 0 : i32
    %dma_wait3A_384 = tpu.memref_slice %arg8[%dma_wait3A_382, %dma_wait3A_383] : memref<253952x128xf32, #tpu.memory_space<hbm>> -> memref<253952x128xf32, #tpu.memory_space<hbm>>
    tpu.wait_indirect_dma semaphore(%arg33 : memref<!tpu.dma_semaphore, #tpu.memory_space<semaphore_mem>>) src(%dma_wait3A_384 : memref<253952x128xf32, #tpu.memory_space<hbm>>) dst(%dma_wait3A_378 : memref<128x128xf32, #tpu.memory_space<vmem>>)
    %dma_wait3A_385 = arith.constant 3 : i32
    %dma_wait3A_386 = arith.constant 1 : i32
    %dma_wait3A_387 = arith.constant 0 : i32
    %dma_wait3A_388 = arith.constant 0 : i32
    %dma_wait3A_389 = tpu.memref_slice %arg25[%dma_wait3A_386, %dma_wait3A_387, %dma_wait3A_388] : memref<2x128x128xf32, #tpu.memory_space<vmem>> -> memref<1x128x128xf32, #tpu.memory_space<vmem>>
    %dma_wait3A_390 = tpu.memref_squeeze %dma_wait3A_389 : memref<1x128x128xf32, #tpu.memory_space<vmem>> -> memref<128x128xf32, #tpu.memory_space<vmem>>
    %dma_wait3A_391 = arith.constant 0 : i32
    %dma_wait3A_392 = tpu.memref_slice %arg19[%dma_wait3A_385, %dma_wait3A_391] : memref<4x128xi32, #tpu.memory_space<vmem>> -> memref<1x128xi32, #tpu.memory_space<vmem>>
    %dma_wait3A_393 = tpu.memref_squeeze %dma_wait3A_392 : memref<1x128xi32, #tpu.memory_space<vmem>> -> memref<128xi32, #tpu.memory_space<vmem>>
    %dma_wait3A_394 = arith.constant 0 : i32
    %dma_wait3A_395 = arith.constant 0 : i32
    %dma_wait3A_396 = tpu.memref_slice %arg9[%dma_wait3A_394, %dma_wait3A_395] : memref<253952x128xf32, #tpu.memory_space<hbm>> -> memref<253952x128xf32, #tpu.memory_space<hbm>>
    tpu.wait_indirect_dma semaphore(%arg33 : memref<!tpu.dma_semaphore, #tpu.memory_space<semaphore_mem>>) src(%dma_wait3A_396 : memref<253952x128xf32, #tpu.memory_space<hbm>>) dst(%dma_wait3A_390 : memref<128x128xf32, #tpu.memory_space<vmem>>)
    %mul3A_397 = arith.constant 512 : i32
    %mul3A_398 = arith.muli %add3A, %mul3A_397 : i32
    %add3A_399 = arith.constant 384 : i32
    %add3A_400 = arith.addi %mul3A_398, %add3A_399 : i32
    %dma_start3A_401 = arith.constant 1 : i32
    %dma_start3A_402 = arith.constant 0 : i32
    %dma_start3A_403 = arith.constant 0 : i32
    %dma_start3A_404 = tpu.memref_slice %arg24[%dma_start3A_401, %dma_start3A_402, %dma_start3A_403] : memref<2x128x128xf32, #tpu.memory_space<vmem>> -> memref<1x128x128xf32, #tpu.memory_space<vmem>>
    %dma_start3A_405 = tpu.memref_squeeze %dma_start3A_404 : memref<1x128x128xf32, #tpu.memory_space<vmem>> -> memref<128x128xf32, #tpu.memory_space<vmem>>
    %dma_start3A_406 = arith.constant 0 : i32
    %dma_start3A_407 = tpu.memref_slice %arg13[%add3A_400, %dma_start3A_406] : memref<16384x128xf32, #tpu.memory_space<hbm>> -> memref<128x128xf32, #tpu.memory_space<hbm>>
    %dma_start3A_408 = arith.constant 0 : i32
    %dma_start3A_409 = tpu.memref_slice %arg13[%add3A_400, %dma_start3A_408] : memref<16384x128xf32, #tpu.memory_space<hbm>> -> memref<128x128xf32, #tpu.memory_space<hbm>>
    %dma_start3A_410 = arith.constant 0 : i32
    %dma_start3A_411 = arith.constant 0 : i32
    %dma_start3A_412 = tpu.memref_slice %arg24[%dma_start3A_401, %dma_start3A_410, %dma_start3A_411] : memref<2x128x128xf32, #tpu.memory_space<vmem>> -> memref<1x128x128xf32, #tpu.memory_space<vmem>>
    %dma_start3A_413 = tpu.memref_squeeze %dma_start3A_412 : memref<1x128x128xf32, #tpu.memory_space<vmem>> -> memref<128x128xf32, #tpu.memory_space<vmem>>
    tpu.enqueue_dma source(%dma_start3A_413 : memref<128x128xf32, #tpu.memory_space<vmem>>) target(%dma_start3A_409 : memref<128x128xf32, #tpu.memory_space<hbm>>) target_semaphore(%arg35 : memref<!tpu.dma_semaphore, #tpu.memory_space<semaphore_mem>>)
    %dma_start3A_414 = arith.constant 1 : i32
    %dma_start3A_415 = arith.constant 0 : i32
    %dma_start3A_416 = arith.constant 0 : i32
    %dma_start3A_417 = tpu.memref_slice %arg25[%dma_start3A_414, %dma_start3A_415, %dma_start3A_416] : memref<2x128x128xf32, #tpu.memory_space<vmem>> -> memref<1x128x128xf32, #tpu.memory_space<vmem>>
    %dma_start3A_418 = tpu.memref_squeeze %dma_start3A_417 : memref<1x128x128xf32, #tpu.memory_space<vmem>> -> memref<128x128xf32, #tpu.memory_space<vmem>>
    %dma_start3A_419 = arith.constant 0 : i32
    %dma_start3A_420 = tpu.memref_slice %arg14[%add3A_400, %dma_start3A_419] : memref<16384x128xf32, #tpu.memory_space<hbm>> -> memref<128x128xf32, #tpu.memory_space<hbm>>
    %dma_start3A_421 = arith.constant 0 : i32
    %dma_start3A_422 = tpu.memref_slice %arg14[%add3A_400, %dma_start3A_421] : memref<16384x128xf32, #tpu.memory_space<hbm>> -> memref<128x128xf32, #tpu.memory_space<hbm>>
    %dma_start3A_423 = arith.constant 0 : i32
    %dma_start3A_424 = arith.constant 0 : i32
    %dma_start3A_425 = tpu.memref_slice %arg25[%dma_start3A_414, %dma_start3A_423, %dma_start3A_424] : memref<2x128x128xf32, #tpu.memory_space<vmem>> -> memref<1x128x128xf32, #tpu.memory_space<vmem>>
    %dma_start3A_426 = tpu.memref_squeeze %dma_start3A_425 : memref<1x128x128xf32, #tpu.memory_space<vmem>> -> memref<128x128xf32, #tpu.memory_space<vmem>>
    tpu.enqueue_dma source(%dma_start3A_426 : memref<128x128xf32, #tpu.memory_space<vmem>>) target(%dma_start3A_422 : memref<128x128xf32, #tpu.memory_space<hbm>>) target_semaphore(%arg35 : memref<!tpu.dma_semaphore, #tpu.memory_space<semaphore_mem>>)
    %dma_wait3A_427 = arith.constant 0 : i32
    %dma_wait3A_428 = arith.constant 0 : i32
    %dma_wait3A_429 = arith.constant 0 : i32
    %dma_wait3A_430 = tpu.memref_slice %arg24[%dma_wait3A_427, %dma_wait3A_428, %dma_wait3A_429] : memref<2x128x128xf32, #tpu.memory_space<vmem>> -> memref<1x128x128xf32, #tpu.memory_space<vmem>>
    %dma_wait3A_431 = tpu.memref_squeeze %dma_wait3A_430 : memref<1x128x128xf32, #tpu.memory_space<vmem>> -> memref<128x128xf32, #tpu.memory_space<vmem>>
    %dma_wait3A_432 = arith.constant 0 : i32
    %dma_wait3A_433 = tpu.memref_slice %arg13[%add3A_346, %dma_wait3A_432] : memref<16384x128xf32, #tpu.memory_space<hbm>> -> memref<128x128xf32, #tpu.memory_space<hbm>>
    %dma_wait3A_434 = arith.constant 0 : i32
    %dma_wait3A_435 = tpu.memref_slice %arg13[%add3A_346, %dma_wait3A_434] : memref<16384x128xf32, #tpu.memory_space<hbm>> -> memref<128x128xf32, #tpu.memory_space<hbm>>
    %dma_wait3A_436 = arith.constant 0 : i32
    %dma_wait3A_437 = arith.constant 0 : i32
    %dma_wait3A_438 = tpu.memref_slice %arg24[%dma_wait3A_427, %dma_wait3A_436, %dma_wait3A_437] : memref<2x128x128xf32, #tpu.memory_space<vmem>> -> memref<1x128x128xf32, #tpu.memory_space<vmem>>
    %dma_wait3A_439 = tpu.memref_squeeze %dma_wait3A_438 : memref<1x128x128xf32, #tpu.memory_space<vmem>> -> memref<128x128xf32, #tpu.memory_space<vmem>>
    tpu.wait_dma2 semaphore(%arg34 : memref<!tpu.dma_semaphore, #tpu.memory_space<semaphore_mem>>) src(%dma_wait3A_439 : memref<128x128xf32, #tpu.memory_space<vmem>>) dst(%dma_wait3A_435 : memref<128x128xf32, #tpu.memory_space<hbm>>)
    %dma_wait3A_440 = arith.constant 0 : i32
    %dma_wait3A_441 = arith.constant 0 : i32
    %dma_wait3A_442 = arith.constant 0 : i32
    %dma_wait3A_443 = tpu.memref_slice %arg25[%dma_wait3A_440, %dma_wait3A_441, %dma_wait3A_442] : memref<2x128x128xf32, #tpu.memory_space<vmem>> -> memref<1x128x128xf32, #tpu.memory_space<vmem>>
    %dma_wait3A_444 = tpu.memref_squeeze %dma_wait3A_443 : memref<1x128x128xf32, #tpu.memory_space<vmem>> -> memref<128x128xf32, #tpu.memory_space<vmem>>
    %dma_wait3A_445 = arith.constant 0 : i32
    %dma_wait3A_446 = tpu.memref_slice %arg14[%add3A_346, %dma_wait3A_445] : memref<16384x128xf32, #tpu.memory_space<hbm>> -> memref<128x128xf32, #tpu.memory_space<hbm>>
    %dma_wait3A_447 = arith.constant 0 : i32
    %dma_wait3A_448 = tpu.memref_slice %arg14[%add3A_346, %dma_wait3A_447] : memref<16384x128xf32, #tpu.memory_space<hbm>> -> memref<128x128xf32, #tpu.memory_space<hbm>>
    %dma_wait3A_449 = arith.constant 0 : i32
    %dma_wait3A_450 = arith.constant 0 : i32
    %dma_wait3A_451 = tpu.memref_slice %arg25[%dma_wait3A_440, %dma_wait3A_449, %dma_wait3A_450] : memref<2x128x128xf32, #tpu.memory_space<vmem>> -> memref<1x128x128xf32, #tpu.memory_space<vmem>>
    %dma_wait3A_452 = tpu.memref_squeeze %dma_wait3A_451 : memref<1x128x128xf32, #tpu.memory_space<vmem>> -> memref<128x128xf32, #tpu.memory_space<vmem>>
    tpu.wait_dma2 semaphore(%arg34 : memref<!tpu.dma_semaphore, #tpu.memory_space<semaphore_mem>>) src(%dma_wait3A_452 : memref<128x128xf32, #tpu.memory_space<vmem>>) dst(%dma_wait3A_448 : memref<128x128xf32, #tpu.memory_space<hbm>>)
    %dma_wait3A_453 = arith.constant 1 : i32
    %dma_wait3A_454 = arith.constant 0 : i32
    %dma_wait3A_455 = arith.constant 0 : i32
    %dma_wait3A_456 = tpu.memref_slice %arg24[%dma_wait3A_453, %dma_wait3A_454, %dma_wait3A_455] : memref<2x128x128xf32, #tpu.memory_space<vmem>> -> memref<1x128x128xf32, #tpu.memory_space<vmem>>
    %dma_wait3A_457 = tpu.memref_squeeze %dma_wait3A_456 : memref<1x128x128xf32, #tpu.memory_space<vmem>> -> memref<128x128xf32, #tpu.memory_space<vmem>>
    %dma_wait3A_458 = arith.constant 0 : i32
    %dma_wait3A_459 = tpu.memref_slice %arg13[%add3A_400, %dma_wait3A_458] : memref<16384x128xf32, #tpu.memory_space<hbm>> -> memref<128x128xf32, #tpu.memory_space<hbm>>
    %dma_wait3A_460 = arith.constant 0 : i32
    %dma_wait3A_461 = tpu.memref_slice %arg13[%add3A_400, %dma_wait3A_460] : memref<16384x128xf32, #tpu.memory_space<hbm>> -> memref<128x128xf32, #tpu.memory_space<hbm>>
    %dma_wait3A_462 = arith.constant 0 : i32
    %dma_wait3A_463 = arith.constant 0 : i32
    %dma_wait3A_464 = tpu.memref_slice %arg24[%dma_wait3A_453, %dma_wait3A_462, %dma_wait3A_463] : memref<2x128x128xf32, #tpu.memory_space<vmem>> -> memref<1x128x128xf32, #tpu.memory_space<vmem>>
    %dma_wait3A_465 = tpu.memref_squeeze %dma_wait3A_464 : memref<1x128x128xf32, #tpu.memory_space<vmem>> -> memref<128x128xf32, #tpu.memory_space<vmem>>
    tpu.wait_dma2 semaphore(%arg35 : memref<!tpu.dma_semaphore, #tpu.memory_space<semaphore_mem>>) src(%dma_wait3A_465 : memref<128x128xf32, #tpu.memory_space<vmem>>) dst(%dma_wait3A_461 : memref<128x128xf32, #tpu.memory_space<hbm>>)
    %dma_wait3A_466 = arith.constant 1 : i32
    %dma_wait3A_467 = arith.constant 0 : i32
    %dma_wait3A_468 = arith.constant 0 : i32
    %dma_wait3A_469 = tpu.memref_slice %arg25[%dma_wait3A_466, %dma_wait3A_467, %dma_wait3A_468] : memref<2x128x128xf32, #tpu.memory_space<vmem>> -> memref<1x128x128xf32, #tpu.memory_space<vmem>>
    %dma_wait3A_470 = tpu.memref_squeeze %dma_wait3A_469 : memref<1x128x128xf32, #tpu.memory_space<vmem>> -> memref<128x128xf32, #tpu.memory_space<vmem>>
    %dma_wait3A_471 = arith.constant 0 : i32
    %dma_wait3A_472 = tpu.memref_slice %arg14[%add3A_400, %dma_wait3A_471] : memref<16384x128xf32, #tpu.memory_space<hbm>> -> memref<128x128xf32, #tpu.memory_space<hbm>>
    %dma_wait3A_473 = arith.constant 0 : i32
    %dma_wait3A_474 = tpu.memref_slice %arg14[%add3A_400, %dma_wait3A_473] : memref<16384x128xf32, #tpu.memory_space<hbm>> -> memref<128x128xf32, #tpu.memory_space<hbm>>
    %dma_wait3A_475 = arith.constant 0 : i32
    %dma_wait3A_476 = arith.constant 0 : i32
    %dma_wait3A_477 = tpu.memref_slice %arg25[%dma_wait3A_466, %dma_wait3A_475, %dma_wait3A_476] : memref<2x128x128xf32, #tpu.memory_space<vmem>> -> memref<1x128x128xf32, #tpu.memory_space<vmem>>
    %dma_wait3A_478 = tpu.memref_squeeze %dma_wait3A_477 : memref<1x128x128xf32, #tpu.memory_space<vmem>> -> memref<128x128xf32, #tpu.memory_space<vmem>>
    tpu.wait_dma2 semaphore(%arg35 : memref<!tpu.dma_semaphore, #tpu.memory_space<semaphore_mem>>) src(%dma_wait3A_478 : memref<128x128xf32, #tpu.memory_space<vmem>>) dst(%dma_wait3A_474 : memref<128x128xf32, #tpu.memory_space<hbm>>)
    %scan3A = arith.constant 0 : i32
    %scan3A_479 = arith.constant 0 : i32
    %scan3A_480 = arith.constant 512 : i32
    %scan3A_481 = arith.addi %scan3A_479, %scan3A_480 : i32
    %scan3A_482 = arith.constant 1 : i32
    scf.for %scan3A_560 = %scan3A_479 to %scan3A_481 step %scan3A_482  : i32 {
      %broadcast_in_dim3A = arith.constant 0.000000e+00 : f32
      %broadcast_in_dim3A_561 = vector.broadcast %broadcast_in_dim3A : f32 to vector<16xf32>
      %swap3A = arith.index_cast %scan3A_560 : i32 to index
      %swap3A_562 = arith.constant 0 : index
      %swap3A_563 = tpu.vector_load %arg28[%swap3A, %swap3A_562] {strides = array<i32>} : memref<1280x16xf32, #tpu.memory_space<vmem>>, vector<1x16xf32>,
      %swap3A_564 = vector.shape_cast %swap3A_563 : vector<1x16xf32> to vector<16xf32>
      %swap3A_565 = vector.shape_cast %broadcast_in_dim3A_561 : vector<16xf32> to vector<1x16xf32>
      tpu.vector_store %arg28[%swap3A, %swap3A_562], %swap3A_565 {strides = array<i32>} : memref<1280x16xf32, #tpu.memory_space<vmem>>, vector<1x16xf32>,
    }
    %scan3A_483 = arith.constant 512 : i32
    %mul3A_484 = arith.constant 512 : i32
    %mul3A_485 = arith.muli %arg1, %mul3A_484 : i32
    "tpu.region"() ({
      %run_scoped3A = tpu.sem_alloc : memref<!tpu.dma_semaphore, #tpu.memory_space<semaphore_mem>>
      %dma_start3A_560 = arith.constant 0 : i32
      %dma_start3A_561 = arith.constant 0 : i32
      %dma_start3A_562 = tpu.memref_slice %arg28[%dma_start3A_560, %dma_start3A_561] : memref<1280x16xf32, #tpu.memory_space<vmem>> -> memref<512x16xf32, #tpu.memory_space<vmem>>
      %dma_start3A_563 = arith.constant 0 : i32
      %dma_start3A_564 = tpu.memref_slice %arg29[%mul3A_485, %dma_start3A_563] : memref<8192x16xf32, #tpu.memory_space<vmem_shared>> -> memref<512x16xf32, #tpu.memory_space<vmem_shared>>
      %dma_start3A_565 = arith.constant 0 : i32
      %dma_start3A_566 = tpu.memref_slice %arg29[%mul3A_485, %dma_start3A_565] : memref<8192x16xf32, #tpu.memory_space<vmem_shared>> -> memref<512x16xf32, #tpu.memory_space<vmem_shared>>
      %dma_start3A_567 = arith.constant 0 : i32
      %dma_start3A_568 = arith.constant 0 : i32
      %dma_start3A_569 = tpu.memref_slice %arg28[%dma_start3A_567, %dma_start3A_568] : memref<1280x16xf32, #tpu.memory_space<vmem>> -> memref<512x16xf32, #tpu.memory_space<vmem>>
      tpu.enqueue_dma source(%dma_start3A_569 : memref<512x16xf32, #tpu.memory_space<vmem>>) target(%dma_start3A_566 : memref<512x16xf32, #tpu.memory_space<vmem_shared>>) target_semaphore(%run_scoped3A : memref<!tpu.dma_semaphore, #tpu.memory_space<semaphore_mem>>)
      %dma_wait3A_570 = arith.constant 0 : i32
      %dma_wait3A_571 = arith.constant 0 : i32
      %dma_wait3A_572 = tpu.memref_slice %arg28[%dma_wait3A_570, %dma_wait3A_571] : memref<1280x16xf32, #tpu.memory_space<vmem>> -> memref<512x16xf32, #tpu.memory_space<vmem>>
      %dma_wait3A_573 = arith.constant 0 : i32
      %dma_wait3A_574 = tpu.memref_slice %arg29[%mul3A_485, %dma_wait3A_573] : memref<8192x16xf32, #tpu.memory_space<vmem_shared>> -> memref<512x16xf32, #tpu.memory_space<vmem_shared>>
      %dma_wait3A_575 = arith.constant 0 : i32
      %dma_wait3A_576 = tpu.memref_slice %arg29[%mul3A_485, %dma_wait3A_575] : memref<8192x16xf32, #tpu.memory_space<vmem_shared>> -> memref<512x16xf32, #tpu.memory_space<vmem_shared>>
      %dma_wait3A_577 = arith.constant 0 : i32
      %dma_wait3A_578 = arith.constant 0 : i32
      %dma_wait3A_579 = tpu.memref_slice %arg28[%dma_wait3A_577, %dma_wait3A_578] : memref<1280x16xf32, #tpu.memory_space<vmem>> -> memref<512x16xf32, #tpu.memory_space<vmem>>
      tpu.wait_dma2 semaphore(%run_scoped3A : memref<!tpu.dma_semaphore, #tpu.memory_space<semaphore_mem>>) src(%dma_wait3A_579 : memref<512x16xf32, #tpu.memory_space<vmem>>) dst(%dma_wait3A_576 : memref<512x16xf32, #tpu.memory_space<vmem_shared>>)
      tpu.yield
    }) : () -> ()
    %scan3A_486 = arith.constant 0 : i32
    %scan3A_487 = arith.constant 0 : i32
    %scan3A_488 = arith.constant 8 : i32
    %scan3A_489 = arith.addi %scan3A_487, %scan3A_488 : i32
    %scan3A_490 = arith.constant 1 : i32
    scf.for %scan3A_560 = %scan3A_487 to %scan3A_489 step %scan3A_490  : i32 {
      %mul3A_561 = arith.constant 10 : i32
      %mul3A_562 = arith.muli %scan3A_560, %mul3A_561 : i32
      %add3A_563 = arith.constant 0 : i32
      %add3A_564 = arith.addi %mul3A_562, %add3A_563 : i32
      %dma_start3A_565 = arith.constant 0 : i32
      %dma_start3A_566 = arith.constant 0 : i32
      %dma_start3A_567 = tpu.memref_slice %arg28[%dma_start3A_565, %dma_start3A_566] : memref<1280x16xf32, #tpu.memory_space<vmem>> -> memref<128x16xf32, #tpu.memory_space<vmem>>
      %dma_start3A_568 = arith.constant 0 : i32
      %dma_start3A_569 = tpu.memref_slice %arg22[%add3A_564, %dma_start3A_568] : memref<80x128xi32, #tpu.memory_space<vmem>> -> memref<1x128xi32, #tpu.memory_space<vmem>>
      %dma_start3A_570 = tpu.memref_squeeze %dma_start3A_569 : memref<1x128xi32, #tpu.memory_space<vmem>> -> memref<128xi32, #tpu.memory_space<vmem>>
      %dma_start3A_571 = arith.constant 0 : i32
      %dma_start3A_572 = arith.constant 0 : i32
      %dma_start3A_573 = tpu.memref_slice %arg12[%dma_start3A_571, %dma_start3A_572] : memref<100000x16xf32, #tpu.memory_space<hbm>> -> memref<100000x16xf32, #tpu.memory_space<hbm>>
      tpu.enqueue_indirect_dma source(%dma_start3A_573 : memref<100000x16xf32, #tpu.memory_space<hbm>>) target(%dma_start3A_567 : memref<128x16xf32, #tpu.memory_space<vmem>>) offsets(%dma_start3A_570 : memref<128xi32, #tpu.memory_space<vmem>>) semaphore(%arg31 : memref<!tpu.dma_semaphore, #tpu.memory_space<semaphore_mem>>)
      %mul3A_574 = arith.constant 10 : i32
      %mul3A_575 = arith.muli %scan3A_560, %mul3A_574 : i32
      %add3A_576 = arith.constant 1 : i32
      %add3A_577 = arith.addi %mul3A_575, %add3A_576 : i32
      %dma_start3A_578 = arith.constant 128 : i32
      %dma_start3A_579 = arith.constant 0 : i32
      %dma_start3A_580 = tpu.memref_slice %arg28[%dma_start3A_578, %dma_start3A_579] : memref<1280x16xf32, #tpu.memory_space<vmem>> -> memref<128x16xf32, #tpu.memory_space<vmem>>
      %dma_start3A_581 = arith.constant 0 : i32
      %dma_start3A_582 = tpu.memref_slice %arg22[%add3A_577, %dma_start3A_581] : memref<80x128xi32, #tpu.memory_space<vmem>> -> memref<1x128xi32, #tpu.memory_space<vmem>>
      %dma_start3A_583 = tpu.memref_squeeze %dma_start3A_582 : memref<1x128xi32, #tpu.memory_space<vmem>> -> memref<128xi32, #tpu.memory_space<vmem>>
      %dma_start3A_584 = arith.constant 0 : i32
      %dma_start3A_585 = arith.constant 0 : i32
      %dma_start3A_586 = tpu.memref_slice %arg12[%dma_start3A_584, %dma_start3A_585] : memref<100000x16xf32, #tpu.memory_space<hbm>> -> memref<100000x16xf32, #tpu.memory_space<hbm>>
      tpu.enqueue_indirect_dma source(%dma_start3A_586 : memref<100000x16xf32, #tpu.memory_space<hbm>>) target(%dma_start3A_580 : memref<128x16xf32, #tpu.memory_space<vmem>>) offsets(%dma_start3A_583 : memref<128xi32, #tpu.memory_space<vmem>>) semaphore(%arg31 : memref<!tpu.dma_semaphore, #tpu.memory_space<semaphore_mem>>)
      %mul3A_587 = arith.constant 10 : i32
      %mul3A_588 = arith.muli %scan3A_560, %mul3A_587 : i32
      %add3A_589 = arith.constant 2 : i32
      %add3A_590 = arith.addi %mul3A_588, %add3A_589 : i32
      %dma_start3A_591 = arith.constant 256 : i32
      %dma_start3A_592 = arith.constant 0 : i32
      %dma_start3A_593 = tpu.memref_slice %arg28[%dma_start3A_591, %dma_start3A_592] : memref<1280x16xf32, #tpu.memory_space<vmem>> -> memref<128x16xf32, #tpu.memory_space<vmem>>
      %dma_start3A_594 = arith.constant 0 : i32
      %dma_start3A_595 = tpu.memref_slice %arg22[%add3A_590, %dma_start3A_594] : memref<80x128xi32, #tpu.memory_space<vmem>> -> memref<1x128xi32, #tpu.memory_space<vmem>>
      %dma_start3A_596 = tpu.memref_squeeze %dma_start3A_595 : memref<1x128xi32, #tpu.memory_space<vmem>> -> memref<128xi32, #tpu.memory_space<vmem>>
      %dma_start3A_597 = arith.constant 0 : i32
      %dma_start3A_598 = arith.constant 0 : i32
      %dma_start3A_599 = tpu.memref_slice %arg12[%dma_start3A_597, %dma_start3A_598] : memref<100000x16xf32, #tpu.memory_space<hbm>> -> memref<100000x16xf32, #tpu.memory_space<hbm>>
      tpu.enqueue_indirect_dma source(%dma_start3A_599 : memref<100000x16xf32, #tpu.memory_space<hbm>>) target(%dma_start3A_593 : memref<128x16xf32, #tpu.memory_space<vmem>>) offsets(%dma_start3A_596 : memref<128xi32, #tpu.memory_space<vmem>>) semaphore(%arg31 : memref<!tpu.dma_semaphore, #tpu.memory_space<semaphore_mem>>)
      %mul3A_600 = arith.constant 10 : i32
      %mul3A_601 = arith.muli %scan3A_560, %mul3A_600 : i32
      %add3A_602 = arith.constant 3 : i32
      %add3A_603 = arith.addi %mul3A_601, %add3A_602 : i32
      %dma_start3A_604 = arith.constant 384 : i32
      %dma_start3A_605 = arith.constant 0 : i32
      %dma_start3A_606 = tpu.memref_slice %arg28[%dma_start3A_604, %dma_start3A_605] : memref<1280x16xf32, #tpu.memory_space<vmem>> -> memref<128x16xf32, #tpu.memory_space<vmem>>
      %dma_start3A_607 = arith.constant 0 : i32
      %dma_start3A_608 = tpu.memref_slice %arg22[%add3A_603, %dma_start3A_607] : memref<80x128xi32, #tpu.memory_space<vmem>> -> memref<1x128xi32, #tpu.memory_space<vmem>>
      %dma_start3A_609 = tpu.memref_squeeze %dma_start3A_608 : memref<1x128xi32, #tpu.memory_space<vmem>> -> memref<128xi32, #tpu.memory_space<vmem>>
      %dma_start3A_610 = arith.constant 0 : i32
      %dma_start3A_611 = arith.constant 0 : i32
      %dma_start3A_612 = tpu.memref_slice %arg12[%dma_start3A_610, %dma_start3A_611] : memref<100000x16xf32, #tpu.memory_space<hbm>> -> memref<100000x16xf32, #tpu.memory_space<hbm>>
      tpu.enqueue_indirect_dma source(%dma_start3A_612 : memref<100000x16xf32, #tpu.memory_space<hbm>>) target(%dma_start3A_606 : memref<128x16xf32, #tpu.memory_space<vmem>>) offsets(%dma_start3A_609 : memref<128xi32, #tpu.memory_space<vmem>>) semaphore(%arg31 : memref<!tpu.dma_semaphore, #tpu.memory_space<semaphore_mem>>)
      %mul3A_613 = arith.constant 10 : i32
      %mul3A_614 = arith.muli %scan3A_560, %mul3A_613 : i32
      %add3A_615 = arith.constant 4 : i32
      %add3A_616 = arith.addi %mul3A_614, %add3A_615 : i32
      %dma_start3A_617 = arith.constant 512 : i32
      %dma_start3A_618 = arith.constant 0 : i32
      %dma_start3A_619 = tpu.memref_slice %arg28[%dma_start3A_617, %dma_start3A_618] : memref<1280x16xf32, #tpu.memory_space<vmem>> -> memref<128x16xf32, #tpu.memory_space<vmem>>
      %dma_start3A_620 = arith.constant 0 : i32
      %dma_start3A_621 = tpu.memref_slice %arg22[%add3A_616, %dma_start3A_620] : memref<80x128xi32, #tpu.memory_space<vmem>> -> memref<1x128xi32, #tpu.memory_space<vmem>>
      %dma_start3A_622 = tpu.memref_squeeze %dma_start3A_621 : memref<1x128xi32, #tpu.memory_space<vmem>> -> memref<128xi32, #tpu.memory_space<vmem>>
      %dma_start3A_623 = arith.constant 0 : i32
      %dma_start3A_624 = arith.constant 0 : i32
      %dma_start3A_625 = tpu.memref_slice %arg12[%dma_start3A_623, %dma_start3A_624] : memref<100000x16xf32, #tpu.memory_space<hbm>> -> memref<100000x16xf32, #tpu.memory_space<hbm>>
      tpu.enqueue_indirect_dma source(%dma_start3A_625 : memref<100000x16xf32, #tpu.memory_space<hbm>>) target(%dma_start3A_619 : memref<128x16xf32, #tpu.memory_space<vmem>>) offsets(%dma_start3A_622 : memref<128xi32, #tpu.memory_space<vmem>>) semaphore(%arg31 : memref<!tpu.dma_semaphore, #tpu.memory_space<semaphore_mem>>)
      %mul3A_626 = arith.constant 10 : i32
      %mul3A_627 = arith.muli %scan3A_560, %mul3A_626 : i32
      %add3A_628 = arith.constant 5 : i32
      %add3A_629 = arith.addi %mul3A_627, %add3A_628 : i32
      %dma_start3A_630 = arith.constant 640 : i32
      %dma_start3A_631 = arith.constant 0 : i32
      %dma_start3A_632 = tpu.memref_slice %arg28[%dma_start3A_630, %dma_start3A_631] : memref<1280x16xf32, #tpu.memory_space<vmem>> -> memref<128x16xf32, #tpu.memory_space<vmem>>
      %dma_start3A_633 = arith.constant 0 : i32
      %dma_start3A_634 = tpu.memref_slice %arg22[%add3A_629, %dma_start3A_633] : memref<80x128xi32, #tpu.memory_space<vmem>> -> memref<1x128xi32, #tpu.memory_space<vmem>>
      %dma_start3A_635 = tpu.memref_squeeze %dma_start3A_634 : memref<1x128xi32, #tpu.memory_space<vmem>> -> memref<128xi32, #tpu.memory_space<vmem>>
      %dma_start3A_636 = arith.constant 0 : i32
      %dma_start3A_637 = arith.constant 0 : i32
      %dma_start3A_638 = tpu.memref_slice %arg12[%dma_start3A_636, %dma_start3A_637] : memref<100000x16xf32, #tpu.memory_space<hbm>> -> memref<100000x16xf32, #tpu.memory_space<hbm>>
      tpu.enqueue_indirect_dma source(%dma_start3A_638 : memref<100000x16xf32, #tpu.memory_space<hbm>>) target(%dma_start3A_632 : memref<128x16xf32, #tpu.memory_space<vmem>>) offsets(%dma_start3A_635 : memref<128xi32, #tpu.memory_space<vmem>>) semaphore(%arg31 : memref<!tpu.dma_semaphore, #tpu.memory_space<semaphore_mem>>)
      %mul3A_639 = arith.constant 10 : i32
      %mul3A_640 = arith.muli %scan3A_560, %mul3A_639 : i32
      %add3A_641 = arith.constant 6 : i32
      %add3A_642 = arith.addi %mul3A_640, %add3A_641 : i32
      %dma_start3A_643 = arith.constant 768 : i32
      %dma_start3A_644 = arith.constant 0 : i32
      %dma_start3A_645 = tpu.memref_slice %arg28[%dma_start3A_643, %dma_start3A_644] : memref<1280x16xf32, #tpu.memory_space<vmem>> -> memref<128x16xf32, #tpu.memory_space<vmem>>
      %dma_start3A_646 = arith.constant 0 : i32
      %dma_start3A_647 = tpu.memref_slice %arg22[%add3A_642, %dma_start3A_646] : memref<80x128xi32, #tpu.memory_space<vmem>> -> memref<1x128xi32, #tpu.memory_space<vmem>>
      %dma_start3A_648 = tpu.memref_squeeze %dma_start3A_647 : memref<1x128xi32, #tpu.memory_space<vmem>> -> memref<128xi32, #tpu.memory_space<vmem>>
      %dma_start3A_649 = arith.constant 0 : i32
      %dma_start3A_650 = arith.constant 0 : i32
      %dma_start3A_651 = tpu.memref_slice %arg12[%dma_start3A_649, %dma_start3A_650] : memref<100000x16xf32, #tpu.memory_space<hbm>> -> memref<100000x16xf32, #tpu.memory_space<hbm>>
      tpu.enqueue_indirect_dma source(%dma_start3A_651 : memref<100000x16xf32, #tpu.memory_space<hbm>>) target(%dma_start3A_645 : memref<128x16xf32, #tpu.memory_space<vmem>>) offsets(%dma_start3A_648 : memref<128xi32, #tpu.memory_space<vmem>>) semaphore(%arg31 : memref<!tpu.dma_semaphore, #tpu.memory_space<semaphore_mem>>)
      %mul3A_652 = arith.constant 10 : i32
      %mul3A_653 = arith.muli %scan3A_560, %mul3A_652 : i32
      %add3A_654 = arith.constant 7 : i32
      %add3A_655 = arith.addi %mul3A_653, %add3A_654 : i32
      %dma_start3A_656 = arith.constant 896 : i32
      %dma_start3A_657 = arith.constant 0 : i32
      %dma_start3A_658 = tpu.memref_slice %arg28[%dma_start3A_656, %dma_start3A_657] : memref<1280x16xf32, #tpu.memory_space<vmem>> -> memref<128x16xf32, #tpu.memory_space<vmem>>
      %dma_start3A_659 = arith.constant 0 : i32
      %dma_start3A_660 = tpu.memref_slice %arg22[%add3A_655, %dma_start3A_659] : memref<80x128xi32, #tpu.memory_space<vmem>> -> memref<1x128xi32, #tpu.memory_space<vmem>>
      %dma_start3A_661 = tpu.memref_squeeze %dma_start3A_660 : memref<1x128xi32, #tpu.memory_space<vmem>> -> memref<128xi32, #tpu.memory_space<vmem>>
      %dma_start3A_662 = arith.constant 0 : i32
      %dma_start3A_663 = arith.constant 0 : i32
      %dma_start3A_664 = tpu.memref_slice %arg12[%dma_start3A_662, %dma_start3A_663] : memref<100000x16xf32, #tpu.memory_space<hbm>> -> memref<100000x16xf32, #tpu.memory_space<hbm>>
      tpu.enqueue_indirect_dma source(%dma_start3A_664 : memref<100000x16xf32, #tpu.memory_space<hbm>>) target(%dma_start3A_658 : memref<128x16xf32, #tpu.memory_space<vmem>>) offsets(%dma_start3A_661 : memref<128xi32, #tpu.memory_space<vmem>>) semaphore(%arg31 : memref<!tpu.dma_semaphore, #tpu.memory_space<semaphore_mem>>)
      %mul3A_665 = arith.constant 10 : i32
      %mul3A_666 = arith.muli %scan3A_560, %mul3A_665 : i32
      %add3A_667 = arith.constant 8 : i32
      %add3A_668 = arith.addi %mul3A_666, %add3A_667 : i32
      %dma_start3A_669 = arith.constant 1024 : i32
      %dma_start3A_670 = arith.constant 0 : i32
      %dma_start3A_671 = tpu.memref_slice %arg28[%dma_start3A_669, %dma_start3A_670] : memref<1280x16xf32, #tpu.memory_space<vmem>> -> memref<128x16xf32, #tpu.memory_space<vmem>>
      %dma_start3A_672 = arith.constant 0 : i32
      %dma_start3A_673 = tpu.memref_slice %arg22[%add3A_668, %dma_start3A_672] : memref<80x128xi32, #tpu.memory_space<vmem>> -> memref<1x128xi32, #tpu.memory_space<vmem>>
      %dma_start3A_674 = tpu.memref_squeeze %dma_start3A_673 : memref<1x128xi32, #tpu.memory_space<vmem>> -> memref<128xi32, #tpu.memory_space<vmem>>
      %dma_start3A_675 = arith.constant 0 : i32
      %dma_start3A_676 = arith.constant 0 : i32
      %dma_start3A_677 = tpu.memref_slice %arg12[%dma_start3A_675, %dma_start3A_676] : memref<100000x16xf32, #tpu.memory_space<hbm>> -> memref<100000x16xf32, #tpu.memory_space<hbm>>
      tpu.enqueue_indirect_dma source(%dma_start3A_677 : memref<100000x16xf32, #tpu.memory_space<hbm>>) target(%dma_start3A_671 : memref<128x16xf32, #tpu.memory_space<vmem>>) offsets(%dma_start3A_674 : memref<128xi32, #tpu.memory_space<vmem>>) semaphore(%arg31 : memref<!tpu.dma_semaphore, #tpu.memory_space<semaphore_mem>>)
      %mul3A_678 = arith.constant 10 : i32
      %mul3A_679 = arith.muli %scan3A_560, %mul3A_678 : i32
      %add3A_680 = arith.constant 9 : i32
      %add3A_681 = arith.addi %mul3A_679, %add3A_680 : i32
      %dma_start3A_682 = arith.constant 1152 : i32
      %dma_start3A_683 = arith.constant 0 : i32
      %dma_start3A_684 = tpu.memref_slice %arg28[%dma_start3A_682, %dma_start3A_683] : memref<1280x16xf32, #tpu.memory_space<vmem>> -> memref<128x16xf32, #tpu.memory_space<vmem>>
      %dma_start3A_685 = arith.constant 0 : i32
      %dma_start3A_686 = tpu.memref_slice %arg22[%add3A_681, %dma_start3A_685] : memref<80x128xi32, #tpu.memory_space<vmem>> -> memref<1x128xi32, #tpu.memory_space<vmem>>
      %dma_start3A_687 = tpu.memref_squeeze %dma_start3A_686 : memref<1x128xi32, #tpu.memory_space<vmem>> -> memref<128xi32, #tpu.memory_space<vmem>>
      %dma_start3A_688 = arith.constant 0 : i32
      %dma_start3A_689 = arith.constant 0 : i32
      %dma_start3A_690 = tpu.memref_slice %arg12[%dma_start3A_688, %dma_start3A_689] : memref<100000x16xf32, #tpu.memory_space<hbm>> -> memref<100000x16xf32, #tpu.memory_space<hbm>>
      tpu.enqueue_indirect_dma source(%dma_start3A_690 : memref<100000x16xf32, #tpu.memory_space<hbm>>) target(%dma_start3A_684 : memref<128x16xf32, #tpu.memory_space<vmem>>) offsets(%dma_start3A_687 : memref<128xi32, #tpu.memory_space<vmem>>) semaphore(%arg31 : memref<!tpu.dma_semaphore, #tpu.memory_space<semaphore_mem>>)
      %dma_wait3A_691 = arith.constant 0 : i32
      %dma_wait3A_692 = arith.constant 0 : i32
      %dma_wait3A_693 = tpu.memref_slice %arg28[%dma_wait3A_691, %dma_wait3A_692] : memref<1280x16xf32, #tpu.memory_space<vmem>> -> memref<128x16xf32, #tpu.memory_space<vmem>>
      %dma_wait3A_694 = arith.constant 0 : i32
      %dma_wait3A_695 = tpu.memref_slice %arg22[%add3A_564, %dma_wait3A_694] : memref<80x128xi32, #tpu.memory_space<vmem>> -> memref<1x128xi32, #tpu.memory_space<vmem>>
      %dma_wait3A_696 = tpu.memref_squeeze %dma_wait3A_695 : memref<1x128xi32, #tpu.memory_space<vmem>> -> memref<128xi32, #tpu.memory_space<vmem>>
      %dma_wait3A_697 = arith.constant 0 : i32
      %dma_wait3A_698 = arith.constant 0 : i32
      %dma_wait3A_699 = tpu.memref_slice %arg12[%dma_wait3A_697, %dma_wait3A_698] : memref<100000x16xf32, #tpu.memory_space<hbm>> -> memref<100000x16xf32, #tpu.memory_space<hbm>>
      tpu.wait_indirect_dma semaphore(%arg31 : memref<!tpu.dma_semaphore, #tpu.memory_space<semaphore_mem>>) src(%dma_wait3A_699 : memref<100000x16xf32, #tpu.memory_space<hbm>>) dst(%dma_wait3A_693 : memref<128x16xf32, #tpu.memory_space<vmem>>)
      %dma_wait3A_700 = arith.constant 128 : i32
      %dma_wait3A_701 = arith.constant 0 : i32
      %dma_wait3A_702 = tpu.memref_slice %arg28[%dma_wait3A_700, %dma_wait3A_701] : memref<1280x16xf32, #tpu.memory_space<vmem>> -> memref<128x16xf32, #tpu.memory_space<vmem>>
      %dma_wait3A_703 = arith.constant 0 : i32
      %dma_wait3A_704 = tpu.memref_slice %arg22[%add3A_577, %dma_wait3A_703] : memref<80x128xi32, #tpu.memory_space<vmem>> -> memref<1x128xi32, #tpu.memory_space<vmem>>
      %dma_wait3A_705 = tpu.memref_squeeze %dma_wait3A_704 : memref<1x128xi32, #tpu.memory_space<vmem>> -> memref<128xi32, #tpu.memory_space<vmem>>
      %dma_wait3A_706 = arith.constant 0 : i32
      %dma_wait3A_707 = arith.constant 0 : i32
      %dma_wait3A_708 = tpu.memref_slice %arg12[%dma_wait3A_706, %dma_wait3A_707] : memref<100000x16xf32, #tpu.memory_space<hbm>> -> memref<100000x16xf32, #tpu.memory_space<hbm>>
      tpu.wait_indirect_dma semaphore(%arg31 : memref<!tpu.dma_semaphore, #tpu.memory_space<semaphore_mem>>) src(%dma_wait3A_708 : memref<100000x16xf32, #tpu.memory_space<hbm>>) dst(%dma_wait3A_702 : memref<128x16xf32, #tpu.memory_space<vmem>>)
      %dma_wait3A_709 = arith.constant 256 : i32
      %dma_wait3A_710 = arith.constant 0 : i32
      %dma_wait3A_711 = tpu.memref_slice %arg28[%dma_wait3A_709, %dma_wait3A_710] : memref<1280x16xf32, #tpu.memory_space<vmem>> -> memref<128x16xf32, #tpu.memory_space<vmem>>
      %dma_wait3A_712 = arith.constant 0 : i32
      %dma_wait3A_713 = tpu.memref_slice %arg22[%add3A_590, %dma_wait3A_712] : memref<80x128xi32, #tpu.memory_space<vmem>> -> memref<1x128xi32, #tpu.memory_space<vmem>>
      %dma_wait3A_714 = tpu.memref_squeeze %dma_wait3A_713 : memref<1x128xi32, #tpu.memory_space<vmem>> -> memref<128xi32, #tpu.memory_space<vmem>>
      %dma_wait3A_715 = arith.constant 0 : i32
      %dma_wait3A_716 = arith.constant 0 : i32
      %dma_wait3A_717 = tpu.memref_slice %arg12[%dma_wait3A_715, %dma_wait3A_716] : memref<100000x16xf32, #tpu.memory_space<hbm>> -> memref<100000x16xf32, #tpu.memory_space<hbm>>
      tpu.wait_indirect_dma semaphore(%arg31 : memref<!tpu.dma_semaphore, #tpu.memory_space<semaphore_mem>>) src(%dma_wait3A_717 : memref<100000x16xf32, #tpu.memory_space<hbm>>) dst(%dma_wait3A_711 : memref<128x16xf32, #tpu.memory_space<vmem>>)
      %dma_wait3A_718 = arith.constant 384 : i32
      %dma_wait3A_719 = arith.constant 0 : i32
      %dma_wait3A_720 = tpu.memref_slice %arg28[%dma_wait3A_718, %dma_wait3A_719] : memref<1280x16xf32, #tpu.memory_space<vmem>> -> memref<128x16xf32, #tpu.memory_space<vmem>>
      %dma_wait3A_721 = arith.constant 0 : i32
      %dma_wait3A_722 = tpu.memref_slice %arg22[%add3A_603, %dma_wait3A_721] : memref<80x128xi32, #tpu.memory_space<vmem>> -> memref<1x128xi32, #tpu.memory_space<vmem>>
      %dma_wait3A_723 = tpu.memref_squeeze %dma_wait3A_722 : memref<1x128xi32, #tpu.memory_space<vmem>> -> memref<128xi32, #tpu.memory_space<vmem>>
      %dma_wait3A_724 = arith.constant 0 : i32
      %dma_wait3A_725 = arith.constant 0 : i32
      %dma_wait3A_726 = tpu.memref_slice %arg12[%dma_wait3A_724, %dma_wait3A_725] : memref<100000x16xf32, #tpu.memory_space<hbm>> -> memref<100000x16xf32, #tpu.memory_space<hbm>>
      tpu.wait_indirect_dma semaphore(%arg31 : memref<!tpu.dma_semaphore, #tpu.memory_space<semaphore_mem>>) src(%dma_wait3A_726 : memref<100000x16xf32, #tpu.memory_space<hbm>>) dst(%dma_wait3A_720 : memref<128x16xf32, #tpu.memory_space<vmem>>)
      %dma_wait3A_727 = arith.constant 512 : i32
      %dma_wait3A_728 = arith.constant 0 : i32
      %dma_wait3A_729 = tpu.memref_slice %arg28[%dma_wait3A_727, %dma_wait3A_728] : memref<1280x16xf32, #tpu.memory_space<vmem>> -> memref<128x16xf32, #tpu.memory_space<vmem>>
      %dma_wait3A_730 = arith.constant 0 : i32
      %dma_wait3A_731 = tpu.memref_slice %arg22[%add3A_616, %dma_wait3A_730] : memref<80x128xi32, #tpu.memory_space<vmem>> -> memref<1x128xi32, #tpu.memory_space<vmem>>
      %dma_wait3A_732 = tpu.memref_squeeze %dma_wait3A_731 : memref<1x128xi32, #tpu.memory_space<vmem>> -> memref<128xi32, #tpu.memory_space<vmem>>
      %dma_wait3A_733 = arith.constant 0 : i32
      %dma_wait3A_734 = arith.constant 0 : i32
      %dma_wait3A_735 = tpu.memref_slice %arg12[%dma_wait3A_733, %dma_wait3A_734] : memref<100000x16xf32, #tpu.memory_space<hbm>> -> memref<100000x16xf32, #tpu.memory_space<hbm>>
      tpu.wait_indirect_dma semaphore(%arg31 : memref<!tpu.dma_semaphore, #tpu.memory_space<semaphore_mem>>) src(%dma_wait3A_735 : memref<100000x16xf32, #tpu.memory_space<hbm>>) dst(%dma_wait3A_729 : memref<128x16xf32, #tpu.memory_space<vmem>>)
      %dma_wait3A_736 = arith.constant 640 : i32
      %dma_wait3A_737 = arith.constant 0 : i32
      %dma_wait3A_738 = tpu.memref_slice %arg28[%dma_wait3A_736, %dma_wait3A_737] : memref<1280x16xf32, #tpu.memory_space<vmem>> -> memref<128x16xf32, #tpu.memory_space<vmem>>
      %dma_wait3A_739 = arith.constant 0 : i32
      %dma_wait3A_740 = tpu.memref_slice %arg22[%add3A_629, %dma_wait3A_739] : memref<80x128xi32, #tpu.memory_space<vmem>> -> memref<1x128xi32, #tpu.memory_space<vmem>>
      %dma_wait3A_741 = tpu.memref_squeeze %dma_wait3A_740 : memref<1x128xi32, #tpu.memory_space<vmem>> -> memref<128xi32, #tpu.memory_space<vmem>>
      %dma_wait3A_742 = arith.constant 0 : i32
      %dma_wait3A_743 = arith.constant 0 : i32
      %dma_wait3A_744 = tpu.memref_slice %arg12[%dma_wait3A_742, %dma_wait3A_743] : memref<100000x16xf32, #tpu.memory_space<hbm>> -> memref<100000x16xf32, #tpu.memory_space<hbm>>
      tpu.wait_indirect_dma semaphore(%arg31 : memref<!tpu.dma_semaphore, #tpu.memory_space<semaphore_mem>>) src(%dma_wait3A_744 : memref<100000x16xf32, #tpu.memory_space<hbm>>) dst(%dma_wait3A_738 : memref<128x16xf32, #tpu.memory_space<vmem>>)
      %dma_wait3A_745 = arith.constant 768 : i32
      %dma_wait3A_746 = arith.constant 0 : i32
      %dma_wait3A_747 = tpu.memref_slice %arg28[%dma_wait3A_745, %dma_wait3A_746] : memref<1280x16xf32, #tpu.memory_space<vmem>> -> memref<128x16xf32, #tpu.memory_space<vmem>>
      %dma_wait3A_748 = arith.constant 0 : i32
      %dma_wait3A_749 = tpu.memref_slice %arg22[%add3A_642, %dma_wait3A_748] : memref<80x128xi32, #tpu.memory_space<vmem>> -> memref<1x128xi32, #tpu.memory_space<vmem>>
      %dma_wait3A_750 = tpu.memref_squeeze %dma_wait3A_749 : memref<1x128xi32, #tpu.memory_space<vmem>> -> memref<128xi32, #tpu.memory_space<vmem>>
      %dma_wait3A_751 = arith.constant 0 : i32
      %dma_wait3A_752 = arith.constant 0 : i32
      %dma_wait3A_753 = tpu.memref_slice %arg12[%dma_wait3A_751, %dma_wait3A_752] : memref<100000x16xf32, #tpu.memory_space<hbm>> -> memref<100000x16xf32, #tpu.memory_space<hbm>>
      tpu.wait_indirect_dma semaphore(%arg31 : memref<!tpu.dma_semaphore, #tpu.memory_space<semaphore_mem>>) src(%dma_wait3A_753 : memref<100000x16xf32, #tpu.memory_space<hbm>>) dst(%dma_wait3A_747 : memref<128x16xf32, #tpu.memory_space<vmem>>)
      %dma_wait3A_754 = arith.constant 896 : i32
      %dma_wait3A_755 = arith.constant 0 : i32
      %dma_wait3A_756 = tpu.memref_slice %arg28[%dma_wait3A_754, %dma_wait3A_755] : memref<1280x16xf32, #tpu.memory_space<vmem>> -> memref<128x16xf32, #tpu.memory_space<vmem>>
      %dma_wait3A_757 = arith.constant 0 : i32
      %dma_wait3A_758 = tpu.memref_slice %arg22[%add3A_655, %dma_wait3A_757] : memref<80x128xi32, #tpu.memory_space<vmem>> -> memref<1x128xi32, #tpu.memory_space<vmem>>
      %dma_wait3A_759 = tpu.memref_squeeze %dma_wait3A_758 : memref<1x128xi32, #tpu.memory_space<vmem>> -> memref<128xi32, #tpu.memory_space<vmem>>
      %dma_wait3A_760 = arith.constant 0 : i32
      %dma_wait3A_761 = arith.constant 0 : i32
      %dma_wait3A_762 = tpu.memref_slice %arg12[%dma_wait3A_760, %dma_wait3A_761] : memref<100000x16xf32, #tpu.memory_space<hbm>> -> memref<100000x16xf32, #tpu.memory_space<hbm>>
      tpu.wait_indirect_dma semaphore(%arg31 : memref<!tpu.dma_semaphore, #tpu.memory_space<semaphore_mem>>) src(%dma_wait3A_762 : memref<100000x16xf32, #tpu.memory_space<hbm>>) dst(%dma_wait3A_756 : memref<128x16xf32, #tpu.memory_space<vmem>>)
      %dma_wait3A_763 = arith.constant 1024 : i32
      %dma_wait3A_764 = arith.constant 0 : i32
      %dma_wait3A_765 = tpu.memref_slice %arg28[%dma_wait3A_763, %dma_wait3A_764] : memref<1280x16xf32, #tpu.memory_space<vmem>> -> memref<128x16xf32, #tpu.memory_space<vmem>>
      %dma_wait3A_766 = arith.constant 0 : i32
      %dma_wait3A_767 = tpu.memref_slice %arg22[%add3A_668, %dma_wait3A_766] : memref<80x128xi32, #tpu.memory_space<vmem>> -> memref<1x128xi32, #tpu.memory_space<vmem>>
      %dma_wait3A_768 = tpu.memref_squeeze %dma_wait3A_767 : memref<1x128xi32, #tpu.memory_space<vmem>> -> memref<128xi32, #tpu.memory_space<vmem>>
      %dma_wait3A_769 = arith.constant 0 : i32
      %dma_wait3A_770 = arith.constant 0 : i32
      %dma_wait3A_771 = tpu.memref_slice %arg12[%dma_wait3A_769, %dma_wait3A_770] : memref<100000x16xf32, #tpu.memory_space<hbm>> -> memref<100000x16xf32, #tpu.memory_space<hbm>>
      tpu.wait_indirect_dma semaphore(%arg31 : memref<!tpu.dma_semaphore, #tpu.memory_space<semaphore_mem>>) src(%dma_wait3A_771 : memref<100000x16xf32, #tpu.memory_space<hbm>>) dst(%dma_wait3A_765 : memref<128x16xf32, #tpu.memory_space<vmem>>)
      %dma_wait3A_772 = arith.constant 1152 : i32
      %dma_wait3A_773 = arith.constant 0 : i32
      %dma_wait3A_774 = tpu.memref_slice %arg28[%dma_wait3A_772, %dma_wait3A_773] : memref<1280x16xf32, #tpu.memory_space<vmem>> -> memref<128x16xf32, #tpu.memory_space<vmem>>
      %dma_wait3A_775 = arith.constant 0 : i32
      %dma_wait3A_776 = tpu.memref_slice %arg22[%add3A_681, %dma_wait3A_775] : memref<80x128xi32, #tpu.memory_space<vmem>> -> memref<1x128xi32, #tpu.memory_space<vmem>>
      %dma_wait3A_777 = tpu.memref_squeeze %dma_wait3A_776 : memref<1x128xi32, #tpu.memory_space<vmem>> -> memref<128xi32, #tpu.memory_space<vmem>>
      %dma_wait3A_778 = arith.constant 0 : i32
      %dma_wait3A_779 = arith.constant 0 : i32
      %dma_wait3A_780 = tpu.memref_slice %arg12[%dma_wait3A_778, %dma_wait3A_779] : memref<100000x16xf32, #tpu.memory_space<hbm>> -> memref<100000x16xf32, #tpu.memory_space<hbm>>
      tpu.wait_indirect_dma semaphore(%arg31 : memref<!tpu.dma_semaphore, #tpu.memory_space<semaphore_mem>>) src(%dma_wait3A_780 : memref<100000x16xf32, #tpu.memory_space<hbm>>) dst(%dma_wait3A_774 : memref<128x16xf32, #tpu.memory_space<vmem>>)
      %mul3A_781 = arith.constant 10 : i32
      %mul3A_782 = arith.muli %scan3A_560, %mul3A_781 : i32
      %add3A_783 = arith.constant 0 : i32
      %add3A_784 = arith.addi %mul3A_782, %add3A_783 : i32
      "tpu.region"() ({
        %run_scoped3A = tpu.sem_alloc : memref<!tpu.dma_semaphore, #tpu.memory_space<semaphore_mem>>
        %dma_start3A_821 = arith.constant 0 : i32
        %dma_start3A_822 = arith.constant 0 : i32
        %dma_start3A_823 = tpu.memref_slice %arg28[%dma_start3A_821, %dma_start3A_822] : memref<1280x16xf32, #tpu.memory_space<vmem>> -> memref<128x16xf32, #tpu.memory_space<vmem>>
        %dma_start3A_824 = arith.constant 0 : i32
        %dma_start3A_825 = tpu.memref_slice %arg23[%add3A_784, %dma_start3A_824] : memref<80x128xi32, #tpu.memory_space<vmem>> -> memref<1x128xi32, #tpu.memory_space<vmem>>
        %dma_start3A_826 = tpu.memref_squeeze %dma_start3A_825 : memref<1x128xi32, #tpu.memory_space<vmem>> -> memref<128xi32, #tpu.memory_space<vmem>>
        %dma_start3A_827 = arith.constant 0 : i32
        %dma_start3A_828 = arith.constant 0 : i32
        %dma_start3A_829 = tpu.memref_slice %arg29[%dma_start3A_827, %dma_start3A_828] : memref<8192x16xf32, #tpu.memory_space<vmem_shared>> -> memref<8192x16xf32, #tpu.memory_space<vmem_shared>>
        tpu.enqueue_indirect_dma source(%dma_start3A_823 : memref<128x16xf32, #tpu.memory_space<vmem>>) target(%dma_start3A_829 : memref<8192x16xf32, #tpu.memory_space<vmem_shared>>) offsets(%dma_start3A_826 : memref<128xi32, #tpu.memory_space<vmem>>) semaphore(%run_scoped3A : memref<!tpu.dma_semaphore, #tpu.memory_space<semaphore_mem>>) {add = true}
        %dma_wait3A_830 = arith.constant 0 : i32
        %dma_wait3A_831 = arith.constant 0 : i32
        %dma_wait3A_832 = tpu.memref_slice %arg28[%dma_wait3A_830, %dma_wait3A_831] : memref<1280x16xf32, #tpu.memory_space<vmem>> -> memref<128x16xf32, #tpu.memory_space<vmem>>
        %dma_wait3A_833 = arith.constant 0 : i32
        %dma_wait3A_834 = tpu.memref_slice %arg23[%add3A_784, %dma_wait3A_833] : memref<80x128xi32, #tpu.memory_space<vmem>> -> memref<1x128xi32, #tpu.memory_space<vmem>>
        %dma_wait3A_835 = tpu.memref_squeeze %dma_wait3A_834 : memref<1x128xi32, #tpu.memory_space<vmem>> -> memref<128xi32, #tpu.memory_space<vmem>>
        %dma_wait3A_836 = arith.constant 0 : i32
        %dma_wait3A_837 = arith.constant 0 : i32
        %dma_wait3A_838 = tpu.memref_slice %arg29[%dma_wait3A_836, %dma_wait3A_837] : memref<8192x16xf32, #tpu.memory_space<vmem_shared>> -> memref<8192x16xf32, #tpu.memory_space<vmem_shared>>
        tpu.wait_indirect_dma semaphore(%run_scoped3A : memref<!tpu.dma_semaphore, #tpu.memory_space<semaphore_mem>>) src(%dma_wait3A_832 : memref<128x16xf32, #tpu.memory_space<vmem>>) dst(%dma_wait3A_838 : memref<8192x16xf32, #tpu.memory_space<vmem_shared>>)
        tpu.yield
      }) : () -> ()
      %mul3A_785 = arith.constant 10 : i32
      %mul3A_786 = arith.muli %scan3A_560, %mul3A_785 : i32
      %add3A_787 = arith.constant 1 : i32
      %add3A_788 = arith.addi %mul3A_786, %add3A_787 : i32
      "tpu.region"() ({
        %run_scoped3A = tpu.sem_alloc : memref<!tpu.dma_semaphore, #tpu.memory_space<semaphore_mem>>
        %dma_start3A_821 = arith.constant 128 : i32
        %dma_start3A_822 = arith.constant 0 : i32
        %dma_start3A_823 = tpu.memref_slice %arg28[%dma_start3A_821, %dma_start3A_822] : memref<1280x16xf32, #tpu.memory_space<vmem>> -> memref<128x16xf32, #tpu.memory_space<vmem>>
        %dma_start3A_824 = arith.constant 0 : i32
        %dma_start3A_825 = tpu.memref_slice %arg23[%add3A_788, %dma_start3A_824] : memref<80x128xi32, #tpu.memory_space<vmem>> -> memref<1x128xi32, #tpu.memory_space<vmem>>
        %dma_start3A_826 = tpu.memref_squeeze %dma_start3A_825 : memref<1x128xi32, #tpu.memory_space<vmem>> -> memref<128xi32, #tpu.memory_space<vmem>>
        %dma_start3A_827 = arith.constant 0 : i32
        %dma_start3A_828 = arith.constant 0 : i32
        %dma_start3A_829 = tpu.memref_slice %arg29[%dma_start3A_827, %dma_start3A_828] : memref<8192x16xf32, #tpu.memory_space<vmem_shared>> -> memref<8192x16xf32, #tpu.memory_space<vmem_shared>>
        tpu.enqueue_indirect_dma source(%dma_start3A_823 : memref<128x16xf32, #tpu.memory_space<vmem>>) target(%dma_start3A_829 : memref<8192x16xf32, #tpu.memory_space<vmem_shared>>) offsets(%dma_start3A_826 : memref<128xi32, #tpu.memory_space<vmem>>) semaphore(%run_scoped3A : memref<!tpu.dma_semaphore, #tpu.memory_space<semaphore_mem>>) {add = true}
        %dma_wait3A_830 = arith.constant 128 : i32
        %dma_wait3A_831 = arith.constant 0 : i32
        %dma_wait3A_832 = tpu.memref_slice %arg28[%dma_wait3A_830, %dma_wait3A_831] : memref<1280x16xf32, #tpu.memory_space<vmem>> -> memref<128x16xf32, #tpu.memory_space<vmem>>
        %dma_wait3A_833 = arith.constant 0 : i32
        %dma_wait3A_834 = tpu.memref_slice %arg23[%add3A_788, %dma_wait3A_833] : memref<80x128xi32, #tpu.memory_space<vmem>> -> memref<1x128xi32, #tpu.memory_space<vmem>>
        %dma_wait3A_835 = tpu.memref_squeeze %dma_wait3A_834 : memref<1x128xi32, #tpu.memory_space<vmem>> -> memref<128xi32, #tpu.memory_space<vmem>>
        %dma_wait3A_836 = arith.constant 0 : i32
        %dma_wait3A_837 = arith.constant 0 : i32
        %dma_wait3A_838 = tpu.memref_slice %arg29[%dma_wait3A_836, %dma_wait3A_837] : memref<8192x16xf32, #tpu.memory_space<vmem_shared>> -> memref<8192x16xf32, #tpu.memory_space<vmem_shared>>
        tpu.wait_indirect_dma semaphore(%run_scoped3A : memref<!tpu.dma_semaphore, #tpu.memory_space<semaphore_mem>>) src(%dma_wait3A_832 : memref<128x16xf32, #tpu.memory_space<vmem>>) dst(%dma_wait3A_838 : memref<8192x16xf32, #tpu.memory_space<vmem_shared>>)
        tpu.yield
      }) : () -> ()
      %mul3A_789 = arith.constant 10 : i32
      %mul3A_790 = arith.muli %scan3A_560, %mul3A_789 : i32
      %add3A_791 = arith.constant 2 : i32
      %add3A_792 = arith.addi %mul3A_790, %add3A_791 : i32
      "tpu.region"() ({
        %run_scoped3A = tpu.sem_alloc : memref<!tpu.dma_semaphore, #tpu.memory_space<semaphore_mem>>
        %dma_start3A_821 = arith.constant 256 : i32
        %dma_start3A_822 = arith.constant 0 : i32
        %dma_start3A_823 = tpu.memref_slice %arg28[%dma_start3A_821, %dma_start3A_822] : memref<1280x16xf32, #tpu.memory_space<vmem>> -> memref<128x16xf32, #tpu.memory_space<vmem>>
        %dma_start3A_824 = arith.constant 0 : i32
        %dma_start3A_825 = tpu.memref_slice %arg23[%add3A_792, %dma_start3A_824] : memref<80x128xi32, #tpu.memory_space<vmem>> -> memref<1x128xi32, #tpu.memory_space<vmem>>
        %dma_start3A_826 = tpu.memref_squeeze %dma_start3A_825 : memref<1x128xi32, #tpu.memory_space<vmem>> -> memref<128xi32, #tpu.memory_space<vmem>>
        %dma_start3A_827 = arith.constant 0 : i32
        %dma_start3A_828 = arith.constant 0 : i32
        %dma_start3A_829 = tpu.memref_slice %arg29[%dma_start3A_827, %dma_start3A_828] : memref<8192x16xf32, #tpu.memory_space<vmem_shared>> -> memref<8192x16xf32, #tpu.memory_space<vmem_shared>>
        tpu.enqueue_indirect_dma source(%dma_start3A_823 : memref<128x16xf32, #tpu.memory_space<vmem>>) target(%dma_start3A_829 : memref<8192x16xf32, #tpu.memory_space<vmem_shared>>) offsets(%dma_start3A_826 : memref<128xi32, #tpu.memory_space<vmem>>) semaphore(%run_scoped3A : memref<!tpu.dma_semaphore, #tpu.memory_space<semaphore_mem>>) {add = true}
        %dma_wait3A_830 = arith.constant 256 : i32
        %dma_wait3A_831 = arith.constant 0 : i32
        %dma_wait3A_832 = tpu.memref_slice %arg28[%dma_wait3A_830, %dma_wait3A_831] : memref<1280x16xf32, #tpu.memory_space<vmem>> -> memref<128x16xf32, #tpu.memory_space<vmem>>
        %dma_wait3A_833 = arith.constant 0 : i32
        %dma_wait3A_834 = tpu.memref_slice %arg23[%add3A_792, %dma_wait3A_833] : memref<80x128xi32, #tpu.memory_space<vmem>> -> memref<1x128xi32, #tpu.memory_space<vmem>>
        %dma_wait3A_835 = tpu.memref_squeeze %dma_wait3A_834 : memref<1x128xi32, #tpu.memory_space<vmem>> -> memref<128xi32, #tpu.memory_space<vmem>>
        %dma_wait3A_836 = arith.constant 0 : i32
        %dma_wait3A_837 = arith.constant 0 : i32
        %dma_wait3A_838 = tpu.memref_slice %arg29[%dma_wait3A_836, %dma_wait3A_837] : memref<8192x16xf32, #tpu.memory_space<vmem_shared>> -> memref<8192x16xf32, #tpu.memory_space<vmem_shared>>
        tpu.wait_indirect_dma semaphore(%run_scoped3A : memref<!tpu.dma_semaphore, #tpu.memory_space<semaphore_mem>>) src(%dma_wait3A_832 : memref<128x16xf32, #tpu.memory_space<vmem>>) dst(%dma_wait3A_838 : memref<8192x16xf32, #tpu.memory_space<vmem_shared>>)
        tpu.yield
      }) : () -> ()
      %mul3A_793 = arith.constant 10 : i32
      %mul3A_794 = arith.muli %scan3A_560, %mul3A_793 : i32
      %add3A_795 = arith.constant 3 : i32
      %add3A_796 = arith.addi %mul3A_794, %add3A_795 : i32
      "tpu.region"() ({
        %run_scoped3A = tpu.sem_alloc : memref<!tpu.dma_semaphore, #tpu.memory_space<semaphore_mem>>
        %dma_start3A_821 = arith.constant 384 : i32
        %dma_start3A_822 = arith.constant 0 : i32
        %dma_start3A_823 = tpu.memref_slice %arg28[%dma_start3A_821, %dma_start3A_822] : memref<1280x16xf32, #tpu.memory_space<vmem>> -> memref<128x16xf32, #tpu.memory_space<vmem>>
        %dma_start3A_824 = arith.constant 0 : i32
        %dma_start3A_825 = tpu.memref_slice %arg23[%add3A_796, %dma_start3A_824] : memref<80x128xi32, #tpu.memory_space<vmem>> -> memref<1x128xi32, #tpu.memory_space<vmem>>
        %dma_start3A_826 = tpu.memref_squeeze %dma_start3A_825 : memref<1x128xi32, #tpu.memory_space<vmem>> -> memref<128xi32, #tpu.memory_space<vmem>>
        %dma_start3A_827 = arith.constant 0 : i32
        %dma_start3A_828 = arith.constant 0 : i32
        %dma_start3A_829 = tpu.memref_slice %arg29[%dma_start3A_827, %dma_start3A_828] : memref<8192x16xf32, #tpu.memory_space<vmem_shared>> -> memref<8192x16xf32, #tpu.memory_space<vmem_shared>>
        tpu.enqueue_indirect_dma source(%dma_start3A_823 : memref<128x16xf32, #tpu.memory_space<vmem>>) target(%dma_start3A_829 : memref<8192x16xf32, #tpu.memory_space<vmem_shared>>) offsets(%dma_start3A_826 : memref<128xi32, #tpu.memory_space<vmem>>) semaphore(%run_scoped3A : memref<!tpu.dma_semaphore, #tpu.memory_space<semaphore_mem>>) {add = true}
        %dma_wait3A_830 = arith.constant 384 : i32
        %dma_wait3A_831 = arith.constant 0 : i32
        %dma_wait3A_832 = tpu.memref_slice %arg28[%dma_wait3A_830, %dma_wait3A_831] : memref<1280x16xf32, #tpu.memory_space<vmem>> -> memref<128x16xf32, #tpu.memory_space<vmem>>
        %dma_wait3A_833 = arith.constant 0 : i32
        %dma_wait3A_834 = tpu.memref_slice %arg23[%add3A_796, %dma_wait3A_833] : memref<80x128xi32, #tpu.memory_space<vmem>> -> memref<1x128xi32, #tpu.memory_space<vmem>>
        %dma_wait3A_835 = tpu.memref_squeeze %dma_wait3A_834 : memref<1x128xi32, #tpu.memory_space<vmem>> -> memref<128xi32, #tpu.memory_space<vmem>>
        %dma_wait3A_836 = arith.constant 0 : i32
        %dma_wait3A_837 = arith.constant 0 : i32
        %dma_wait3A_838 = tpu.memref_slice %arg29[%dma_wait3A_836, %dma_wait3A_837] : memref<8192x16xf32, #tpu.memory_space<vmem_shared>> -> memref<8192x16xf32, #tpu.memory_space<vmem_shared>>
        tpu.wait_indirect_dma semaphore(%run_scoped3A : memref<!tpu.dma_semaphore, #tpu.memory_space<semaphore_mem>>) src(%dma_wait3A_832 : memref<128x16xf32, #tpu.memory_space<vmem>>) dst(%dma_wait3A_838 : memref<8192x16xf32, #tpu.memory_space<vmem_shared>>)
        tpu.yield
      }) : () -> ()
      %mul3A_797 = arith.constant 10 : i32
      %mul3A_798 = arith.muli %scan3A_560, %mul3A_797 : i32
      %add3A_799 = arith.constant 4 : i32
      %add3A_800 = arith.addi %mul3A_798, %add3A_799 : i32
      "tpu.region"() ({
        %run_scoped3A = tpu.sem_alloc : memref<!tpu.dma_semaphore, #tpu.memory_space<semaphore_mem>>
        %dma_start3A_821 = arith.constant 512 : i32
        %dma_start3A_822 = arith.constant 0 : i32
        %dma_start3A_823 = tpu.memref_slice %arg28[%dma_start3A_821, %dma_start3A_822] : memref<1280x16xf32, #tpu.memory_space<vmem>> -> memref<128x16xf32, #tpu.memory_space<vmem>>
        %dma_start3A_824 = arith.constant 0 : i32
        %dma_start3A_825 = tpu.memref_slice %arg23[%add3A_800, %dma_start3A_824] : memref<80x128xi32, #tpu.memory_space<vmem>> -> memref<1x128xi32, #tpu.memory_space<vmem>>
        %dma_start3A_826 = tpu.memref_squeeze %dma_start3A_825 : memref<1x128xi32, #tpu.memory_space<vmem>> -> memref<128xi32, #tpu.memory_space<vmem>>
        %dma_start3A_827 = arith.constant 0 : i32
        %dma_start3A_828 = arith.constant 0 : i32
        %dma_start3A_829 = tpu.memref_slice %arg29[%dma_start3A_827, %dma_start3A_828] : memref<8192x16xf32, #tpu.memory_space<vmem_shared>> -> memref<8192x16xf32, #tpu.memory_space<vmem_shared>>
        tpu.enqueue_indirect_dma source(%dma_start3A_823 : memref<128x16xf32, #tpu.memory_space<vmem>>) target(%dma_start3A_829 : memref<8192x16xf32, #tpu.memory_space<vmem_shared>>) offsets(%dma_start3A_826 : memref<128xi32, #tpu.memory_space<vmem>>) semaphore(%run_scoped3A : memref<!tpu.dma_semaphore, #tpu.memory_space<semaphore_mem>>) {add = true}
        %dma_wait3A_830 = arith.constant 512 : i32
        %dma_wait3A_831 = arith.constant 0 : i32
        %dma_wait3A_832 = tpu.memref_slice %arg28[%dma_wait3A_830, %dma_wait3A_831] : memref<1280x16xf32, #tpu.memory_space<vmem>> -> memref<128x16xf32, #tpu.memory_space<vmem>>
        %dma_wait3A_833 = arith.constant 0 : i32
        %dma_wait3A_834 = tpu.memref_slice %arg23[%add3A_800, %dma_wait3A_833] : memref<80x128xi32, #tpu.memory_space<vmem>> -> memref<1x128xi32, #tpu.memory_space<vmem>>
        %dma_wait3A_835 = tpu.memref_squeeze %dma_wait3A_834 : memref<1x128xi32, #tpu.memory_space<vmem>> -> memref<128xi32, #tpu.memory_space<vmem>>
        %dma_wait3A_836 = arith.constant 0 : i32
        %dma_wait3A_837 = arith.constant 0 : i32
        %dma_wait3A_838 = tpu.memref_slice %arg29[%dma_wait3A_836, %dma_wait3A_837] : memref<8192x16xf32, #tpu.memory_space<vmem_shared>> -> memref<8192x16xf32, #tpu.memory_space<vmem_shared>>
        tpu.wait_indirect_dma semaphore(%run_scoped3A : memref<!tpu.dma_semaphore, #tpu.memory_space<semaphore_mem>>) src(%dma_wait3A_832 : memref<128x16xf32, #tpu.memory_space<vmem>>) dst(%dma_wait3A_838 : memref<8192x16xf32, #tpu.memory_space<vmem_shared>>)
        tpu.yield
      }) : () -> ()
      %mul3A_801 = arith.constant 10 : i32
      %mul3A_802 = arith.muli %scan3A_560, %mul3A_801 : i32
      %add3A_803 = arith.constant 5 : i32
      %add3A_804 = arith.addi %mul3A_802, %add3A_803 : i32
      "tpu.region"() ({
        %run_scoped3A = tpu.sem_alloc : memref<!tpu.dma_semaphore, #tpu.memory_space<semaphore_mem>>
        %dma_start3A_821 = arith.constant 640 : i32
        %dma_start3A_822 = arith.constant 0 : i32
        %dma_start3A_823 = tpu.memref_slice %arg28[%dma_start3A_821, %dma_start3A_822] : memref<1280x16xf32, #tpu.memory_space<vmem>> -> memref<128x16xf32, #tpu.memory_space<vmem>>
        %dma_start3A_824 = arith.constant 0 : i32
        %dma_start3A_825 = tpu.memref_slice %arg23[%add3A_804, %dma_start3A_824] : memref<80x128xi32, #tpu.memory_space<vmem>> -> memref<1x128xi32, #tpu.memory_space<vmem>>
        %dma_start3A_826 = tpu.memref_squeeze %dma_start3A_825 : memref<1x128xi32, #tpu.memory_space<vmem>> -> memref<128xi32, #tpu.memory_space<vmem>>
        %dma_start3A_827 = arith.constant 0 : i32
        %dma_start3A_828 = arith.constant 0 : i32
        %dma_start3A_829 = tpu.memref_slice %arg29[%dma_start3A_827, %dma_start3A_828] : memref<8192x16xf32, #tpu.memory_space<vmem_shared>> -> memref<8192x16xf32, #tpu.memory_space<vmem_shared>>
        tpu.enqueue_indirect_dma source(%dma_start3A_823 : memref<128x16xf32, #tpu.memory_space<vmem>>) target(%dma_start3A_829 : memref<8192x16xf32, #tpu.memory_space<vmem_shared>>) offsets(%dma_start3A_826 : memref<128xi32, #tpu.memory_space<vmem>>) semaphore(%run_scoped3A : memref<!tpu.dma_semaphore, #tpu.memory_space<semaphore_mem>>) {add = true}
        %dma_wait3A_830 = arith.constant 640 : i32
        %dma_wait3A_831 = arith.constant 0 : i32
        %dma_wait3A_832 = tpu.memref_slice %arg28[%dma_wait3A_830, %dma_wait3A_831] : memref<1280x16xf32, #tpu.memory_space<vmem>> -> memref<128x16xf32, #tpu.memory_space<vmem>>
        %dma_wait3A_833 = arith.constant 0 : i32
        %dma_wait3A_834 = tpu.memref_slice %arg23[%add3A_804, %dma_wait3A_833] : memref<80x128xi32, #tpu.memory_space<vmem>> -> memref<1x128xi32, #tpu.memory_space<vmem>>
        %dma_wait3A_835 = tpu.memref_squeeze %dma_wait3A_834 : memref<1x128xi32, #tpu.memory_space<vmem>> -> memref<128xi32, #tpu.memory_space<vmem>>
        %dma_wait3A_836 = arith.constant 0 : i32
        %dma_wait3A_837 = arith.constant 0 : i32
        %dma_wait3A_838 = tpu.memref_slice %arg29[%dma_wait3A_836, %dma_wait3A_837] : memref<8192x16xf32, #tpu.memory_space<vmem_shared>> -> memref<8192x16xf32, #tpu.memory_space<vmem_shared>>
        tpu.wait_indirect_dma semaphore(%run_scoped3A : memref<!tpu.dma_semaphore, #tpu.memory_space<semaphore_mem>>) src(%dma_wait3A_832 : memref<128x16xf32, #tpu.memory_space<vmem>>) dst(%dma_wait3A_838 : memref<8192x16xf32, #tpu.memory_space<vmem_shared>>)
        tpu.yield
      }) : () -> ()
      %mul3A_805 = arith.constant 10 : i32
      %mul3A_806 = arith.muli %scan3A_560, %mul3A_805 : i32
      %add3A_807 = arith.constant 6 : i32
      %add3A_808 = arith.addi %mul3A_806, %add3A_807 : i32
      "tpu.region"() ({
        %run_scoped3A = tpu.sem_alloc : memref<!tpu.dma_semaphore, #tpu.memory_space<semaphore_mem>>
        %dma_start3A_821 = arith.constant 768 : i32
        %dma_start3A_822 = arith.constant 0 : i32
        %dma_start3A_823 = tpu.memref_slice %arg28[%dma_start3A_821, %dma_start3A_822] : memref<1280x16xf32, #tpu.memory_space<vmem>> -> memref<128x16xf32, #tpu.memory_space<vmem>>
        %dma_start3A_824 = arith.constant 0 : i32
        %dma_start3A_825 = tpu.memref_slice %arg23[%add3A_808, %dma_start3A_824] : memref<80x128xi32, #tpu.memory_space<vmem>> -> memref<1x128xi32, #tpu.memory_space<vmem>>
        %dma_start3A_826 = tpu.memref_squeeze %dma_start3A_825 : memref<1x128xi32, #tpu.memory_space<vmem>> -> memref<128xi32, #tpu.memory_space<vmem>>
        %dma_start3A_827 = arith.constant 0 : i32
        %dma_start3A_828 = arith.constant 0 : i32
        %dma_start3A_829 = tpu.memref_slice %arg29[%dma_start3A_827, %dma_start3A_828] : memref<8192x16xf32, #tpu.memory_space<vmem_shared>> -> memref<8192x16xf32, #tpu.memory_space<vmem_shared>>
        tpu.enqueue_indirect_dma source(%dma_start3A_823 : memref<128x16xf32, #tpu.memory_space<vmem>>) target(%dma_start3A_829 : memref<8192x16xf32, #tpu.memory_space<vmem_shared>>) offsets(%dma_start3A_826 : memref<128xi32, #tpu.memory_space<vmem>>) semaphore(%run_scoped3A : memref<!tpu.dma_semaphore, #tpu.memory_space<semaphore_mem>>) {add = true}
        %dma_wait3A_830 = arith.constant 768 : i32
        %dma_wait3A_831 = arith.constant 0 : i32
        %dma_wait3A_832 = tpu.memref_slice %arg28[%dma_wait3A_830, %dma_wait3A_831] : memref<1280x16xf32, #tpu.memory_space<vmem>> -> memref<128x16xf32, #tpu.memory_space<vmem>>
        %dma_wait3A_833 = arith.constant 0 : i32
        %dma_wait3A_834 = tpu.memref_slice %arg23[%add3A_808, %dma_wait3A_833] : memref<80x128xi32, #tpu.memory_space<vmem>> -> memref<1x128xi32, #tpu.memory_space<vmem>>
        %dma_wait3A_835 = tpu.memref_squeeze %dma_wait3A_834 : memref<1x128xi32, #tpu.memory_space<vmem>> -> memref<128xi32, #tpu.memory_space<vmem>>
        %dma_wait3A_836 = arith.constant 0 : i32
        %dma_wait3A_837 = arith.constant 0 : i32
        %dma_wait3A_838 = tpu.memref_slice %arg29[%dma_wait3A_836, %dma_wait3A_837] : memref<8192x16xf32, #tpu.memory_space<vmem_shared>> -> memref<8192x16xf32, #tpu.memory_space<vmem_shared>>
        tpu.wait_indirect_dma semaphore(%run_scoped3A : memref<!tpu.dma_semaphore, #tpu.memory_space<semaphore_mem>>) src(%dma_wait3A_832 : memref<128x16xf32, #tpu.memory_space<vmem>>) dst(%dma_wait3A_838 : memref<8192x16xf32, #tpu.memory_space<vmem_shared>>)
        tpu.yield
      }) : () -> ()
      %mul3A_809 = arith.constant 10 : i32
      %mul3A_810 = arith.muli %scan3A_560, %mul3A_809 : i32
      %add3A_811 = arith.constant 7 : i32
      %add3A_812 = arith.addi %mul3A_810, %add3A_811 : i32
      "tpu.region"() ({
        %run_scoped3A = tpu.sem_alloc : memref<!tpu.dma_semaphore, #tpu.memory_space<semaphore_mem>>
        %dma_start3A_821 = arith.constant 896 : i32
        %dma_start3A_822 = arith.constant 0 : i32
        %dma_start3A_823 = tpu.memref_slice %arg28[%dma_start3A_821, %dma_start3A_822] : memref<1280x16xf32, #tpu.memory_space<vmem>> -> memref<128x16xf32, #tpu.memory_space<vmem>>
        %dma_start3A_824 = arith.constant 0 : i32
        %dma_start3A_825 = tpu.memref_slice %arg23[%add3A_812, %dma_start3A_824] : memref<80x128xi32, #tpu.memory_space<vmem>> -> memref<1x128xi32, #tpu.memory_space<vmem>>
        %dma_start3A_826 = tpu.memref_squeeze %dma_start3A_825 : memref<1x128xi32, #tpu.memory_space<vmem>> -> memref<128xi32, #tpu.memory_space<vmem>>
        %dma_start3A_827 = arith.constant 0 : i32
        %dma_start3A_828 = arith.constant 0 : i32
        %dma_start3A_829 = tpu.memref_slice %arg29[%dma_start3A_827, %dma_start3A_828] : memref<8192x16xf32, #tpu.memory_space<vmem_shared>> -> memref<8192x16xf32, #tpu.memory_space<vmem_shared>>
        tpu.enqueue_indirect_dma source(%dma_start3A_823 : memref<128x16xf32, #tpu.memory_space<vmem>>) target(%dma_start3A_829 : memref<8192x16xf32, #tpu.memory_space<vmem_shared>>) offsets(%dma_start3A_826 : memref<128xi32, #tpu.memory_space<vmem>>) semaphore(%run_scoped3A : memref<!tpu.dma_semaphore, #tpu.memory_space<semaphore_mem>>) {add = true}
        %dma_wait3A_830 = arith.constant 896 : i32
        %dma_wait3A_831 = arith.constant 0 : i32
        %dma_wait3A_832 = tpu.memref_slice %arg28[%dma_wait3A_830, %dma_wait3A_831] : memref<1280x16xf32, #tpu.memory_space<vmem>> -> memref<128x16xf32, #tpu.memory_space<vmem>>
        %dma_wait3A_833 = arith.constant 0 : i32
        %dma_wait3A_834 = tpu.memref_slice %arg23[%add3A_812, %dma_wait3A_833] : memref<80x128xi32, #tpu.memory_space<vmem>> -> memref<1x128xi32, #tpu.memory_space<vmem>>
        %dma_wait3A_835 = tpu.memref_squeeze %dma_wait3A_834 : memref<1x128xi32, #tpu.memory_space<vmem>> -> memref<128xi32, #tpu.memory_space<vmem>>
        %dma_wait3A_836 = arith.constant 0 : i32
        %dma_wait3A_837 = arith.constant 0 : i32
        %dma_wait3A_838 = tpu.memref_slice %arg29[%dma_wait3A_836, %dma_wait3A_837] : memref<8192x16xf32, #tpu.memory_space<vmem_shared>> -> memref<8192x16xf32, #tpu.memory_space<vmem_shared>>
        tpu.wait_indirect_dma semaphore(%run_scoped3A : memref<!tpu.dma_semaphore, #tpu.memory_space<semaphore_mem>>) src(%dma_wait3A_832 : memref<128x16xf32, #tpu.memory_space<vmem>>) dst(%dma_wait3A_838 : memref<8192x16xf32, #tpu.memory_space<vmem_shared>>)
        tpu.yield
      }) : () -> ()
      %mul3A_813 = arith.constant 10 : i32
      %mul3A_814 = arith.muli %scan3A_560, %mul3A_813 : i32
      %add3A_815 = arith.constant 8 : i32
      %add3A_816 = arith.addi %mul3A_814, %add3A_815 : i32
      "tpu.region"() ({
        %run_scoped3A = tpu.sem_alloc : memref<!tpu.dma_semaphore, #tpu.memory_space<semaphore_mem>>
        %dma_start3A_821 = arith.constant 1024 : i32
        %dma_start3A_822 = arith.constant 0 : i32
        %dma_start3A_823 = tpu.memref_slice %arg28[%dma_start3A_821, %dma_start3A_822] : memref<1280x16xf32, #tpu.memory_space<vmem>> -> memref<128x16xf32, #tpu.memory_space<vmem>>
        %dma_start3A_824 = arith.constant 0 : i32
        %dma_start3A_825 = tpu.memref_slice %arg23[%add3A_816, %dma_start3A_824] : memref<80x128xi32, #tpu.memory_space<vmem>> -> memref<1x128xi32, #tpu.memory_space<vmem>>
        %dma_start3A_826 = tpu.memref_squeeze %dma_start3A_825 : memref<1x128xi32, #tpu.memory_space<vmem>> -> memref<128xi32, #tpu.memory_space<vmem>>
        %dma_start3A_827 = arith.constant 0 : i32
        %dma_start3A_828 = arith.constant 0 : i32
        %dma_start3A_829 = tpu.memref_slice %arg29[%dma_start3A_827, %dma_start3A_828] : memref<8192x16xf32, #tpu.memory_space<vmem_shared>> -> memref<8192x16xf32, #tpu.memory_space<vmem_shared>>
        tpu.enqueue_indirect_dma source(%dma_start3A_823 : memref<128x16xf32, #tpu.memory_space<vmem>>) target(%dma_start3A_829 : memref<8192x16xf32, #tpu.memory_space<vmem_shared>>) offsets(%dma_start3A_826 : memref<128xi32, #tpu.memory_space<vmem>>) semaphore(%run_scoped3A : memref<!tpu.dma_semaphore, #tpu.memory_space<semaphore_mem>>) {add = true}
        %dma_wait3A_830 = arith.constant 1024 : i32
        %dma_wait3A_831 = arith.constant 0 : i32
        %dma_wait3A_832 = tpu.memref_slice %arg28[%dma_wait3A_830, %dma_wait3A_831] : memref<1280x16xf32, #tpu.memory_space<vmem>> -> memref<128x16xf32, #tpu.memory_space<vmem>>
        %dma_wait3A_833 = arith.constant 0 : i32
        %dma_wait3A_834 = tpu.memref_slice %arg23[%add3A_816, %dma_wait3A_833] : memref<80x128xi32, #tpu.memory_space<vmem>> -> memref<1x128xi32, #tpu.memory_space<vmem>>
        %dma_wait3A_835 = tpu.memref_squeeze %dma_wait3A_834 : memref<1x128xi32, #tpu.memory_space<vmem>> -> memref<128xi32, #tpu.memory_space<vmem>>
        %dma_wait3A_836 = arith.constant 0 : i32
        %dma_wait3A_837 = arith.constant 0 : i32
        %dma_wait3A_838 = tpu.memref_slice %arg29[%dma_wait3A_836, %dma_wait3A_837] : memref<8192x16xf32, #tpu.memory_space<vmem_shared>> -> memref<8192x16xf32, #tpu.memory_space<vmem_shared>>
        tpu.wait_indirect_dma semaphore(%run_scoped3A : memref<!tpu.dma_semaphore, #tpu.memory_space<semaphore_mem>>) src(%dma_wait3A_832 : memref<128x16xf32, #tpu.memory_space<vmem>>) dst(%dma_wait3A_838 : memref<8192x16xf32, #tpu.memory_space<vmem_shared>>)
        tpu.yield
      }) : () -> ()
      %mul3A_817 = arith.constant 10 : i32
      %mul3A_818 = arith.muli %scan3A_560, %mul3A_817 : i32
      %add3A_819 = arith.constant 9 : i32
      %add3A_820 = arith.addi %mul3A_818, %add3A_819 : i32
      "tpu.region"() ({
        %run_scoped3A = tpu.sem_alloc : memref<!tpu.dma_semaphore, #tpu.memory_space<semaphore_mem>>
        %dma_start3A_821 = arith.constant 1152 : i32
        %dma_start3A_822 = arith.constant 0 : i32
        %dma_start3A_823 = tpu.memref_slice %arg28[%dma_start3A_821, %dma_start3A_822] : memref<1280x16xf32, #tpu.memory_space<vmem>> -> memref<128x16xf32, #tpu.memory_space<vmem>>
        %dma_start3A_824 = arith.constant 0 : i32
        %dma_start3A_825 = tpu.memref_slice %arg23[%add3A_820, %dma_start3A_824] : memref<80x128xi32, #tpu.memory_space<vmem>> -> memref<1x128xi32, #tpu.memory_space<vmem>>
        %dma_start3A_826 = tpu.memref_squeeze %dma_start3A_825 : memref<1x128xi32, #tpu.memory_space<vmem>> -> memref<128xi32, #tpu.memory_space<vmem>>
        %dma_start3A_827 = arith.constant 0 : i32
        %dma_start3A_828 = arith.constant 0 : i32
        %dma_start3A_829 = tpu.memref_slice %arg29[%dma_start3A_827, %dma_start3A_828] : memref<8192x16xf32, #tpu.memory_space<vmem_shared>> -> memref<8192x16xf32, #tpu.memory_space<vmem_shared>>
        tpu.enqueue_indirect_dma source(%dma_start3A_823 : memref<128x16xf32, #tpu.memory_space<vmem>>) target(%dma_start3A_829 : memref<8192x16xf32, #tpu.memory_space<vmem_shared>>) offsets(%dma_start3A_826 : memref<128xi32, #tpu.memory_space<vmem>>) semaphore(%run_scoped3A : memref<!tpu.dma_semaphore, #tpu.memory_space<semaphore_mem>>) {add = true}
        %dma_wait3A_830 = arith.constant 1152 : i32
        %dma_wait3A_831 = arith.constant 0 : i32
        %dma_wait3A_832 = tpu.memref_slice %arg28[%dma_wait3A_830, %dma_wait3A_831] : memref<1280x16xf32, #tpu.memory_space<vmem>> -> memref<128x16xf32, #tpu.memory_space<vmem>>
        %dma_wait3A_833 = arith.constant 0 : i32
        %dma_wait3A_834 = tpu.memref_slice %arg23[%add3A_820, %dma_wait3A_833] : memref<80x128xi32, #tpu.memory_space<vmem>> -> memref<1x128xi32, #tpu.memory_space<vmem>>
        %dma_wait3A_835 = tpu.memref_squeeze %dma_wait3A_834 : memref<1x128xi32, #tpu.memory_space<vmem>> -> memref<128xi32, #tpu.memory_space<vmem>>
        %dma_wait3A_836 = arith.constant 0 : i32
        %dma_wait3A_837 = arith.constant 0 : i32
        %dma_wait3A_838 = tpu.memref_slice %arg29[%dma_wait3A_836, %dma_wait3A_837] : memref<8192x16xf32, #tpu.memory_space<vmem_shared>> -> memref<8192x16xf32, #tpu.memory_space<vmem_shared>>
        tpu.wait_indirect_dma semaphore(%run_scoped3A : memref<!tpu.dma_semaphore, #tpu.memory_space<semaphore_mem>>) src(%dma_wait3A_832 : memref<128x16xf32, #tpu.memory_space<vmem>>) dst(%dma_wait3A_838 : memref<8192x16xf32, #tpu.memory_space<vmem_shared>>)
        tpu.yield
      }) : () -> ()
    }
    %scan3A_491 = arith.constant 8 : i32
    %dma_wait3A_492 = arith.constant 0 : i32
    %dma_wait3A_493 = arith.constant 0 : i32
    %dma_wait3A_494 = tpu.memref_slice %arg26[%dma_wait3A_493] : memref<512xf32, #tpu.memory_space<vmem>> -> memref<128xf32, #tpu.memory_space<vmem>>
    %dma_wait3A_495 = arith.constant 0 : i32
    %dma_wait3A_496 = tpu.memref_slice %arg20[%dma_wait3A_492, %dma_wait3A_495] : memref<4x128xi32, #tpu.memory_space<vmem>> -> memref<1x128xi32, #tpu.memory_space<vmem>>
    %dma_wait3A_497 = tpu.memref_squeeze %dma_wait3A_496 : memref<1x128xi32, #tpu.memory_space<vmem>> -> memref<128xi32, #tpu.memory_space<vmem>>
    %dma_wait3A_498 = arith.constant 0 : i32
    %dma_wait3A_499 = tpu.memref_slice %arg10[%dma_wait3A_498] : memref<1000000xf32, #tpu.memory_space<hbm>> -> memref<1000000xf32, #tpu.memory_space<hbm>>
    tpu.wait_indirect_dma semaphore(%arg30 : memref<!tpu.dma_semaphore, #tpu.memory_space<semaphore_mem>>) src(%dma_wait3A_499 : memref<1000000xf32, #tpu.memory_space<hbm>>) dst(%dma_wait3A_494 : memref<128xf32, #tpu.memory_space<vmem>>)
    %dma_wait3A_500 = arith.constant 0 : i32
    %dma_wait3A_501 = arith.constant 0 : i32
    %dma_wait3A_502 = tpu.memref_slice %arg27[%dma_wait3A_501] : memref<512xf32, #tpu.memory_space<vmem>> -> memref<128xf32, #tpu.memory_space<vmem>>
    %dma_wait3A_503 = arith.constant 0 : i32
    %dma_wait3A_504 = tpu.memref_slice %arg21[%dma_wait3A_500, %dma_wait3A_503] : memref<4x128xi32, #tpu.memory_space<vmem>> -> memref<1x128xi32, #tpu.memory_space<vmem>>
    %dma_wait3A_505 = tpu.memref_squeeze %dma_wait3A_504 : memref<1x128xi32, #tpu.memory_space<vmem>> -> memref<128xi32, #tpu.memory_space<vmem>>
    %dma_wait3A_506 = arith.constant 0 : i32
    %dma_wait3A_507 = tpu.memref_slice %arg11[%dma_wait3A_506] : memref<1000000xf32, #tpu.memory_space<hbm>> -> memref<1000000xf32, #tpu.memory_space<hbm>>
    tpu.wait_indirect_dma semaphore(%arg30 : memref<!tpu.dma_semaphore, #tpu.memory_space<semaphore_mem>>) src(%dma_wait3A_507 : memref<1000000xf32, #tpu.memory_space<hbm>>) dst(%dma_wait3A_502 : memref<128xf32, #tpu.memory_space<vmem>>)
    %dma_wait3A_508 = arith.constant 1 : i32
    %dma_wait3A_509 = arith.constant 128 : i32
    %dma_wait3A_510 = tpu.memref_slice %arg26[%dma_wait3A_509] : memref<512xf32, #tpu.memory_space<vmem>> -> memref<128xf32, #tpu.memory_space<vmem>>
    %dma_wait3A_511 = arith.constant 0 : i32
    %dma_wait3A_512 = tpu.memref_slice %arg20[%dma_wait3A_508, %dma_wait3A_511] : memref<4x128xi32, #tpu.memory_space<vmem>> -> memref<1x128xi32, #tpu.memory_space<vmem>>
    %dma_wait3A_513 = tpu.memref_squeeze %dma_wait3A_512 : memref<1x128xi32, #tpu.memory_space<vmem>> -> memref<128xi32, #tpu.memory_space<vmem>>
    %dma_wait3A_514 = arith.constant 0 : i32
    %dma_wait3A_515 = tpu.memref_slice %arg10[%dma_wait3A_514] : memref<1000000xf32, #tpu.memory_space<hbm>> -> memref<1000000xf32, #tpu.memory_space<hbm>>
    tpu.wait_indirect_dma semaphore(%arg30 : memref<!tpu.dma_semaphore, #tpu.memory_space<semaphore_mem>>) src(%dma_wait3A_515 : memref<1000000xf32, #tpu.memory_space<hbm>>) dst(%dma_wait3A_510 : memref<128xf32, #tpu.memory_space<vmem>>)
    %dma_wait3A_516 = arith.constant 1 : i32
    %dma_wait3A_517 = arith.constant 128 : i32
    %dma_wait3A_518 = tpu.memref_slice %arg27[%dma_wait3A_517] : memref<512xf32, #tpu.memory_space<vmem>> -> memref<128xf32, #tpu.memory_space<vmem>>
    %dma_wait3A_519 = arith.constant 0 : i32
    %dma_wait3A_520 = tpu.memref_slice %arg21[%dma_wait3A_516, %dma_wait3A_519] : memref<4x128xi32, #tpu.memory_space<vmem>> -> memref<1x128xi32, #tpu.memory_space<vmem>>
    %dma_wait3A_521 = tpu.memref_squeeze %dma_wait3A_520 : memref<1x128xi32, #tpu.memory_space<vmem>> -> memref<128xi32, #tpu.memory_space<vmem>>
    %dma_wait3A_522 = arith.constant 0 : i32
    %dma_wait3A_523 = tpu.memref_slice %arg11[%dma_wait3A_522] : memref<1000000xf32, #tpu.memory_space<hbm>> -> memref<1000000xf32, #tpu.memory_space<hbm>>
    tpu.wait_indirect_dma semaphore(%arg30 : memref<!tpu.dma_semaphore, #tpu.memory_space<semaphore_mem>>) src(%dma_wait3A_523 : memref<1000000xf32, #tpu.memory_space<hbm>>) dst(%dma_wait3A_518 : memref<128xf32, #tpu.memory_space<vmem>>)
    %dma_wait3A_524 = arith.constant 2 : i32
    %dma_wait3A_525 = arith.constant 256 : i32
    %dma_wait3A_526 = tpu.memref_slice %arg26[%dma_wait3A_525] : memref<512xf32, #tpu.memory_space<vmem>> -> memref<128xf32, #tpu.memory_space<vmem>>
    %dma_wait3A_527 = arith.constant 0 : i32
    %dma_wait3A_528 = tpu.memref_slice %arg20[%dma_wait3A_524, %dma_wait3A_527] : memref<4x128xi32, #tpu.memory_space<vmem>> -> memref<1x128xi32, #tpu.memory_space<vmem>>
    %dma_wait3A_529 = tpu.memref_squeeze %dma_wait3A_528 : memref<1x128xi32, #tpu.memory_space<vmem>> -> memref<128xi32, #tpu.memory_space<vmem>>
    %dma_wait3A_530 = arith.constant 0 : i32
    %dma_wait3A_531 = tpu.memref_slice %arg10[%dma_wait3A_530] : memref<1000000xf32, #tpu.memory_space<hbm>> -> memref<1000000xf32, #tpu.memory_space<hbm>>
    tpu.wait_indirect_dma semaphore(%arg30 : memref<!tpu.dma_semaphore, #tpu.memory_space<semaphore_mem>>) src(%dma_wait3A_531 : memref<1000000xf32, #tpu.memory_space<hbm>>) dst(%dma_wait3A_526 : memref<128xf32, #tpu.memory_space<vmem>>)
    %dma_wait3A_532 = arith.constant 2 : i32
    %dma_wait3A_533 = arith.constant 256 : i32
    %dma_wait3A_534 = tpu.memref_slice %arg27[%dma_wait3A_533] : memref<512xf32, #tpu.memory_space<vmem>> -> memref<128xf32, #tpu.memory_space<vmem>>
    %dma_wait3A_535 = arith.constant 0 : i32
    %dma_wait3A_536 = tpu.memref_slice %arg21[%dma_wait3A_532, %dma_wait3A_535] : memref<4x128xi32, #tpu.memory_space<vmem>> -> memref<1x128xi32, #tpu.memory_space<vmem>>
    %dma_wait3A_537 = tpu.memref_squeeze %dma_wait3A_536 : memref<1x128xi32, #tpu.memory_space<vmem>> -> memref<128xi32, #tpu.memory_space<vmem>>
    %dma_wait3A_538 = arith.constant 0 : i32
    %dma_wait3A_539 = tpu.memref_slice %arg11[%dma_wait3A_538] : memref<1000000xf32, #tpu.memory_space<hbm>> -> memref<1000000xf32, #tpu.memory_space<hbm>>
    tpu.wait_indirect_dma semaphore(%arg30 : memref<!tpu.dma_semaphore, #tpu.memory_space<semaphore_mem>>) src(%dma_wait3A_539 : memref<1000000xf32, #tpu.memory_space<hbm>>) dst(%dma_wait3A_534 : memref<128xf32, #tpu.memory_space<vmem>>)
    %dma_wait3A_540 = arith.constant 3 : i32
    %dma_wait3A_541 = arith.constant 384 : i32
    %dma_wait3A_542 = tpu.memref_slice %arg26[%dma_wait3A_541] : memref<512xf32, #tpu.memory_space<vmem>> -> memref<128xf32, #tpu.memory_space<vmem>>
    %dma_wait3A_543 = arith.constant 0 : i32
    %dma_wait3A_544 = tpu.memref_slice %arg20[%dma_wait3A_540, %dma_wait3A_543] : memref<4x128xi32, #tpu.memory_space<vmem>> -> memref<1x128xi32, #tpu.memory_space<vmem>>
    %dma_wait3A_545 = tpu.memref_squeeze %dma_wait3A_544 : memref<1x128xi32, #tpu.memory_space<vmem>> -> memref<128xi32, #tpu.memory_space<vmem>>
    %dma_wait3A_546 = arith.constant 0 : i32
    %dma_wait3A_547 = tpu.memref_slice %arg10[%dma_wait3A_546] : memref<1000000xf32, #tpu.memory_space<hbm>> -> memref<1000000xf32, #tpu.memory_space<hbm>>
    tpu.wait_indirect_dma semaphore(%arg30 : memref<!tpu.dma_semaphore, #tpu.memory_space<semaphore_mem>>) src(%dma_wait3A_547 : memref<1000000xf32, #tpu.memory_space<hbm>>) dst(%dma_wait3A_542 : memref<128xf32, #tpu.memory_space<vmem>>)
    %dma_wait3A_548 = arith.constant 3 : i32
    %dma_wait3A_549 = arith.constant 384 : i32
    %dma_wait3A_550 = tpu.memref_slice %arg27[%dma_wait3A_549] : memref<512xf32, #tpu.memory_space<vmem>> -> memref<128xf32, #tpu.memory_space<vmem>>
    %dma_wait3A_551 = arith.constant 0 : i32
    %dma_wait3A_552 = tpu.memref_slice %arg21[%dma_wait3A_548, %dma_wait3A_551] : memref<4x128xi32, #tpu.memory_space<vmem>> -> memref<1x128xi32, #tpu.memory_space<vmem>>
    %dma_wait3A_553 = tpu.memref_squeeze %dma_wait3A_552 : memref<1x128xi32, #tpu.memory_space<vmem>> -> memref<128xi32, #tpu.memory_space<vmem>>
    %dma_wait3A_554 = arith.constant 0 : i32
    %dma_wait3A_555 = tpu.memref_slice %arg11[%dma_wait3A_554] : memref<1000000xf32, #tpu.memory_space<hbm>> -> memref<1000000xf32, #tpu.memory_space<hbm>>
    tpu.wait_indirect_dma semaphore(%arg30 : memref<!tpu.dma_semaphore, #tpu.memory_space<semaphore_mem>>) src(%dma_wait3A_555 : memref<1000000xf32, #tpu.memory_space<hbm>>) dst(%dma_wait3A_550 : memref<128xf32, #tpu.memory_space<vmem>>)
    %mul3A_556 = arith.constant 512 : i32
    %mul3A_557 = arith.muli %add3A, %mul3A_556 : i32
    "tpu.region"() ({
      %run_scoped3A = tpu.sem_alloc : memref<!tpu.dma_semaphore, #tpu.memory_space<semaphore_mem>>
      %dma_start3A_560 = tpu.memref_slice %arg16[%mul3A_557] : memref<16384xf32, #tpu.memory_space<hbm>> -> memref<512xf32, #tpu.memory_space<hbm>>
      %dma_start3A_561 = tpu.memref_slice %arg16[%mul3A_557] : memref<16384xf32, #tpu.memory_space<hbm>> -> memref<512xf32, #tpu.memory_space<hbm>>
      tpu.enqueue_dma source(%arg26 : memref<512xf32, #tpu.memory_space<vmem>>) target(%dma_start3A_561 : memref<512xf32, #tpu.memory_space<hbm>>) target_semaphore(%run_scoped3A : memref<!tpu.dma_semaphore, #tpu.memory_space<semaphore_mem>>)
      %dma_wait3A_562 = tpu.memref_slice %arg16[%mul3A_557] : memref<16384xf32, #tpu.memory_space<hbm>> -> memref<512xf32, #tpu.memory_space<hbm>>
      %dma_wait3A_563 = tpu.memref_slice %arg16[%mul3A_557] : memref<16384xf32, #tpu.memory_space<hbm>> -> memref<512xf32, #tpu.memory_space<hbm>>
      tpu.wait_dma2 semaphore(%run_scoped3A : memref<!tpu.dma_semaphore, #tpu.memory_space<semaphore_mem>>) src(%arg26 : memref<512xf32, #tpu.memory_space<vmem>>) dst(%dma_wait3A_563 : memref<512xf32, #tpu.memory_space<hbm>>)
      tpu.yield
    }) : () -> ()
    "tpu.region"() ({
      %run_scoped3A = tpu.sem_alloc : memref<!tpu.dma_semaphore, #tpu.memory_space<semaphore_mem>>
      %dma_start3A_560 = tpu.memref_slice %arg17[%mul3A_557] : memref<16384xf32, #tpu.memory_space<hbm>> -> memref<512xf32, #tpu.memory_space<hbm>>
      %dma_start3A_561 = tpu.memref_slice %arg17[%mul3A_557] : memref<16384xf32, #tpu.memory_space<hbm>> -> memref<512xf32, #tpu.memory_space<hbm>>
      tpu.enqueue_dma source(%arg27 : memref<512xf32, #tpu.memory_space<vmem>>) target(%dma_start3A_561 : memref<512xf32, #tpu.memory_space<hbm>>) target_semaphore(%run_scoped3A : memref<!tpu.dma_semaphore, #tpu.memory_space<semaphore_mem>>)
      %dma_wait3A_562 = tpu.memref_slice %arg17[%mul3A_557] : memref<16384xf32, #tpu.memory_space<hbm>> -> memref<512xf32, #tpu.memory_space<hbm>>
      %dma_wait3A_563 = tpu.memref_slice %arg17[%mul3A_557] : memref<16384xf32, #tpu.memory_space<hbm>> -> memref<512xf32, #tpu.memory_space<hbm>>
      tpu.wait_dma2 semaphore(%run_scoped3A : memref<!tpu.dma_semaphore, #tpu.memory_space<semaphore_mem>>) src(%arg27 : memref<512xf32, #tpu.memory_space<vmem>>) dst(%dma_wait3A_563 : memref<512xf32, #tpu.memory_space<hbm>>)
      tpu.yield
    }) : () -> ()
    %mul3A_558 = arith.constant 512 : i32
    %mul3A_559 = arith.muli %arg1, %mul3A_558 : i32
    "tpu.region"() ({
      %run_scoped3A = tpu.sem_alloc : memref<!tpu.dma_semaphore, #tpu.memory_space<semaphore_mem>>
      %dma_start3A_560 = arith.constant 0 : i32
      %dma_start3A_561 = tpu.memref_slice %arg15[%mul3A_557, %dma_start3A_560] : memref<16384x16xf32, #tpu.memory_space<hbm>> -> memref<512x16xf32, #tpu.memory_space<hbm>>
      %dma_start3A_562 = arith.constant 0 : i32
      %dma_start3A_563 = tpu.memref_slice %arg29[%mul3A_559, %dma_start3A_562] : memref<8192x16xf32, #tpu.memory_space<vmem_shared>> -> memref<512x16xf32, #tpu.memory_space<vmem_shared>>
      tpu.enqueue_dma source(%dma_start3A_563 : memref<512x16xf32, #tpu.memory_space<vmem_shared>>) target(%dma_start3A_561 : memref<512x16xf32, #tpu.memory_space<hbm>>) target_semaphore(%run_scoped3A : memref<!tpu.dma_semaphore, #tpu.memory_space<semaphore_mem>>)
      %dma_wait3A_564 = arith.constant 0 : i32
      %dma_wait3A_565 = tpu.memref_slice %arg15[%mul3A_557, %dma_wait3A_564] : memref<16384x16xf32, #tpu.memory_space<hbm>> -> memref<512x16xf32, #tpu.memory_space<hbm>>
      %dma_wait3A_566 = arith.constant 0 : i32
      %dma_wait3A_567 = tpu.memref_slice %arg29[%mul3A_559, %dma_wait3A_566] : memref<8192x16xf32, #tpu.memory_space<vmem_shared>> -> memref<512x16xf32, #tpu.memory_space<vmem_shared>>
      tpu.wait_dma2 semaphore(%run_scoped3A : memref<!tpu.dma_semaphore, #tpu.memory_space<semaphore_mem>>) src(%dma_wait3A_567 : memref<512x16xf32, #tpu.memory_space<vmem_shared>>) dst(%dma_wait3A_565 : memref<512x16xf32, #tpu.memory_space<hbm>>)
      tpu.yield
    }) : () -> ()
    return
  }
}

module attributes {stable_mosaic.version = 14 : i64} {
  func.func @_pack_body(%arg0: i32, %arg1: memref<32x32768xf32, #tpu.memory_space<vmem>>, %arg2: memref<8192x128xf32, #tpu.memory_space<vmem>>) attributes {dimension_semantics = [#tpu.dimension_semantics<arbitrary>], iteration_bounds = array<i64: 31>, scalar_prefetch = 0 : i64, scratch_operands = 0 : i64, tpu.core_type = #tpu.core_type<tc>, window_params = [{transform_indices = @transform_0, window_bounds = array<i64: 32, 32768>}, {transform_indices = @transform_1, window_bounds = array<i64: 8192, 128>}]} {
    %iota3A = tpu.iota {dimensions = array<i32: 0>} : vector<32x32xi32>
    %iota3A_0 = tpu.iota {dimensions = array<i32: 1>} : vector<32x32xi32>
    %eq3A = arith.cmpi eq, %iota3A, %iota3A_0 : vector<32x32xi32>
    %convert_element_type3A = arith.extui %eq3A : vector<32x32xi1> to vector<32x32xi32>
    %convert_element_type3A_1 = arith.sitofp %convert_element_type3A : vector<32x32xi32> to vector<32x32xf32>
    %convert_element_type3A_2 = arith.truncf %convert_element_type3A_1 : vector<32x32xf32> to vector<32x32xbf16>
    %get3A = arith.constant 0 : index
    %get3A_3 = arith.constant 0 : index
    %get3A_4 = vector.load %arg1[%get3A, %get3A_3] : memref<32x32768xf32, #tpu.memory_space<vmem>>, vector<32x8192xf32>
    %convert_element_type3A_5 = arith.truncf %get3A_4 : vector<32x8192xf32> to vector<32x8192xbf16>
    %convert_element_type3A_6 = arith.extf %convert_element_type3A_5 : vector<32x8192xbf16> to vector<32x8192xf32>
    %sub3A = arith.subf %get3A_4, %convert_element_type3A_6 : vector<32x8192xf32>
    %convert_element_type3A_7 = arith.truncf %sub3A : vector<32x8192xf32> to vector<32x8192xbf16>
    %dot_general3A = arith.constant dense<0.000000e+00> : vector<8192x32xf32>
    %dot_general3A_8 = tpu.matmul %convert_element_type3A_5, %convert_element_type3A_2, %dot_general3A {dimension_numbers = #tpu.dot_dimension_numbers<[0], [0], [1], [1], [0, 1, 1, 1], [], []>, transpose_lhs_hint = false} : vector<32x8192xbf16>, vector<32x32xbf16>, vector<8192x32xf32> -> vector<8192x32xf32>
    %dot_general3A_9 = arith.constant dense<0.000000e+00> : vector<8192x32xf32>
    %dot_general3A_10 = tpu.matmul %convert_element_type3A_7, %convert_element_type3A_2, %dot_general3A_9 {dimension_numbers = #tpu.dot_dimension_numbers<[0], [0], [1], [1], [0, 1, 1, 1], [], []>, transpose_lhs_hint = false} : vector<32x8192xbf16>, vector<32x32xbf16>, vector<8192x32xf32> -> vector<8192x32xf32>
    %add3A = arith.addf %dot_general3A_8, %dot_general3A_10 : vector<8192x32xf32>
    %swap3A = arith.constant 0 : index
    %swap3A_11 = arith.constant 0 : index
    %swap3A_12 = vector.load %arg2[%swap3A, %swap3A_11] : memref<8192x128xf32, #tpu.memory_space<vmem>>, vector<8192x32xf32>
    tpu.vector_store %arg2[%swap3A, %swap3A_11], %add3A {strides = array<i32>} : memref<8192x128xf32, #tpu.memory_space<vmem>>, vector<8192x32xf32>,
    %get3A_13 = arith.constant 0 : index
    %get3A_14 = arith.constant 8192 : index
    %get3A_15 = vector.load %arg1[%get3A_13, %get3A_14] : memref<32x32768xf32, #tpu.memory_space<vmem>>, vector<32x8192xf32>
    %convert_element_type3A_16 = arith.truncf %get3A_15 : vector<32x8192xf32> to vector<32x8192xbf16>
    %convert_element_type3A_17 = arith.extf %convert_element_type3A_16 : vector<32x8192xbf16> to vector<32x8192xf32>
    %sub3A_18 = arith.subf %get3A_15, %convert_element_type3A_17 : vector<32x8192xf32>
    %convert_element_type3A_19 = arith.truncf %sub3A_18 : vector<32x8192xf32> to vector<32x8192xbf16>
    %dot_general3A_20 = arith.constant dense<0.000000e+00> : vector<8192x32xf32>
    %dot_general3A_21 = tpu.matmul %convert_element_type3A_16, %convert_element_type3A_2, %dot_general3A_20 {dimension_numbers = #tpu.dot_dimension_numbers<[0], [0], [1], [1], [0, 1, 1, 1], [], []>, transpose_lhs_hint = false} : vector<32x8192xbf16>, vector<32x32xbf16>, vector<8192x32xf32> -> vector<8192x32xf32>
    %dot_general3A_22 = arith.constant dense<0.000000e+00> : vector<8192x32xf32>
    %dot_general3A_23 = tpu.matmul %convert_element_type3A_19, %convert_element_type3A_2, %dot_general3A_22 {dimension_numbers = #tpu.dot_dimension_numbers<[0], [0], [1], [1], [0, 1, 1, 1], [], []>, transpose_lhs_hint = false} : vector<32x8192xbf16>, vector<32x32xbf16>, vector<8192x32xf32> -> vector<8192x32xf32>
    %add3A_24 = arith.addf %dot_general3A_21, %dot_general3A_23 : vector<8192x32xf32>
    %swap3A_25 = arith.constant 0 : index
    %swap3A_26 = arith.constant 32 : index
    %swap3A_27 = vector.load %arg2[%swap3A_25, %swap3A_26] : memref<8192x128xf32, #tpu.memory_space<vmem>>, vector<8192x32xf32>
    tpu.vector_store %arg2[%swap3A_25, %swap3A_26], %add3A_24 {strides = array<i32>} : memref<8192x128xf32, #tpu.memory_space<vmem>>, vector<8192x32xf32>,
    %get3A_28 = arith.constant 0 : index
    %get3A_29 = arith.constant 16384 : index
    %get3A_30 = vector.load %arg1[%get3A_28, %get3A_29] : memref<32x32768xf32, #tpu.memory_space<vmem>>, vector<32x8192xf32>
    %convert_element_type3A_31 = arith.truncf %get3A_30 : vector<32x8192xf32> to vector<32x8192xbf16>
    %convert_element_type3A_32 = arith.extf %convert_element_type3A_31 : vector<32x8192xbf16> to vector<32x8192xf32>
    %sub3A_33 = arith.subf %get3A_30, %convert_element_type3A_32 : vector<32x8192xf32>
    %convert_element_type3A_34 = arith.truncf %sub3A_33 : vector<32x8192xf32> to vector<32x8192xbf16>
    %dot_general3A_35 = arith.constant dense<0.000000e+00> : vector<8192x32xf32>
    %dot_general3A_36 = tpu.matmul %convert_element_type3A_31, %convert_element_type3A_2, %dot_general3A_35 {dimension_numbers = #tpu.dot_dimension_numbers<[0], [0], [1], [1], [0, 1, 1, 1], [], []>, transpose_lhs_hint = false} : vector<32x8192xbf16>, vector<32x32xbf16>, vector<8192x32xf32> -> vector<8192x32xf32>
    %dot_general3A_37 = arith.constant dense<0.000000e+00> : vector<8192x32xf32>
    %dot_general3A_38 = tpu.matmul %convert_element_type3A_34, %convert_element_type3A_2, %dot_general3A_37 {dimension_numbers = #tpu.dot_dimension_numbers<[0], [0], [1], [1], [0, 1, 1, 1], [], []>, transpose_lhs_hint = false} : vector<32x8192xbf16>, vector<32x32xbf16>, vector<8192x32xf32> -> vector<8192x32xf32>
    %add3A_39 = arith.addf %dot_general3A_36, %dot_general3A_38 : vector<8192x32xf32>
    %swap3A_40 = arith.constant 0 : index
    %swap3A_41 = arith.constant 64 : index
    %swap3A_42 = vector.load %arg2[%swap3A_40, %swap3A_41] : memref<8192x128xf32, #tpu.memory_space<vmem>>, vector<8192x32xf32>
    tpu.vector_store %arg2[%swap3A_40, %swap3A_41], %add3A_39 {strides = array<i32>} : memref<8192x128xf32, #tpu.memory_space<vmem>>, vector<8192x32xf32>,
    %get3A_43 = arith.constant 0 : index
    %get3A_44 = arith.constant 24576 : index
    %get3A_45 = vector.load %arg1[%get3A_43, %get3A_44] : memref<32x32768xf32, #tpu.memory_space<vmem>>, vector<32x8192xf32>
    %convert_element_type3A_46 = arith.truncf %get3A_45 : vector<32x8192xf32> to vector<32x8192xbf16>
    %convert_element_type3A_47 = arith.extf %convert_element_type3A_46 : vector<32x8192xbf16> to vector<32x8192xf32>
    %sub3A_48 = arith.subf %get3A_45, %convert_element_type3A_47 : vector<32x8192xf32>
    %convert_element_type3A_49 = arith.truncf %sub3A_48 : vector<32x8192xf32> to vector<32x8192xbf16>
    %dot_general3A_50 = arith.constant dense<0.000000e+00> : vector<8192x32xf32>
    %dot_general3A_51 = tpu.matmul %convert_element_type3A_46, %convert_element_type3A_2, %dot_general3A_50 {dimension_numbers = #tpu.dot_dimension_numbers<[0], [0], [1], [1], [0, 1, 1, 1], [], []>, transpose_lhs_hint = false} : vector<32x8192xbf16>, vector<32x32xbf16>, vector<8192x32xf32> -> vector<8192x32xf32>
    %dot_general3A_52 = arith.constant dense<0.000000e+00> : vector<8192x32xf32>
    %dot_general3A_53 = tpu.matmul %convert_element_type3A_49, %convert_element_type3A_2, %dot_general3A_52 {dimension_numbers = #tpu.dot_dimension_numbers<[0], [0], [1], [1], [0, 1, 1, 1], [], []>, transpose_lhs_hint = false} : vector<32x8192xbf16>, vector<32x32xbf16>, vector<8192x32xf32> -> vector<8192x32xf32>
    %add3A_54 = arith.addf %dot_general3A_51, %dot_general3A_53 : vector<8192x32xf32>
    %swap3A_55 = arith.constant 0 : index
    %swap3A_56 = arith.constant 96 : index
    %swap3A_57 = vector.load %arg2[%swap3A_55, %swap3A_56] : memref<8192x128xf32, #tpu.memory_space<vmem>>, vector<8192x32xf32>
    tpu.vector_store %arg2[%swap3A_55, %swap3A_56], %add3A_54 {strides = array<i32>} : memref<8192x128xf32, #tpu.memory_space<vmem>>, vector<8192x32xf32>,
    return
  }
  func.func @transform_0(%arg0: i32) -> (i32, i32) {
    %c0_i32 = arith.constant 0 : i32
    %c0_i32_0 = arith.constant 0 : i32
    return %c0_i32, %arg0 : i32, i32
  }
  func.func @transform_1(%arg0: i32) -> (i32, i32) {
    %c0_i32 = arith.constant 0 : i32
    %c0_i32_0 = arith.constant 0 : i32
    return %arg0, %c0_i32 : i32, i32
  }
}

module attributes {stable_mosaic.version = 14 : i64} {
  func.func @_tc_body(%arg0: i32, %arg1: memref<2048x128xf32, #tpu.memory_space<vmem>>, %arg2: memref<2048x128xf32, #tpu.memory_space<vmem>>, %arg3: memref<2048xi32, #tpu.memory_space<vmem>>, %arg4: memref<2048xi32, #tpu.memory_space<vmem>>, %arg5: memref<2048x16xf32, #tpu.memory_space<vmem>>, %arg6: memref<2048xf32, #tpu.memory_space<vmem>>, %arg7: memref<2048xf32, #tpu.memory_space<vmem>>, %arg8: memref<16x32xf32, #tpu.memory_space<vmem>>, %arg9: memref<1x32xf32, #tpu.memory_space<vmem>>, %arg10: memref<1x1xf32, #tpu.memory_space<vmem>>, %arg11: memref<2048xf32, #tpu.memory_space<vmem>>) attributes {dimension_semantics = [#tpu.dimension_semantics<arbitrary>], iteration_bounds = array<i64: 8>, scalar_prefetch = 0 : i64, scratch_operands = 0 : i64, tpu.core_type = #tpu.core_type<tc>, window_params = [{transform_indices = @transform_0, window_bounds = array<i64: 2048, 128>}, {transform_indices = @transform_1, window_bounds = array<i64: 2048, 128>}, {transform_indices = @transform_2, window_bounds = array<i64: 2048>}, {transform_indices = @transform_3, window_bounds = array<i64: 2048>}, {transform_indices = @transform_4, window_bounds = array<i64: 2048, 16>}, {transform_indices = @transform_5, window_bounds = array<i64: 2048>}, {transform_indices = @transform_6, window_bounds = array<i64: 2048>}, {pipeline_mode = #tpu.pipeline_mode<synchronous>, transform_indices = @transform_7, window_bounds = array<i64: 16, 32>}, {pipeline_mode = #tpu.pipeline_mode<synchronous>, transform_indices = @transform_8, window_bounds = array<i64: 1, 32>}, {pipeline_mode = #tpu.pipeline_mode<synchronous>, transform_indices = @transform_9, window_bounds = array<i64: 1, 1>}, {transform_indices = @transform_10, window_bounds = array<i64: 2048>}]} {
    %get3A = arith.constant 0 : index
    %get3A_0 = arith.constant 0 : index
    %get3A_1 = vector.load %arg1[%get3A, %get3A_0] : memref<2048x128xf32, #tpu.memory_space<vmem>>, vector<2048x128xf32>
    %get3A_2 = arith.constant 0 : index
    %get3A_3 = arith.constant 0 : index
    %get3A_4 = vector.load %arg2[%get3A_2, %get3A_3] : memref<2048x128xf32, #tpu.memory_space<vmem>>, vector<2048x128xf32>
    %get3A_5 = arith.constant 0 : index
    %get3A_6 = vector.load %arg3[%get3A_5] : memref<2048xi32, #tpu.memory_space<vmem>>, vector<2048xi32>
    %broadcast_in_dim3A = vector.shape_cast %get3A_6 : vector<2048xi32> to vector<2048x1xi32>
    %get3A_7 = arith.constant 0 : index
    %get3A_8 = vector.load %arg4[%get3A_7] : memref<2048xi32, #tpu.memory_space<vmem>>, vector<2048xi32>
    %broadcast_in_dim3A_9 = vector.shape_cast %get3A_8 : vector<2048xi32> to vector<2048x1xi32>
    %broadcast_in_dim3A_10 = arith.constant 0.000000e+00 : f32
    %broadcast_in_dim3A_11 = vector.broadcast %broadcast_in_dim3A_10 : f32 to vector<2048x32xf32>
    %broadcast_in_dim3A_12 = arith.constant 0.000000e+00 : f32
    %broadcast_in_dim3A_13 = vector.broadcast %broadcast_in_dim3A_12 : f32 to vector<2048x32xf32>
    %eq3A = arith.constant 0 : i32
    %eq3A_14 = vector.broadcast %eq3A : i32 to vector<2048x1xi32>
    %eq3A_15 = arith.cmpi eq, %broadcast_in_dim3A, %eq3A_14 : vector<2048x1xi32>
    %slice3A = vector.extract_strided_slice %get3A_1 {offsets = [0, 0], sizes = [2048, 32], strides = [1, 1]} : vector<2048x128xf32> to vector<2048x32xf32>
    %jit3A = arith.constant 0.000000e+00 : f32
    %broadcast_in_dim3A_16 = vector.shape_cast %eq3A_15 : vector<2048x1xi1> to vector<2048x1xi1>
    %broadcast_in_dim3A_17 = vector.broadcast %broadcast_in_dim3A_16 : vector<2048x1xi1> to vector<2048x32xi1>
    %broadcast_in_dim3A_18 = vector.broadcast %jit3A : f32 to vector<2048x32xf32>
    %select_n3A = arith.select %broadcast_in_dim3A_17, %slice3A, %broadcast_in_dim3A_18 : vector<2048x32xi1>, vector<2048x32xf32>
    %add3A = arith.addf %broadcast_in_dim3A_11, %select_n3A : vector<2048x32xf32>
    %eq3A_19 = arith.constant 0 : i32
    %eq3A_20 = vector.broadcast %eq3A_19 : i32 to vector<2048x1xi32>
    %eq3A_21 = arith.cmpi eq, %broadcast_in_dim3A_9, %eq3A_20 : vector<2048x1xi32>
    %slice3A_22 = vector.extract_strided_slice %get3A_4 {offsets = [0, 0], sizes = [2048, 32], strides = [1, 1]} : vector<2048x128xf32> to vector<2048x32xf32>
    %jit3A_23 = arith.constant 0.000000e+00 : f32
    %broadcast_in_dim3A_24 = vector.shape_cast %eq3A_21 : vector<2048x1xi1> to vector<2048x1xi1>
    %broadcast_in_dim3A_25 = vector.broadcast %broadcast_in_dim3A_24 : vector<2048x1xi1> to vector<2048x32xi1>
    %broadcast_in_dim3A_26 = vector.broadcast %jit3A_23 : f32 to vector<2048x32xf32>
    %select_n3A_27 = arith.select %broadcast_in_dim3A_25, %slice3A_22, %broadcast_in_dim3A_26 : vector<2048x32xi1>, vector<2048x32xf32>
    %add3A_28 = arith.addf %broadcast_in_dim3A_13, %select_n3A_27 : vector<2048x32xf32>
    %eq3A_29 = arith.constant 1 : i32
    %eq3A_30 = vector.broadcast %eq3A_29 : i32 to vector<2048x1xi32>
    %eq3A_31 = arith.cmpi eq, %broadcast_in_dim3A, %eq3A_30 : vector<2048x1xi32>
    %slice3A_32 = vector.extract_strided_slice %get3A_1 {offsets = [0, 32], sizes = [2048, 32], strides = [1, 1]} : vector<2048x128xf32> to vector<2048x32xf32>
    %jit3A_33 = arith.constant 0.000000e+00 : f32
    %broadcast_in_dim3A_34 = vector.shape_cast %eq3A_31 : vector<2048x1xi1> to vector<2048x1xi1>
    %broadcast_in_dim3A_35 = vector.broadcast %broadcast_in_dim3A_34 : vector<2048x1xi1> to vector<2048x32xi1>
    %broadcast_in_dim3A_36 = vector.broadcast %jit3A_33 : f32 to vector<2048x32xf32>
    %select_n3A_37 = arith.select %broadcast_in_dim3A_35, %slice3A_32, %broadcast_in_dim3A_36 : vector<2048x32xi1>, vector<2048x32xf32>
    %add3A_38 = arith.addf %add3A, %select_n3A_37 : vector<2048x32xf32>
    %eq3A_39 = arith.constant 1 : i32
    %eq3A_40 = vector.broadcast %eq3A_39 : i32 to vector<2048x1xi32>
    %eq3A_41 = arith.cmpi eq, %broadcast_in_dim3A_9, %eq3A_40 : vector<2048x1xi32>
    %slice3A_42 = vector.extract_strided_slice %get3A_4 {offsets = [0, 32], sizes = [2048, 32], strides = [1, 1]} : vector<2048x128xf32> to vector<2048x32xf32>
    %jit3A_43 = arith.constant 0.000000e+00 : f32
    %broadcast_in_dim3A_44 = vector.shape_cast %eq3A_41 : vector<2048x1xi1> to vector<2048x1xi1>
    %broadcast_in_dim3A_45 = vector.broadcast %broadcast_in_dim3A_44 : vector<2048x1xi1> to vector<2048x32xi1>
    %broadcast_in_dim3A_46 = vector.broadcast %jit3A_43 : f32 to vector<2048x32xf32>
    %select_n3A_47 = arith.select %broadcast_in_dim3A_45, %slice3A_42, %broadcast_in_dim3A_46 : vector<2048x32xi1>, vector<2048x32xf32>
    %add3A_48 = arith.addf %add3A_28, %select_n3A_47 : vector<2048x32xf32>
    %eq3A_49 = arith.constant 2 : i32
    %eq3A_50 = vector.broadcast %eq3A_49 : i32 to vector<2048x1xi32>
    %eq3A_51 = arith.cmpi eq, %broadcast_in_dim3A, %eq3A_50 : vector<2048x1xi32>
    %slice3A_52 = vector.extract_strided_slice %get3A_1 {offsets = [0, 64], sizes = [2048, 32], strides = [1, 1]} : vector<2048x128xf32> to vector<2048x32xf32>
    %jit3A_53 = arith.constant 0.000000e+00 : f32
    %broadcast_in_dim3A_54 = vector.shape_cast %eq3A_51 : vector<2048x1xi1> to vector<2048x1xi1>
    %broadcast_in_dim3A_55 = vector.broadcast %broadcast_in_dim3A_54 : vector<2048x1xi1> to vector<2048x32xi1>
    %broadcast_in_dim3A_56 = vector.broadcast %jit3A_53 : f32 to vector<2048x32xf32>
    %select_n3A_57 = arith.select %broadcast_in_dim3A_55, %slice3A_52, %broadcast_in_dim3A_56 : vector<2048x32xi1>, vector<2048x32xf32>
    %add3A_58 = arith.addf %add3A_38, %select_n3A_57 : vector<2048x32xf32>
    %eq3A_59 = arith.constant 2 : i32
    %eq3A_60 = vector.broadcast %eq3A_59 : i32 to vector<2048x1xi32>
    %eq3A_61 = arith.cmpi eq, %broadcast_in_dim3A_9, %eq3A_60 : vector<2048x1xi32>
    %slice3A_62 = vector.extract_strided_slice %get3A_4 {offsets = [0, 64], sizes = [2048, 32], strides = [1, 1]} : vector<2048x128xf32> to vector<2048x32xf32>
    %jit3A_63 = arith.constant 0.000000e+00 : f32
    %broadcast_in_dim3A_64 = vector.shape_cast %eq3A_61 : vector<2048x1xi1> to vector<2048x1xi1>
    %broadcast_in_dim3A_65 = vector.broadcast %broadcast_in_dim3A_64 : vector<2048x1xi1> to vector<2048x32xi1>
    %broadcast_in_dim3A_66 = vector.broadcast %jit3A_63 : f32 to vector<2048x32xf32>
    %select_n3A_67 = arith.select %broadcast_in_dim3A_65, %slice3A_62, %broadcast_in_dim3A_66 : vector<2048x32xi1>, vector<2048x32xf32>
    %add3A_68 = arith.addf %add3A_48, %select_n3A_67 : vector<2048x32xf32>
    %eq3A_69 = arith.constant 3 : i32
    %eq3A_70 = vector.broadcast %eq3A_69 : i32 to vector<2048x1xi32>
    %eq3A_71 = arith.cmpi eq, %broadcast_in_dim3A, %eq3A_70 : vector<2048x1xi32>
    %slice3A_72 = vector.extract_strided_slice %get3A_1 {offsets = [0, 96], sizes = [2048, 32], strides = [1, 1]} : vector<2048x128xf32> to vector<2048x32xf32>
    %jit3A_73 = arith.constant 0.000000e+00 : f32
    %broadcast_in_dim3A_74 = vector.shape_cast %eq3A_71 : vector<2048x1xi1> to vector<2048x1xi1>
    %broadcast_in_dim3A_75 = vector.broadcast %broadcast_in_dim3A_74 : vector<2048x1xi1> to vector<2048x32xi1>
    %broadcast_in_dim3A_76 = vector.broadcast %jit3A_73 : f32 to vector<2048x32xf32>
    %select_n3A_77 = arith.select %broadcast_in_dim3A_75, %slice3A_72, %broadcast_in_dim3A_76 : vector<2048x32xi1>, vector<2048x32xf32>
    %add3A_78 = arith.addf %add3A_58, %select_n3A_77 : vector<2048x32xf32>
    %eq3A_79 = arith.constant 3 : i32
    %eq3A_80 = vector.broadcast %eq3A_79 : i32 to vector<2048x1xi32>
    %eq3A_81 = arith.cmpi eq, %broadcast_in_dim3A_9, %eq3A_80 : vector<2048x1xi32>
    %slice3A_82 = vector.extract_strided_slice %get3A_4 {offsets = [0, 96], sizes = [2048, 32], strides = [1, 1]} : vector<2048x128xf32> to vector<2048x32xf32>
    %jit3A_83 = arith.constant 0.000000e+00 : f32
    %broadcast_in_dim3A_84 = vector.shape_cast %eq3A_81 : vector<2048x1xi1> to vector<2048x1xi1>
    %broadcast_in_dim3A_85 = vector.broadcast %broadcast_in_dim3A_84 : vector<2048x1xi1> to vector<2048x32xi1>
    %broadcast_in_dim3A_86 = vector.broadcast %jit3A_83 : f32 to vector<2048x32xf32>
    %select_n3A_87 = arith.select %broadcast_in_dim3A_85, %slice3A_82, %broadcast_in_dim3A_86 : vector<2048x32xi1>, vector<2048x32xf32>
    %add3A_88 = arith.addf %add3A_68, %select_n3A_87 : vector<2048x32xf32>
    %get3A_89 = arith.constant 0 : index
    %get3A_90 = arith.constant 0 : index
    %get3A_91 = vector.load %arg5[%get3A_89, %get3A_90] : memref<2048x16xf32, #tpu.memory_space<vmem>>, vector<2048x16xf32>
    %mul3A = arith.constant 5.000000e-02 : f32
    %mul3A_92 = vector.broadcast %mul3A : f32 to vector<2048x16xf32>
    %mul3A_93 = arith.mulf %get3A_91, %mul3A_92 : vector<2048x16xf32>
    %get3A_94 = arith.constant 0 : index
    %get3A_95 = arith.constant 0 : index
    %get3A_96 = vector.load %arg8[%get3A_94, %get3A_95] : memref<16x32xf32, #tpu.memory_space<vmem>>, vector<16x32xf32>
    %dot_general3A = arith.constant dense<0.000000e+00> : vector<2048x32xf32>
    %dot_general3A_97 = tpu.matmul %mul3A_93, %get3A_96, %dot_general3A {dimension_numbers = #tpu.dot_dimension_numbers<[1], [0], [0], [1], [0, 0, 1, 1], [], []>, transpose_lhs_hint = false} : vector<2048x16xf32>, vector<16x32xf32>, vector<2048x32xf32> -> vector<2048x32xf32>
    %add3A_98 = arith.addf %add3A_88, %dot_general3A_97 : vector<2048x32xf32>
    %get3A_99 = arith.constant 0 : index
    %get3A_100 = arith.constant 0 : index
    %get3A_101 = vector.load %arg9[%get3A_99, %get3A_100] : memref<1x32xf32, #tpu.memory_space<vmem>>, vector<1x32xf32>
    %add3A_102 = vector.broadcast %get3A_101 : vector<1x32xf32> to vector<2048x32xf32>
    %add3A_103 = arith.addf %add3A_98, %add3A_102 : vector<2048x32xf32>
    %mul3A_104 = arith.mulf %add3A_78, %add3A_103 : vector<2048x32xf32>
    %reduce_sum3A = arith.constant dense<0.000000e+00> : vector<2048xf32>
    %reduce_sum3A_105 = vector.multi_reduction <add>, %mul3A_104, %reduce_sum3A [1] : vector<2048x32xf32> to vector<2048xf32>
    %get3A_106 = arith.constant 0 : index
    %get3A_107 = vector.load %arg6[%get3A_106] : memref<2048xf32, #tpu.memory_space<vmem>>, vector<2048xf32>
    %add3A_108 = arith.addf %reduce_sum3A_105, %get3A_107 : vector<2048xf32>
    %get3A_109 = arith.constant 0 : index
    %get3A_110 = vector.load %arg7[%get3A_109] : memref<2048xf32, #tpu.memory_space<vmem>>, vector<2048xf32>
    %add3A_111 = arith.addf %add3A_108, %get3A_110 : vector<2048xf32>
    %get3A_112 = arith.constant 0 : index
    %get3A_113 = arith.constant 0 : index
    %get3A_114 = vector.load %arg10[%get3A_112, %get3A_113] : memref<1x1xf32, #tpu.memory_space<vmem>>, vector<1x1xf32>
    %get3A_115 = vector.extract %get3A_114[0, 0] : f32 from vector<1x1xf32>
    %add3A_116 = vector.broadcast %get3A_115 : f32 to vector<2048xf32>
    %add3A_117 = arith.addf %add3A_111, %add3A_116 : vector<2048xf32>
    %swap3A = arith.constant 0 : index
    %swap3A_118 = vector.load %arg11[%swap3A] : memref<2048xf32, #tpu.memory_space<vmem>>, vector<2048xf32>
    tpu.vector_store %arg11[%swap3A], %add3A_117 {strides = array<i32>} : memref<2048xf32, #tpu.memory_space<vmem>>, vector<2048xf32>,
    return
  }
  func.func @transform_0(%arg0: i32) -> (i32, i32) {
    %c0_i32 = arith.constant 0 : i32
    %c0_i32_0 = arith.constant 0 : i32
    return %arg0, %c0_i32 : i32, i32
  }
  func.func @transform_1(%arg0: i32) -> (i32, i32) {
    %c0_i32 = arith.constant 0 : i32
    %c0_i32_0 = arith.constant 0 : i32
    return %arg0, %c0_i32 : i32, i32
  }
  func.func @transform_2(%arg0: i32) -> i32 {
    %c0_i32 = arith.constant 0 : i32
    return %arg0 : i32
  }
  func.func @transform_3(%arg0: i32) -> i32 {
    %c0_i32 = arith.constant 0 : i32
    return %arg0 : i32
  }
  func.func @transform_4(%arg0: i32) -> (i32, i32) {
    %c0_i32 = arith.constant 0 : i32
    %c0_i32_0 = arith.constant 0 : i32
    return %arg0, %c0_i32 : i32, i32
  }
  func.func @transform_5(%arg0: i32) -> i32 {
    %c0_i32 = arith.constant 0 : i32
    return %arg0 : i32
  }
  func.func @transform_6(%arg0: i32) -> i32 {
    %c0_i32 = arith.constant 0 : i32
    return %arg0 : i32
  }
  func.func @transform_7(%arg0: i32) -> (i32, i32) {
    %c0_i32 = arith.constant 0 : i32
    %c0_i32_0 = arith.constant 0 : i32
    %c0_i32_1 = arith.constant 0 : i32
    return %c0_i32, %c0_i32_0 : i32, i32
  }
  func.func @transform_8(%arg0: i32) -> (i32, i32) {
    %c0_i32 = arith.constant 0 : i32
    %c0_i32_0 = arith.constant 0 : i32
    %c0_i32_1 = arith.constant 0 : i32
    return %c0_i32, %c0_i32_0 : i32, i32
  }
  func.func @transform_9(%arg0: i32) -> (i32, i32) {
    %c0_i32 = arith.constant 0 : i32
    %c0_i32_0 = arith.constant 0 : i32
    %c0_i32_1 = arith.constant 0 : i32
    return %c0_i32, %c0_i32_0 : i32, i32
  }
  func.func @transform_10(%arg0: i32) -> i32 {
    %c0_i32 = arith.constant 0 : i32
    return %arg0 : i32
  }
}

</mosaic_0001>

<sc_bundles>
// kernel: kernel.6.cloned.1.call-start
scs
__scs_entry_jumppad:
0x0: {  	(pc) =	sbr.rel $0x88, $3  }
0x1: {  	(tag) =	ssettag $0x0;
	lr =	simm.s32 $0x1  }
0x2: {  	[smem:$0x3F96] =	sst lr;
	_ =	strace $0xD0000000  }
0x3: {  	_ = 	snop  }
0x4: {  	_ = 	snop  }
0x5: {  	_ = 	snop  }
0x6: {  	_ = 	snop  }
0x7: {  	_ = 	snop  }
__scs_overlays_trampoline_lowered:
0x8: {  	[smem:$0x3FA5] =	sst s0  }
0x9: {  	[smem:$0x3FA6] =	sst s1  }
0xa: {  	[smem:$0x3FA7] =	sst s2  }
0xb: {  	[smem:$0x3FA8] =	sst s3  }
0xc: {  	[smem:$0x3FA9] =	sst s4  }
0xd: {  	[smem:$0x3FAA] =	sst s5  }
0xe: {  	[smem:$0x3FAB] =	sst s6  }
0xf: {  	[smem:$0x3FAC] =	sst s7  }
0x10: {  	[smem:$0x3FAD] =	sst s8  }
0x11: {  	[smem:$0x3FAE] =	sst s9;
	s0 =	simm.s32 @!p0 $0x0  }
0x12: {  	s1 =	sld [smem:$0x3F94];
	s0 =	simm.s32 @p0 $0x1  }
0x13: {  	[smem:$0x3FAF] =	sst s0;
	s0 =	simm.s32 @!p1 $0x0  }
0x14: {  	s2 =	sld [smem:$0x3F93];
	s0 =	simm.s32 @p1 $0x1  }
0x15: {  	[smem:$0x3FB0] =	sst s0;
	s0 =	simm.s32 @!p2 $0x0  }
0x16: {  	s3 =	sld [smem:$0x3FDB];
	s0 =	simm.s32 @p2 $0x1  }
0x17: {  	s4 =	simm.s32 $0x1BF5;
	[smem:$0x3FB2] =	sst s0  }
0x18: {  	s0 =	sld [smem:$0x3F95];
	_ =	swait.ge [sflag:s4], $0x0  }
0x19: {  	s7 =	sld [smem:$0x3F96]  }
0x1a: {  	s8 =	sadd.s32 $0xFFFFE003, lr  }
0x1b: {  	s9 =	sadd.s32 $0xFFFFFEF7, lr;
	s5 =	simm.s32 $0xFFFFFFFF;
	p2 =	slt.u32 s8, $0xFFFFF086  }
0x1c: {  	p1 =	slt.u32 s9, $0xF7A;
	s5 =	simm.s32 @!p2 $0x0  }
0x1d: {  	s5 =	simm.s32 @p1 $0x1;
	p0 =	seq.s32 s7, s2  }
0x1e: {  	s7 =	smul.u32 @!p0 $0xF7A, s2;
	p2 =	seq.s32 @!p0 s5, $0x0  }
0x1f: {  	s9 =	smul.u32 $0xF7A, s1;
	s8 =	simm.s32 @!p0 $0x1BF5;
	p2 =	por !p2, p0  }
0x20: {  	[sflag:s8] =	ssyncset.s32 @!p0 $0xFFFFF086;
	s6 =	sadd.s32 @!p0 s3, s7;
	s7 =	simm.s32 @!p0 $0x108  }
0x21: {  	s3 =	sadd.s32 s3, s9;
	s6 =	sadd.s32 @!p0 $0x88, s6;
	s7 =	simm.s32 @p2 $0x1082  }
0x22: {  	[simem:s7], [sflag:s8] =	dma.local @!p0 [hbm:s6], $0xF7A  }
0x23: {  	s9 =	sor.u32 $0xD0000000, s2;
	s6 =	simm.s32 $0x108;
	_ =	swait.ge @!p0 [sflag:s8], $0x0  }
0x24: {  	s3 =	sadd.s32 $0x88, s3;
	s6 =	simm.s32 @!p1 $0x1082;
	[sflag:s4] =	ssyncset.s32 $0xFFFFF086  }
0x25: {  	[simem:s6], [sflag:s4] =	dma.local [hbm:s3], $0xF7A  }
0x26: {  	[smem:$0x3F96] =	sst s1;
	(tag) =	ssettag s2;
	_ =	strace s9  }
0x27: {  	s1 =	sld [smem:$0x3FA6]  }
0x28: {  	s2 =	sld [smem:$0x3FA7]  }
0x29: {  	s4 =	sld [smem:$0x3FA9]  }
0x2a: {  	p0 =	seq.s32 s5, $0x0;
	s5 =	sld [smem:$0x3FAA]  }
0x2b: {  	s6 =	sld [smem:$0x3FAB]  }
0x2c: {  	s7 =	sld [smem:$0x3FAC]  }
0x2d: {  	s3 =	simm.s32 $0x108;
	s8 =	sld [smem:$0x3FAD]  }
0x2e: {  	s3 =	simm.s32 @!p0 $0x1082;
	s9 =	sld [smem:$0x3FAE]  }
0x2f: {  	lr =	sadd.s32 s0, s3;
	s0 =	sld [smem:$0x3FA5]  }
0x30: {  	s3 =	sld [smem:$0x3FA8]  }
0x31: {  	[smem:$0x3FB1] =	sst s10  }
0x32: {  	s10 =	sld [smem:$0x3FAF];
	_ =	sdelay $0x3  }
0x33: {  	p0 =	seq.s32 s10, $0x1;
	s10 =	sld [smem:$0x3FB1];
	_ =	sdelay $0x3  }
0x34: {  	[smem:$0x3FB1] =	sst s10  }
0x35: {  	s10 =	sld [smem:$0x3FB0];
	_ =	sdelay $0x3  }
0x36: {  	p1 =	seq.s32 s10, $0x1;
	s10 =	sld [smem:$0x3FB1];
	_ =	sdelay $0x3  }
0x37: {  	[smem:$0x3FB1] =	sst s10  }
0x38: {  	s10 =	sld [smem:$0x3FB2]  }
0x39: {  	_ = 	snop;
	(pc) =	sbr.ind lr, $3  }
0x3a: {  	_ = 	snop  }
0x3b: {  	_ = 	snop  }
0x3c: {  	p2 =	seq.s32 s10, $0x1;
	s10 =	sld [smem:$0x3FB1]  }
0x3d: {  	_ =	shalt  }
0x3e: {  	_ =	shalt  }
0x3f: {  	_ =	shalt  }
0x40: {  	_ =	shalt  }
0x41: {  	_ =	shalt  }
0x42: {  	_ =	shalt  }
0x43: {  	_ =	shalt  }
0x44: {  	_ =	shalt  }
0x45: {  	_ =	shalt  }
0x46: {  	_ =	shalt  }
0x47: {  	_ =	shalt  }
0x48: {  	_ =	shalt  }
0x49: {  	_ =	shalt  }
0x4a: {  	_ =	shalt  }
0x4b: {  	_ =	shalt  }
0x4c: {  	_ =	shalt  }
0x4d: {  	_ =	shalt  }
0x4e: {  	_ =	shalt  }
0x4f: {  	_ =	shalt  }
0x50: {  	_ =	shalt  }
0x51: {  	_ =	shalt  }
0x52: {  	_ =	shalt  }
0x53: {  	_ =	shalt  }
0x54: {  	_ =	shalt  }
0x55: {  	_ =	shalt  }
0x56: {  	_ =	shalt  }
0x57: {  	_ =	shalt  }
0x58: {  	_ =	shalt  }
0x59: {  	_ =	shalt  }
0x5a: {  	_ =	shalt  }
0x5b: {  	_ =	shalt  }
0x5c: {  	_ =	shalt  }
0x5d: {  	_ =	shalt  }
0x5e: {  	_ =	shalt  }
0x5f: {  	_ =	shalt  }
0x60: {  	_ =	shalt  }
0x61: {  	_ =	shalt  }
0x62: {  	_ =	shalt  }
0x63: {  	_ =	shalt  }
0x64: {  	_ =	shalt  }
0x65: {  	_ =	shalt  }
0x66: {  	_ =	shalt  }
0x67: {  	_ =	shalt  }
0x68: {  	_ =	shalt  }
0x69: {  	_ =	shalt  }
0x6a: {  	_ =	shalt  }
0x6b: {  	_ =	shalt  }
0x6c: {  	_ =	shalt  }
0x6d: {  	_ =	shalt  }
0x6e: {  	_ =	shalt  }
0x6f: {  	_ =	shalt  }
0x70: {  	_ =	shalt  }
0x71: {  	_ =	shalt  }
0x72: {  	_ =	shalt  }
0x73: {  	_ =	shalt  }
0x74: {  	_ =	shalt  }
0x75: {  	_ =	shalt  }
0x76: {  	_ =	shalt  }
0x77: {  	_ =	shalt  }
0x78: {  	_ =	shalt  }
0x79: {  	_ =	shalt  }
0x7a: {  	_ =	shalt  }
0x7b: {  	_ =	shalt  }
0x7c: {  	_ =	shalt  }
0x7d: {  	_ =	shalt  }
0x7e: {  	_ =	shalt  }
0x7f: {  	_ =	shalt  }
0x80: {  	_ =	shalt  }
0x81: {  	_ =	shalt  }
0x82: {  	_ =	shalt  }
0x83: {  	_ =	shalt  }
0x84: {  	_ =	shalt  }
0x85: {  	_ =	shalt  }
0x86: {  	_ =	shalt  }
0x87: {  	_ =	shalt  }
.Lfunc_end0:
.L_simem_size_0:
called_computation_lowered:
.L_overlay_start_0:
0x88: {  	s2 =	sld [smem:$0x3FD9]  }
0x89: {  	s3 =	sld [smem:$0x3FFE];
	_ =	sdelay $0x1  }
0x8a: {  	s1 =	srdreg.scid  }
0x8b: {  	s0 =	sand.u32 $0x1, s1  }
0x8c: {  	s17 =	sshll.u32 s0, $0xA;
	s2 =	sadd.s32 s3, s2  }
0x8d: {  	s2 =	sadd.s32 s2, s17  }
0x8e: {  	[smem:$0x3FBD] =	sst s2  }
0x8f: {  	_ = 	snop  }
0x90: {  	s2 =	sld [smem:$0x3FC9]  }
0x91: {  	s18 =	sld [smem:$0x3FC8];
	(tm) =	ssettm $0x1  }
0x92: {  	s4 =	sld [smem:$0x3FFB];
	_ =	sdelay $0x3  }
0x93: {  	_ =	strace s4  }
0x94: {  	s4 =	sld [smem:$0x3FFC];
	_ =	sdelay $0x3  }
0x95: {  	_ =	strace s4  }
0x96: {  	s4 =	sld [smem:$0x3FFD];
	_ =	sdelay $0x3  }
0x97: {  	_ =	strace s4  }
0x98: {  	_ =	strace $0x8FFFFFFF  }
0x99: {  	s19 =	sld [smem:$0x3FDB];
	_ =	sdelay $0x1  }
0x9a: {  	s5 =	simm.s32 $_scs_section_size  }
0x9b: {  	s6 =	simm.s32 $_size__tile_overlayer_lowered;
	s7 =	simm.s32 $_tile_overlayer_lowered  }
0x9c: {  	s22 =	simm.s32 $0x1BFF;
	s21 =	sshll.u32 s7, $0x1;
	s4 =	sadd.s32 s5, s19  }
0x9d: {  	s8 =	simm.s32 $0x0;
	s20 =	sshll.u32 s6, $0x1;
	s6 =	sadd.s32 s21, s4  }
0x9e: {  	[timem:s8], [sflag:s22] =	dma.local [hbm:s6], s20  }
0x9f: {  	_ =	swait.ge [sflag:s22], s20  }
0xa0: {  	s5 =	ssub.s32 $0x0, s20;
	[sflag:s22] =	ssyncset.done $0x0  }
0xa1: {  	[sflag:s22] =	ssyncadd.s32 s5;
	_ =	sdelay $0x1  }
0xa2: {  	s23 =	simm.s32 $0x1B8B  }
0xa3: {  	_ =	swait.ge [sflag:s23], $0x1  }
0xa4: {  	[sflag:s23] =	ssyncset.done $0x0  }
0xa5: {  	s25 =	simm.s32 $0x1B8E;
	s24 =	sld [smem:$0x3FFE];
	[sflag:s23] =	ssyncadd.s32 $0xFFFFFFFF  }
0xa6: {  	s26 =	simm.s32 $execute0_lowered;
	[smem:$0x3FD2] =	sst s25  }
0xa7: {  	s6 =	sshll.u32 s26, $0x1;
	_ =	strace $0x80000046;
	[dreg:$0x1] =	wrdreg $0xFFFFFFFF  }
0xa8: {  	s28 =	simm.s32 $_size_execute0_lowered;
	s4 =	sadd.s32 s4, s6;
	[dreg:$0x0] =	wrdreg $0x0  }
0xa9: {  	s6 =	sshll.u32 s28, $0x1;
	[dreg:$0x2] =	wrdreg s4  }
0xaa: {  	[dreg:$0x3] =	wrdreg s6  }
0xab: {  	[dreg:$0x4] =	wrdreg $0xC0  }
0xac: {  	_ =	task [dreg:s8], $0x5FFFF  }
0xad: {  	[dreg:$0x1] =	wrdreg $0xFFFFFFFF  }
0xae: {  	[dreg:$0x0] =	wrdreg $0x60  }
0xaf: {  	[dreg:$0x2] =	wrdreg s24  }
0xb0: {  	[dreg:$0x3] =	wrdreg s2  }
0xb1: {  	[dreg:$0x4] =	wrdreg s18  }
0xb2: {  	[dreg:$0x5] =	wrdreg $0x1AC000  }
0xb3: {  	[dreg:$0x6] =	wrdreg $0x9  }
0xb4: {  	_ =	task.clear_ibuf [dreg:s8], $0x7FFFF;
	_ =	strace $0x90000046  }
0xb5: {  	s29 =	simm.s32 $0x9;
	_ =	strace $0x80000048  }
0xb6: {  	_ =	swait.ge [sflag:s29], $0x1  }
0xb7: {  	[sflag:s29] =	ssyncadd.s32 $0xFFFFFFFF  }
0xb8: {  	_ =	strace $0x90000048  }
0xb9: {  	_ =	sfence  }
0xba: {  	s30 =	sld [smem:$0x0];
	_ =	sdelay $0x2  }
0xbb: {  	s31 =	sshll.u32 s1, $0xD;
	s1 =	sshrl.u32 s1, $0x2  }
0xbc: {  	s3 =	sand.u32 $0x4000, s31;
	s1 =	sadd.s32 s1, s30  }
0xbd: {  	s0 =	sor.u32 s3, s0;
	s1 =	sshll.u32 s1, $0x11  }
0xbe: {  	s0 =	sor.u32 s1, s0  }
0xbf: {  	s0 =	sadd.s32 $0x8F2B, s0  }
0xc0: {  	[sflag:s0] =	ssyncadd.remote.s32 $0x1  }
0xc1: {  	_ =	sfence.sel $0xFFFF  }
0xc2: {  	[dreg:$0x0] =	wrdreg $0xFFFFFFFF;
	(pc) =	sbr.abs _section_cstart, $3  }
0xc3: {  	[dreg:$0x1] =	wrdreg $0xFFFFFFFF  }
0xc4: {  	_ =	task.clear_ibuf [dreg:s8], $0x2FFFF;
	_ =	strace $0x9FFFFFFF  }
0xc5: {  	(tm) =	ssettm $0x7FFFFFFF  }
tec
execute0_lowered:
.L_overlay_start_1:
0x0: {  	(tag) =	ssettag $0x1  }
0x1: {  	s0 =	rddreg [dreg:$0x0]  }
0x2: {  	s1 =	rddreg [dreg:$0x1];
	s2 =	srdreg.scid  }
0x3: {  	s18 =	stileid.u32;
	s9 =	rddreg [dreg:$0x2];
	s29 =	simm.s32 $0x7  }
0x4: {  	s30 =	simm.s32 $0x16C00;
	s31 =	simm.s32 $0x17400;
	s10 =	sand.u32 $0x1, s2  }
0x5: {  	s3 =	sshll.u32 s18, $0x1;
	s2 =	rddreg [dreg:$0x3];
	s20 =	sadd.s32 $0x200E00, s0  }
0x6: {  	s21 =	sadd.s32 $0x5E0E00, s0;
	s22 =	sadd.s32 $0x2200, s0;
	s7 =	sadd.s32 $0x20C00, s0  }
0x7: {  	s8 =	sadd.s32 $0x1D0000, s0;
	s13 =	sadd.s32 $0x5CE00, s0;
	s14 =	sadd.s32 $0x9DE00, s0  }
0x8: {  	s11 =	sor.u32 s10, s3;
	s3 =	simm.s32 $0x0;
	s10 =	ssub.s32 $0x2, s10  }
0x9: {  	s4 =	smul.u32 $0x500, s11;
	[smem:$0x7FF] =	sst s3;
	s15 =	sshll.u32 s11, $0xA  }
0xa: {  	s16 =	sshll.u32 s11, $0x6;
	_ =	strace $0x80000047;
	[dreg:$0x18] =	wrdreg s20  }
0xb: {  	s17 =	sshrl.u32 s10, $0x1;
	s26 =	sshll.u32 s11, $0xD;
	[dreg:$0x19] =	wrdreg s21  }
0xc: {  	[dreg:$0x1a] =	wrdreg s22;
	s15 =	sadd.s32 s15, s0;
	s1 =	sadd.s32 s1, s16  }
0xd: {  	s10 =	ssub.s32 s10, s17;
	s24 =	sadd.s32 s9, s16;
	[dreg:$0x6] =	wrdreg s1  }
0xe: {  	s5 =	sadd.s32 s14, s26;
	s6 =	sor.u32 $0x800, s26;
	[dreg:$0x7] =	wrdreg s24  }
0xf: {  	s12 =	sadd.s32 s4, s0;
	s4 =	sadd.s32 s13, s26;
	[dreg:$0xa] =	wrdreg s5  }
0x10: {  	s0 =	sadd.s32 s16, s0;
	s16 =	sadd.s32 s13, s6;
	[dreg:$0x9] =	wrdreg s4  }
0x11: {  	s17 =	sor.u32 $0x1000, s26;
	s9 =	sadd.s32 s14, s6;
	[dreg:$0xb] =	wrdreg s16  }
0x12: {  	s28 =	simm.s32 $0x0;
	s19 =	sadd.s32 s13, s17;
	[dreg:$0xc] =	wrdreg s9  }
0x13: {  	s1 =	sor.u32 $0x1800, s26;
	s26 =	smax.u32 s10, $0x1;
	[dreg:$0xd] =	wrdreg s19  }
0x14: {  	s21 =	sshll.u32 s18, $0xD;
	s23 =	sadd.s32 $0x49E00, s0;
	[dreg:$0x17] =	wrdreg s26  }
0x15: {  	s18 =	simm.s32 $0x6;
	s25 =	sadd.s32 $0x3F600, s12;
	[dreg:$0x5] =	wrdreg s23  }
0x16: {  	s10 =	simm.s32 $0x1;
	s9 =	sadd.s32 s14, s17;
	[dreg:$0x8] =	wrdreg s25  }
0x17: {  	s20 =	sadd.s32 s13, s1;
	s1 =	sadd.s32 s14, s1;
	[dreg:$0xe] =	wrdreg s9  }
0x18: {  	s22 =	sadd.s32 $0x4AE00, s12;
	s13 =	sadd.s32 s21, s2;
	[dreg:$0xf] =	wrdreg s20  }
0x19: {  	s24 =	sadd.s32 $0x9CE00, s0;
	s16 =	simm.s32 $0x5;
	[dreg:$0x10] =	wrdreg s1  }
0x1a: {  	s17 =	simm.s32 $0x4;
	s19 =	simm.s32 $0x15C00;
	[dreg:$0x11] =	wrdreg s22  }
0x1b: {  	s21 =	simm.s32 $0x17C00;
	s26 =	simm.s32 $0x2;
	[dreg:$0x14] =	wrdreg s24  }
0x1c: {  	s23 =	sadd.s32 $0x49600, s0;
	s0 =	sadd.s32 $0x9D600, s0;
	[dreg:$0x12] =	wrdreg s13  }
0x1d: {  	s25 =	sadd.s32 $0x54E00, s15;
	s15 =	simm.s32 $0x3;
	[dreg:$0x13] =	wrdreg s23  }
0x1e: {  	s20 =	simm.s32 $0x16400;
	s1 =	simm.s32 $0x18400;
	[dreg:$0x15] =	wrdreg s0  }
0x1f: {  	s24 =	simm.s32 $0x19400;
	s9 =	simm.s32 $0x1A400;
	[dreg:$0x16] =	wrdreg s25  }
0x20: {  	v0 =	vimm.f32 $0.0e+00;
	s0 =	simm.s32 $0x80;
	s23 =	simm.s32 $0x18C00;
	s25 =	simm.s32 $0x19C00  }
.LBB2_1:
0x21: {  	s11 =	rddreg [dreg:$0x5]  }
0x22: {  	[tilespmem:s3], [sflag:$0x7] =	stream.linear.gather [hbm4b:s11+s3], $0x200, $0x38;
	[tilespmem:$0x1CC00] =	vst v63  }
0x23: {  	_ =	swait.ge [sflag:s29], $0x200  }
0x24: {  	[sflag:s29] =	ssyncset.done $0x0  }
0x25: {  	s12 =	simm.s32 $0x200;
	s4 =	rddreg [dreg:$0x13];
	[sflag:s29] =	ssyncadd.s32 $0xFFFFFE00  }
0x26: {  	[tilespmem:s12], [sflag:$0x7] =	stream.linear.gather [hbm4b:s4+s3], $0x200, $0x38;
	[tilespmem:$0x1CC00] =	vst v63  }
0x27: {  	_ =	swait.ge [sflag:s29], $0x200  }
0x28: {  	[sflag:s29] =	ssyncset.done $0x0  }
0x29: {  	s14 =	simm.s32 $0x400;
	s5 =	rddreg [dreg:$0x6];
	[sflag:s29] =	ssyncadd.s32 $0xFFFFFE00  }
0x2a: {  	[tilespmem:s14], [sflag:$0x7] =	stream.linear.gather [hbm4b:s5+s3], $0x200, $0x38;
	[tilespmem:$0x1CC00] =	vst v63  }
0x2b: {  	_ =	swait.ge [sflag:s29], $0x200  }
0x2c: {  	[sflag:s29] =	ssyncset.done $0x0  }
0x2d: {  	s22 =	simm.s32 $0x600;
	s6 =	rddreg [dreg:$0x7];
	[sflag:s29] =	ssyncadd.s32 $0xFFFFFE00  }
0x2e: {  	[tilespmem:s22], [sflag:$0x7] =	stream.linear.gather [hbm4b:s6+s3], $0x200, $0x38;
	[tilespmem:$0x1CC00] =	vst v63  }
0x2f: {  	_ =	swait.ge [sflag:s29], $0x200  }
0x30: {  	[sflag:s29] =	ssyncset.done $0x0  }
0x31: {  	s4 =	simm.s32 $0x800;
	s11 =	rddreg [dreg:$0x8];
	[sflag:s29] =	ssyncadd.s32 $0xFFFFFE00  }
0x32: {  	[tilespmem:s4], [sflag:$0x7] =	stream.linear.gather [hbm4b:s11+s3], $0x2800, $0x38;
	[tilespmem:$0x1CC00] =	vst v63  }
0x33: {  	_ =	swait.ge [sflag:s29], $0x2800  }
0x34: {  	[sflag:s29] =	ssyncset.done $0x0  }
0x35: {  	s4 =	simm.s32 $0x3000;
	s11 =	rddreg [dreg:$0x11];
	[sflag:s29] =	ssyncadd.s32 $0xFFFFD800  }
0x36: {  	[tilespmem:s4], [sflag:$0x7] =	stream.linear.gather [hbm4b:s11+s3], $0x2800, $0x38;
	[tilespmem:$0x1CC00] =	vst v63  }
0x37: {  	_ =	swait.ge [sflag:s29], $0x2800  }
0x38: {  	[sflag:s29] =	ssyncset.done $0x0  }
0x39: {  	s5 =	simm.s32 $0x15800;
	s4 =	rddreg [dreg:$0x1a];
	[sflag:s29] =	ssyncadd.s32 $0xFFFFD800  }
0x3a: {  	[tilespmem:s5], [sflag:$0x1] =	stream.indirect.gather [hbm4b:s4+s0], $0x1, s14, s0, $0xb8;
	[tilespmem:$0x1CC00] =	vst v63  }
0x3b: {  	s6 =	simm.s32 $0x15A00  }
0x3c: {  	[tilespmem:s6], [sflag:$0x1] =	stream.indirect.gather [hbm4b:s7+s0], $0x1, s22, s0, $0xb8;
	[tilespmem:$0x1CC00] =	vst v63  }
0x3d: {  	s14 =	simm.s32 $0x480;
	s22 =	simm.s32 $0x15880  }
0x3e: {  	[tilespmem:s22], [sflag:$0x1] =	stream.indirect.gather [hbm4b:s4+s0], $0x1, s14, s0, $0xb8;
	[tilespmem:$0x1CC00] =	vst v63  }
0x3f: {  	s11 =	simm.s32 $0x15A80;
	s6 =	simm.s32 $0x680  }
0x40: {  	[tilespmem:s11], [sflag:$0x1] =	stream.indirect.gather [hbm4b:s7+s0], $0x1, s6, s0, $0xb8;
	[tilespmem:$0x1CC00] =	vst v63  }
0x41: {  	s14 =	simm.s32 $0x500;
	s22 =	simm.s32 $0x15900  }
0x42: {  	[tilespmem:s22], [sflag:$0x1] =	stream.indirect.gather [hbm4b:s4+s0], $0x1, s14, s0, $0xb8;
	[tilespmem:$0x1CC00] =	vst v63  }
0x43: {  	s6 =	simm.s32 $0x700;
	s11 =	simm.s32 $0x15B00  }
0x44: {  	[tilespmem:s11], [sflag:$0x1] =	stream.indirect.gather [hbm4b:s7+s0], $0x1, s6, s0, $0xb8;
	[tilespmem:$0x1CC00] =	vst v63  }
0x45: {  	s14 =	simm.s32 $0x580;
	s22 =	simm.s32 $0x15980  }
0x46: {  	[tilespmem:s22], [sflag:$0x1] =	stream.indirect.gather [hbm4b:s4+s0], $0x1, s14, s0, $0xb8;
	[tilespmem:$0x1CC00] =	vst v63  }
0x47: {  	s5 =	simm.s32 $0x780;
	s6 =	simm.s32 $0x15B80  }
0x48: {  	[tilespmem:s6], [sflag:$0x1] =	stream.indirect.gather [hbm4b:s7+s0], $0x1, s5, s0, $0xb8;
	[tilespmem:$0x1CC00] =	vst v63  }
0x49: {  	s4 =	rddreg [dreg:$0x18];
	s6 =	simm.s32 $0x5800  }
0x4a: {  	[tilespmem:s6], [sflag:$0x3] =	stream.indirect.gather [hbm4b:s4+s0], $0x80, s3, s0, $0xb8;
	[tilespmem:$0x1CC00] =	vst v63  }
0x4b: {  	s14 =	simm.s32 $0xD800;
	s5 =	rddreg [dreg:$0x19]  }
0x4c: {  	[tilespmem:s14], [sflag:$0x3] =	stream.indirect.gather [hbm4b:s5+s0], $0x80, s12, s0, $0xb8;
	[tilespmem:$0x1CC00] =	vst v63  }
0x4d: {  	s12 =	simm.s32 $0x9800  }
0x4e: {  	[tilespmem:s12], [sflag:$0x4] =	stream.indirect.gather [hbm4b:s4+s0], $0x80, s0, s0, $0xb8;
	[tilespmem:$0x1CC00] =	vst v63  }
0x4f: {  	s11 =	simm.s32 $0x280;
	s22 =	simm.s32 $0x11800  }
0x50: {  	[tilespmem:s22], [sflag:$0x4] =	stream.indirect.gather [hbm4b:s5+s0], $0x80, s11, s0, $0xb8;
	[tilespmem:$0x1CC00] =	vst v63  }
0x51: {  	_ =	swait.ge [sflag:s15], $0x4000  }
0x52: {  	[sflag:s15] =	ssyncset.done $0x0  }
0x53: {  	[sflag:s15] =	ssyncadd.s32 $0xFFFFC000  }
0x54: {  	_ =	swait.ge [sflag:s15], $0x4000  }
0x55: {  	[sflag:s15] =	ssyncset.done $0x0  }
0x56: {  	s11 =	rddreg [dreg:$0x9];
	[sflag:s15] =	ssyncadd.s32 $0xFFFFC000  }
0x57: {  	[hbm4b:s11+s3] =	stream.linear.scatter [tilespmem:s6], [sflag:$0x5], $0x4000, $0x38;
	[tilespmem:$0x1CC00] =	vst v63  }
0x58: {  	s11 =	rddreg [dreg:$0xa]  }
0x59: {  	[hbm4b:s11+s3] =	stream.linear.scatter [tilespmem:s14], [sflag:$0x5], $0x4000, $0x38;
	[tilespmem:$0x1CC00] =	vst v63  }
0x5a: {  	_ =	swait.ge [sflag:s16], $0x4000  }
0x5b: {  	[sflag:s16] =	ssyncset.done $0x0  }
0x5c: {  	[sflag:s16] =	ssyncadd.s32 $0xFFFFC000  }
0x5d: {  	_ =	swait.ge [sflag:s16], $0x4000  }
0x5e: {  	[sflag:s16] =	ssyncset.done $0x0  }
0x5f: {  	s11 =	simm.s32 $0x100;
	[sflag:s16] =	ssyncadd.s32 $0xFFFFC000  }
0x60: {  	[tilespmem:s6], [sflag:$0x3] =	stream.indirect.gather [hbm4b:s4+s0], $0x80, s11, s0, $0xb8;
	[tilespmem:$0x1CC00] =	vst v63  }
0x61: {  	s11 =	simm.s32 $0x300  }
0x62: {  	[tilespmem:s14], [sflag:$0x3] =	stream.indirect.gather [hbm4b:s5+s0], $0x80, s11, s0, $0xb8;
	[tilespmem:$0x1CC00] =	vst v63  }
0x63: {  	_ =	swait.ge [sflag:s17], $0x4000  }
0x64: {  	[sflag:s17] =	ssyncset.done $0x0  }
0x65: {  	[sflag:s17] =	ssyncadd.s32 $0xFFFFC000  }
0x66: {  	_ =	swait.ge [sflag:s17], $0x4000  }
0x67: {  	[sflag:s17] =	ssyncset.done $0x0  }
0x68: {  	s11 =	rddreg [dreg:$0xb];
	[sflag:s17] =	ssyncadd.s32 $0xFFFFC000  }
0x69: {  	[hbm4b:s11+s3] =	stream.linear.scatter [tilespmem:s12], [sflag:$0x6], $0x4000, $0x38;
	[tilespmem:$0x1CC00] =	vst v63  }
0x6a: {  	s11 =	rddreg [dreg:$0xc]  }
0x6b: {  	[hbm4b:s11+s3] =	stream.linear.scatter [tilespmem:s22], [sflag:$0x6], $0x4000, $0x38;
	[tilespmem:$0x1CC00] =	vst v63  }
0x6c: {  	_ =	swait.ge [sflag:s18], $0x4000  }
0x6d: {  	[sflag:s18] =	ssyncset.done $0x0  }
0x6e: {  	[sflag:s18] =	ssyncadd.s32 $0xFFFFC000  }
0x6f: {  	_ =	swait.ge [sflag:s18], $0x4000  }
0x70: {  	[sflag:s18] =	ssyncset.done $0x0  }
0x71: {  	s11 =	simm.s32 $0x180;
	[sflag:s18] =	ssyncadd.s32 $0xFFFFC000  }
0x72: {  	[tilespmem:s12], [sflag:$0x4] =	stream.indirect.gather [hbm4b:s4+s0], $0x80, s11, s0, $0xb8;
	[tilespmem:$0x1CC00] =	vst v63  }
0x73: {  	s11 =	simm.s32 $0x380  }
0x74: {  	[tilespmem:s22], [sflag:$0x4] =	stream.indirect.gather [hbm4b:s5+s0], $0x80, s11, s0, $0xb8;
	[tilespmem:$0x1CC00] =	vst v63  }
0x75: {  	_ =	swait.ge [sflag:s15], $0x4000  }
0x76: {  	[sflag:s15] =	ssyncset.done $0x0  }
0x77: {  	[sflag:s15] =	ssyncadd.s32 $0xFFFFC000  }
0x78: {  	_ =	swait.ge [sflag:s15], $0x4000  }
0x79: {  	[sflag:s15] =	ssyncset.done $0x0  }
0x7a: {  	s4 =	rddreg [dreg:$0xd];
	[sflag:s15] =	ssyncadd.s32 $0xFFFFC000  }
0x7b: {  	[hbm4b:s4+s3] =	stream.linear.scatter [tilespmem:s6], [sflag:$0x5], $0x4000, $0x38;
	[tilespmem:$0x1CC00] =	vst v63  }
0x7c: {  	s5 =	rddreg [dreg:$0xe]  }
0x7d: {  	[hbm4b:s5+s3] =	stream.linear.scatter [tilespmem:s14], [sflag:$0x5], $0x4000, $0x38;
	[tilespmem:$0x1CC00] =	vst v63  }
0x7e: {  	_ =	swait.ge [sflag:s17], $0x4000  }
0x7f: {  	[sflag:s17] =	ssyncset.done $0x0  }
0x80: {  	[sflag:s17] =	ssyncadd.s32 $0xFFFFC000  }
0x81: {  	_ =	swait.ge [sflag:s17], $0x4000  }
0x82: {  	[sflag:s17] =	ssyncset.done $0x0  }
0x83: {  	s6 =	rddreg [dreg:$0xf];
	[sflag:s17] =	ssyncadd.s32 $0xFFFFC000  }
0x84: {  	[hbm4b:s6+s3] =	stream.linear.scatter [tilespmem:s12], [sflag:$0x6], $0x4000, $0x38;
	[tilespmem:$0x1CC00] =	vst v63  }
0x85: {  	s14 =	rddreg [dreg:$0x10]  }
0x86: {  	[hbm4b:s14+s3] =	stream.linear.scatter [tilespmem:s22], [sflag:$0x6], $0x4000, $0x38;
	[tilespmem:$0x1CC00] =	vst v63  }
0x87: {  	_ =	swait.ge [sflag:s16], $0x4000  }
0x88: {  	[sflag:s16] =	ssyncset.done $0x0  }
0x89: {  	[sflag:s16] =	ssyncadd.s32 $0xFFFFC000  }
0x8a: {  	_ =	swait.ge [sflag:s16], $0x4000  }
0x8b: {  	[sflag:s16] =	ssyncset.done $0x0  }
0x8c: {  	[sflag:s16] =	ssyncadd.s32 $0xFFFFC000  }
0x8d: {  	_ =	swait.ge [sflag:s18], $0x4000  }
0x8e: {  	[sflag:s18] =	ssyncset.done $0x0  }
0x8f: {  	[sflag:s18] =	ssyncadd.s32 $0xFFFFC000  }
0x90: {  	_ =	swait.ge [sflag:s18], $0x4000  }
0x91: {  	[sflag:s18] =	ssyncset.done $0x0  }
0x92: {  	s11 =	simm.s32 $0x40;
	s12 =	simm.s32 $0x0;
	[sflag:s18] =	ssyncadd.s32 $0xFFFFC000  }
.LBB2_2:
0x93: {  	p0 =	sne.s32 s11, $0x7FC0;
	[tilespmem:s12+$0x15C00] =	vst v0;
	s12 =	smov.u32 s11;
	s11 =	sadd.s32 $0x40, s11  }
.Ltmp0:
0x94: {  	(pc) =	sbr.rel @p0 .LBB2_2-.Ltmp0, $2  }
0x95: {  	_ =	sdelay $0x2  }
0x96: {  	s12 =	sshra.s32 s12, $0x2  }
0x97: {  	[tilespmem:s12+$0x15C00] =	vst v0  }
0x98: {  	[spmem:s13] =	stream.linear.scatter [tilespmem:s19], [sflag:$0x7], $0x2000, $0x38;
	[tilespmem:$0x1CC00] =	vst v63  }
0x99: {  	_ =	swait.ge [sflag:s29], $0x2000  }
0x9a: {  	[sflag:s29] =	ssyncset.done $0x0  }
0x9b: {  	s11 =	simm.s32 $0x800;
	[sflag:s29] =	ssyncadd.s32 $0xFFFFE000  }
0x9c: {  	[tilespmem:s19], [sflag:$0x2] =	stream.indirect.gather [hbm4b:s8+s0], $0x10, s11, s0, $0xb8;
	[tilespmem:$0x1CC00] =	vst v63  }
0x9d: {  	s6 =	simm.s32 $0x880  }
0x9e: {  	[tilespmem:s20], [sflag:$0x2] =	stream.indirect.gather [hbm4b:s8+s0], $0x10, s6, s0, $0xb8;
	[tilespmem:$0x1CC00] =	vst v63  }
0x9f: {  	s12 =	simm.s32 $0x900  }
0xa0: {  	[tilespmem:s30], [sflag:$0x2] =	stream.indirect.gather [hbm4b:s8+s0], $0x10, s12, s0, $0xb8;
	[tilespmem:$0x1CC00] =	vst v63  }
0xa1: {  	s13 =	simm.s32 $0x980  }
0xa2: {  	[tilespmem:s31], [sflag:$0x2] =	stream.indirect.gather [hbm4b:s8+s0], $0x10, s13, s0, $0xb8;
	[tilespmem:$0x1CC00] =	vst v63  }
0xa3: {  	s14 =	simm.s32 $0xA00  }
0xa4: {  	[tilespmem:s21], [sflag:$0x2] =	stream.indirect.gather [hbm4b:s8+s0], $0x10, s14, s0, $0xb8;
	[tilespmem:$0x1CC00] =	vst v63  }
0xa5: {  	s22 =	simm.s32 $0xA80  }
0xa6: {  	[tilespmem:s1], [sflag:$0x2] =	stream.indirect.gather [hbm4b:s8+s0], $0x10, s22, s0, $0xb8;
	[tilespmem:$0x1CC00] =	vst v63  }
0xa7: {  	s4 =	simm.s32 $0xB00  }
0xa8: {  	[tilespmem:s23], [sflag:$0x2] =	stream.indirect.gather [hbm4b:s8+s0], $0x10, s4, s0, $0xb8;
	[tilespmem:$0x1CC00] =	vst v63  }
0xa9: {  	s5 =	simm.s32 $0xB80  }
0xaa: {  	[tilespmem:s24], [sflag:$0x2] =	stream.indirect.gather [hbm4b:s8+s0], $0x10, s5, s0, $0xb8;
	[tilespmem:$0x1CC00] =	vst v63  }
0xab: {  	s6 =	simm.s32 $0xC00  }
0xac: {  	[tilespmem:s25], [sflag:$0x2] =	stream.indirect.gather [hbm4b:s8+s0], $0x10, s6, s0, $0xb8;
	[tilespmem:$0x1CC00] =	vst v63  }
0xad: {  	s12 =	simm.s32 $0xC80  }
0xae: {  	[tilespmem:s9], [sflag:$0x2] =	stream.indirect.gather [hbm4b:s8+s0], $0x10, s12, s0, $0xb8;
	[tilespmem:$0x1CC00] =	vst v63  }
0xaf: {  	_ =	swait.ge [sflag:s26], $0x800  }
0xb0: {  	[sflag:s26] =	ssyncset.done $0x0  }
0xb1: {  	[sflag:s26] =	ssyncadd.s32 $0xFFFFF800  }
0xb2: {  	_ =	swait.ge [sflag:s26], $0x800  }
0xb3: {  	[sflag:s26] =	ssyncset.done $0x0  }
0xb4: {  	[sflag:s26] =	ssyncadd.s32 $0xFFFFF800  }
0xb5: {  	_ =	swait.ge [sflag:s26], $0x800  }
0xb6: {  	[sflag:s26] =	ssyncset.done $0x0  }
0xb7: {  	[sflag:s26] =	ssyncadd.s32 $0xFFFFF800  }
0xb8: {  	_ =	swait.ge [sflag:s26], $0x800  }
0xb9: {  	[sflag:s26] =	ssyncset.done $0x0  }
0xba: {  	[sflag:s26] =	ssyncadd.s32 $0xFFFFF800  }
0xbb: {  	_ =	swait.ge [sflag:s26], $0x800  }
0xbc: {  	[sflag:s26] =	ssyncset.done $0x0  }
0xbd: {  	[sflag:s26] =	ssyncadd.s32 $0xFFFFF800  }
0xbe: {  	_ =	swait.ge [sflag:s26], $0x800  }
0xbf: {  	[sflag:s26] =	ssyncset.done $0x0  }
0xc0: {  	[sflag:s26] =	ssyncadd.s32 $0xFFFFF800  }
0xc1: {  	_ =	swait.ge [sflag:s26], $0x800  }
0xc2: {  	[sflag:s26] =	ssyncset.done $0x0  }
0xc3: {  	[sflag:s26] =	ssyncadd.s32 $0xFFFFF800  }
0xc4: {  	_ =	swait.ge [sflag:s26], $0x800  }
0xc5: {  	[sflag:s26] =	ssyncset.done $0x0  }
0xc6: {  	[sflag:s26] =	ssyncadd.s32 $0xFFFFF800  }
0xc7: {  	_ =	swait.ge [sflag:s26], $0x800  }
0xc8: {  	[sflag:s26] =	ssyncset.done $0x0  }
0xc9: {  	[sflag:s26] =	ssyncadd.s32 $0xFFFFF800  }
0xca: {  	_ =	swait.ge [sflag:s26], $0x800  }
0xcb: {  	[sflag:s26] =	ssyncset.done $0x0  }
0xcc: {  	s13 =	simm.s32 $0x3000;
	[sflag:s26] =	ssyncadd.s32 $0xFFFFF800  }
0xcd: {  	[spmem:s2] =	stream.indirect.scatter.add.f32 [tilespmem:s19], [sflag:$0x7], $0x10, s13, s0, $0xb8;
	[tilespmem:$0x1CC00] =	vst v63  }
0xce: {  	_ =	swait.ge [sflag:s29], $0x800  }
0xcf: {  	[sflag:s29] =	ssyncset.done $0x0  }
0xd0: {  	s14 =	simm.s32 $0x3080;
	[sflag:s29] =	ssyncadd.s32 $0xFFFFF800  }
0xd1: {  	[spmem:s2] =	stream.indirect.scatter.add.f32 [tilespmem:s20], [sflag:$0x7], $0x10, s14, s0, $0xb8;
	[tilespmem:$0x1CC00] =	vst v63  }
0xd2: {  	_ =	swait.ge [sflag:s29], $0x800  }
0xd3: {  	[sflag:s29] =	ssyncset.done $0x0  }
0xd4: {  	s22 =	simm.s32 $0x3100;
	[sflag:s29] =	ssyncadd.s32 $0xFFFFF800  }
0xd5: {  	[spmem:s2] =	stream.indirect.scatter.add.f32 [tilespmem:s30], [sflag:$0x7], $0x10, s22, s0, $0xb8;
	[tilespmem:$0x1CC00] =	vst v63  }
0xd6: {  	_ =	swait.ge [sflag:s29], $0x800  }
0xd7: {  	[sflag:s29] =	ssyncset.done $0x0  }
0xd8: {  	s4 =	simm.s32 $0x3180;
	[sflag:s29] =	ssyncadd.s32 $0xFFFFF800  }
0xd9: {  	[spmem:s2] =	stream.indirect.scatter.add.f32 [tilespmem:s31], [sflag:$0x7], $0x10, s4, s0, $0xb8;
	[tilespmem:$0x1CC00] =	vst v63  }
0xda: {  	_ =	swait.ge [sflag:s29], $0x800  }
0xdb: {  	[sflag:s29] =	ssyncset.done $0x0  }
0xdc: {  	s5 =	simm.s32 $0x3200;
	[sflag:s29] =	ssyncadd.s32 $0xFFFFF800  }
0xdd: {  	[spmem:s2] =	stream.indirect.scatter.add.f32 [tilespmem:s21], [sflag:$0x7], $0x10, s5, s0, $0xb8;
	[tilespmem:$0x1CC00] =	vst v63  }
0xde: {  	_ =	swait.ge [sflag:s29], $0x800  }
0xdf: {  	[sflag:s29] =	ssyncset.done $0x0  }
0xe0: {  	s6 =	simm.s32 $0x3280;
	[sflag:s29] =	ssyncadd.s32 $0xFFFFF800  }
0xe1: {  	[spmem:s2] =	stream.indirect.scatter.add.f32 [tilespmem:s1], [sflag:$0x7], $0x10, s6, s0, $0xb8;
	[tilespmem:$0x1CC00] =	vst v63  }
0xe2: {  	_ =	swait.ge [sflag:s29], $0x800  }
0xe3: {  	[sflag:s29] =	ssyncset.done $0x0  }
0xe4: {  	s12 =	simm.s32 $0x3300;
	[sflag:s29] =	ssyncadd.s32 $0xFFFFF800  }
0xe5: {  	[spmem:s2] =	stream.indirect.scatter.add.f32 [tilespmem:s23], [sflag:$0x7], $0x10, s12, s0, $0xb8;
	[tilespmem:$0x1CC00] =	vst v63  }
0xe6: {  	_ =	swait.ge [sflag:s29], $0x800  }
0xe7: {  	[sflag:s29] =	ssyncset.done $0x0  }
0xe8: {  	s13 =	simm.s32 $0x3380;
	[sflag:s29] =	ssyncadd.s32 $0xFFFFF800  }
0xe9: {  	[spmem:s2] =	stream.indirect.scatter.add.f32 [tilespmem:s24], [sflag:$0x7], $0x10, s13, s0, $0xb8;
	[tilespmem:$0x1CC00] =	vst v63  }
0xea: {  	_ =	swait.ge [sflag:s29], $0x800  }
0xeb: {  	[sflag:s29] =	ssyncset.done $0x0  }
0xec: {  	s14 =	simm.s32 $0x3400;
	[sflag:s29] =	ssyncadd.s32 $0xFFFFF800  }
0xed: {  	[spmem:s2] =	stream.indirect.scatter.add.f32 [tilespmem:s25], [sflag:$0x7], $0x10, s14, s0, $0xb8;
	[tilespmem:$0x1CC00] =	vst v63  }
0xee: {  	_ =	swait.ge [sflag:s29], $0x800  }
0xef: {  	[sflag:s29] =	ssyncset.done $0x0  }
0xf0: {  	s22 =	simm.s32 $0x3480;
	[sflag:s29] =	ssyncadd.s32 $0xFFFFF800  }
0xf1: {  	[spmem:s2] =	stream.indirect.scatter.add.f32 [tilespmem:s9], [sflag:$0x7], $0x10, s22, s0, $0xb8;
	[tilespmem:$0x1CC00] =	vst v63  }
0xf2: {  	_ =	swait.ge [sflag:s29], $0x800  }
0xf3: {  	s11 =	simm.s32 $0x2800;
	s22 =	simm.s32 $0x500;
	[sflag:s29] =	ssyncset.done $0x0  }
.LBB2_4:
0xf4: {  	s14 =	sadd.s32 $0x800, s22  }
0xf5: {  	[sflag:s29] =	ssyncadd.s32 $0xFFFFF800;
	s12 =	smov.u32 s11;
	s13 =	sadd.s32 $0x1400, s11  }
0xf6: {  	[tilespmem:s19], [sflag:$0x2] =	stream.indirect.gather [hbm4b:s8+s0], $0x10, s14, s0, $0xb8;
	[tilespmem:$0x1CC00] =	vst v63  }
0xf7: {  	p0 =	sne.s32 s11, $0x8C00;
	s11 =	sadd.s32 $0x880, s22  }
0xf8: {  	[tilespmem:s20], [sflag:$0x2] =	stream.indirect.gather [hbm4b:s8+s0], $0x10, s11, s0, $0xb8;
	[tilespmem:$0x1CC00] =	vst v63  }
0xf9: {  	s11 =	sadd.s32 $0x900, s22  }
0xfa: {  	[tilespmem:s30], [sflag:$0x2] =	stream.indirect.gather [hbm4b:s8+s0], $0x10, s11, s0, $0xb8;
	[tilespmem:$0x1CC00] =	vst v63  }
0xfb: {  	s11 =	sadd.s32 $0x980, s22  }
0xfc: {  	[tilespmem:s31], [sflag:$0x2] =	stream.indirect.gather [hbm4b:s8+s0], $0x10, s11, s0, $0xb8;
	[tilespmem:$0x1CC00] =	vst v63  }
0xfd: {  	s11 =	sadd.s32 $0xA00, s22  }
0xfe: {  	[tilespmem:s21], [sflag:$0x2] =	stream.indirect.gather [hbm4b:s8+s0], $0x10, s11, s0, $0xb8;
	[tilespmem:$0x1CC00] =	vst v63  }
0xff: {  	s11 =	sadd.s32 $0xA80, s22  }
0x100: {  	[tilespmem:s1], [sflag:$0x2] =	stream.indirect.gather [hbm4b:s8+s0], $0x10, s11, s0, $0xb8;
	[tilespmem:$0x1CC00] =	vst v63  }
0x101: {  	s11 =	sadd.s32 $0xB00, s22  }
0x102: {  	[tilespmem:s23], [sflag:$0x2] =	stream.indirect.gather [hbm4b:s8+s0], $0x10, s11, s0, $0xb8;
	[tilespmem:$0x1CC00] =	vst v63  }
0x103: {  	s11 =	sadd.s32 $0xB80, s22  }
0x104: {  	[tilespmem:s24], [sflag:$0x2] =	stream.indirect.gather [hbm4b:s8+s0], $0x10, s11, s0, $0xb8;
	[tilespmem:$0x1CC00] =	vst v63  }
0x105: {  	s11 =	sadd.s32 $0xC00, s22  }
0x106: {  	[tilespmem:s25], [sflag:$0x2] =	stream.indirect.gather [hbm4b:s8+s0], $0x10, s11, s0, $0xb8;
	[tilespmem:$0x1CC00] =	vst v63  }
0x107: {  	s11 =	sadd.s32 $0xC80, s22  }
0x108: {  	[tilespmem:s9], [sflag:$0x2] =	stream.indirect.gather [hbm4b:s8+s0], $0x10, s11, s0, $0xb8;
	[tilespmem:$0x1CC00] =	vst v63  }
0x109: {  	_ =	swait.ge [sflag:s26], $0x800  }
0x10a: {  	[sflag:s26] =	ssyncset.done $0x0  }
0x10b: {  	[sflag:s26] =	ssyncadd.s32 $0xFFFFF800  }
0x10c: {  	_ =	swait.ge [sflag:s26], $0x800  }
0x10d: {  	[sflag:s26] =	ssyncset.done $0x0  }
0x10e: {  	[sflag:s26] =	ssyncadd.s32 $0xFFFFF800  }
0x10f: {  	_ =	swait.ge [sflag:s26], $0x800  }
0x110: {  	[sflag:s26] =	ssyncset.done $0x0  }
0x111: {  	[sflag:s26] =	ssyncadd.s32 $0xFFFFF800  }
0x112: {  	_ =	swait.ge [sflag:s26], $0x800  }
0x113: {  	[sflag:s26] =	ssyncset.done $0x0  }
0x114: {  	[sflag:s26] =	ssyncadd.s32 $0xFFFFF800  }
0x115: {  	_ =	swait.ge [sflag:s26], $0x800  }
0x116: {  	[sflag:s26] =	ssyncset.done $0x0  }
0x117: {  	[sflag:s26] =	ssyncadd.s32 $0xFFFFF800  }
0x118: {  	_ =	swait.ge [sflag:s26], $0x800  }
0x119: {  	[sflag:s26] =	ssyncset.done $0x0  }
0x11a: {  	[sflag:s26] =	ssyncadd.s32 $0xFFFFF800  }
0x11b: {  	_ =	swait.ge [sflag:s26], $0x800  }
0x11c: {  	[sflag:s26] =	ssyncset.done $0x0  }
0x11d: {  	[sflag:s26] =	ssyncadd.s32 $0xFFFFF800  }
0x11e: {  	_ =	swait.ge [sflag:s26], $0x800  }
0x11f: {  	[sflag:s26] =	ssyncset.done $0x0  }
0x120: {  	[sflag:s26] =	ssyncadd.s32 $0xFFFFF800  }
0x121: {  	_ =	swait.ge [sflag:s26], $0x800  }
0x122: {  	[sflag:s26] =	ssyncset.done $0x0  }
0x123: {  	[sflag:s26] =	ssyncadd.s32 $0xFFFFF800  }
0x124: {  	_ =	swait.ge [sflag:s26], $0x800  }
0x125: {  	[sflag:s26] =	ssyncset.done $0x0  }
0x126: {  	s11 =	sadd.s32 $0x3000, s22;
	[sflag:s26] =	ssyncadd.s32 $0xFFFFF800  }
0x127: {  	[spmem:s2] =	stream.indirect.scatter.add.f32 [tilespmem:s19], [sflag:$0x7], $0x10, s11, s0, $0xb8;
	[tilespmem:$0x1CC00] =	vst v63  }
0x128: {  	_ =	swait.ge [sflag:s29], $0x800  }
0x129: {  	[sflag:s29] =	ssyncset.done $0x0  }
0x12a: {  	s11 =	sadd.s32 $0x3080, s22;
	[sflag:s29] =	ssyncadd.s32 $0xFFFFF800  }
0x12b: {  	[spmem:s2] =	stream.indirect.scatter.add.f32 [tilespmem:s20], [sflag:$0x7], $0x10, s11, s0, $0xb8;
	[tilespmem:$0x1CC00] =	vst v63  }
0x12c: {  	_ =	swait.ge [sflag:s29], $0x800  }
0x12d: {  	[sflag:s29] =	ssyncset.done $0x0  }
0x12e: {  	s11 =	sadd.s32 $0x3100, s22;
	[sflag:s29] =	ssyncadd.s32 $0xFFFFF800  }
0x12f: {  	[spmem:s2] =	stream.indirect.scatter.add.f32 [tilespmem:s30], [sflag:$0x7], $0x10, s11, s0, $0xb8;
	[tilespmem:$0x1CC00] =	vst v63  }
0x130: {  	_ =	swait.ge [sflag:s29], $0x800  }
0x131: {  	[sflag:s29] =	ssyncset.done $0x0  }
0x132: {  	s11 =	sadd.s32 $0x3180, s22;
	[sflag:s29] =	ssyncadd.s32 $0xFFFFF800  }
0x133: {  	[spmem:s2] =	stream.indirect.scatter.add.f32 [tilespmem:s31], [sflag:$0x7], $0x10, s11, s0, $0xb8;
	[tilespmem:$0x1CC00] =	vst v63  }
0x134: {  	_ =	swait.ge [sflag:s29], $0x800  }
0x135: {  	[sflag:s29] =	ssyncset.done $0x0  }
0x136: {  	s11 =	sadd.s32 $0x3200, s22;
	[sflag:s29] =	ssyncadd.s32 $0xFFFFF800  }
0x137: {  	[spmem:s2] =	stream.indirect.scatter.add.f32 [tilespmem:s21], [sflag:$0x7], $0x10, s11, s0, $0xb8;
	[tilespmem:$0x1CC00] =	vst v63  }
0x138: {  	_ =	swait.ge [sflag:s29], $0x800  }
0x139: {  	[sflag:s29] =	ssyncset.done $0x0  }
0x13a: {  	s11 =	sadd.s32 $0x3280, s22;
	[sflag:s29] =	ssyncadd.s32 $0xFFFFF800  }
0x13b: {  	[spmem:s2] =	stream.indirect.scatter.add.f32 [tilespmem:s1], [sflag:$0x7], $0x10, s11, s0, $0xb8;
	[tilespmem:$0x1CC00] =	vst v63  }
0x13c: {  	_ =	swait.ge [sflag:s29], $0x800  }
0x13d: {  	[sflag:s29] =	ssyncset.done $0x0  }
0x13e: {  	s11 =	sadd.s32 $0x3300, s22;
	[sflag:s29] =	ssyncadd.s32 $0xFFFFF800  }
0x13f: {  	[spmem:s2] =	stream.indirect.scatter.add.f32 [tilespmem:s23], [sflag:$0x7], $0x10, s11, s0, $0xb8;
	[tilespmem:$0x1CC00] =	vst v63  }
0x140: {  	_ =	swait.ge [sflag:s29], $0x800  }
0x141: {  	[sflag:s29] =	ssyncset.done $0x0  }
0x142: {  	s11 =	sadd.s32 $0x3380, s22;
	[sflag:s29] =	ssyncadd.s32 $0xFFFFF800  }
0x143: {  	[spmem:s2] =	stream.indirect.scatter.add.f32 [tilespmem:s24], [sflag:$0x7], $0x10, s11, s0, $0xb8;
	[tilespmem:$0x1CC00] =	vst v63  }
0x144: {  	_ =	swait.ge [sflag:s29], $0x800  }
0x145: {  	[sflag:s29] =	ssyncset.done $0x0  }
0x146: {  	s11 =	sadd.s32 $0x3400, s22;
	[sflag:s29] =	ssyncadd.s32 $0xFFFFF800  }
0x147: {  	[spmem:s2] =	stream.indirect.scatter.add.f32 [tilespmem:s25], [sflag:$0x7], $0x10, s11, s0, $0xb8;
	[tilespmem:$0x1CC00] =	vst v63  }
0x148: {  	_ =	swait.ge [sflag:s29], $0x800  }
.Ltmp1:
0x149: {  	[sflag:s29] =	ssyncset.done $0x0;
	(pc) =	sbr.rel @p0 .LBB2_4-.Ltmp1, $4  }
0x14a: {  	s11 =	sadd.s32 $0x3480, s22;
	[sflag:s29] =	ssyncadd.s32 $0xFFFFF800  }
0x14b: {  	[spmem:s2] =	stream.indirect.scatter.add.f32 [tilespmem:s9], [sflag:$0x7], $0x10, s11, s0, $0xb8;
	[tilespmem:$0x1CC00] =	vst v63  }
0x14c: {  	_ =	swait.ge [sflag:s29], $0x800  }
0x14d: {  	s22 =	sshra.s32 s12, $0x2;
	s11 =	smov.u32 s13;
	[sflag:s29] =	ssyncset.done $0x0  }
0x14e: {  	s11 =	sadd.s32 $0x800, s22;
	[sflag:s29] =	ssyncadd.s32 $0xFFFFF800  }
0x14f: {  	[tilespmem:s19], [sflag:$0x2] =	stream.indirect.gather [hbm4b:s8+s0], $0x10, s11, s0, $0xb8;
	[tilespmem:$0x1CC00] =	vst v63  }
0x150: {  	s5 =	sadd.s32 $0x880, s22  }
0x151: {  	[tilespmem:s20], [sflag:$0x2] =	stream.indirect.gather [hbm4b:s8+s0], $0x10, s5, s0, $0xb8;
	[tilespmem:$0x1CC00] =	vst v63  }
0x152: {  	s6 =	sadd.s32 $0x900, s22  }
0x153: {  	[tilespmem:s30], [sflag:$0x2] =	stream.indirect.gather [hbm4b:s8+s0], $0x10, s6, s0, $0xb8;
	[tilespmem:$0x1CC00] =	vst v63  }
0x154: {  	s12 =	sadd.s32 $0x980, s22  }
0x155: {  	[tilespmem:s31], [sflag:$0x2] =	stream.indirect.gather [hbm4b:s8+s0], $0x10, s12, s0, $0xb8;
	[tilespmem:$0x1CC00] =	vst v63  }
0x156: {  	s13 =	sadd.s32 $0xA00, s22  }
0x157: {  	[tilespmem:s21], [sflag:$0x2] =	stream.indirect.gather [hbm4b:s8+s0], $0x10, s13, s0, $0xb8;
	[tilespmem:$0x1CC00] =	vst v63  }
0x158: {  	s14 =	sadd.s32 $0xA80, s22  }
0x159: {  	[tilespmem:s1], [sflag:$0x2] =	stream.indirect.gather [hbm4b:s8+s0], $0x10, s14, s0, $0xb8;
	[tilespmem:$0x1CC00] =	vst v63  }
0x15a: {  	s4 =	sadd.s32 $0xB00, s22  }
0x15b: {  	[tilespmem:s23], [sflag:$0x2] =	stream.indirect.gather [hbm4b:s8+s0], $0x10, s4, s0, $0xb8;
	[tilespmem:$0x1CC00] =	vst v63  }
0x15c: {  	s5 =	sadd.s32 $0xB80, s22  }
0x15d: {  	[tilespmem:s24], [sflag:$0x2] =	stream.indirect.gather [hbm4b:s8+s0], $0x10, s5, s0, $0xb8;
	[tilespmem:$0x1CC00] =	vst v63  }
0x15e: {  	s6 =	sadd.s32 $0xC00, s22  }
0x15f: {  	[tilespmem:s25], [sflag:$0x2] =	stream.indirect.gather [hbm4b:s8+s0], $0x10, s6, s0, $0xb8;
	[tilespmem:$0x1CC00] =	vst v63  }
0x160: {  	s12 =	sadd.s32 $0xC80, s22  }
0x161: {  	[tilespmem:s9], [sflag:$0x2] =	stream.indirect.gather [hbm4b:s8+s0], $0x10, s12, s0, $0xb8;
	[tilespmem:$0x1CC00] =	vst v63  }
0x162: {  	_ =	swait.ge [sflag:s26], $0x800  }
0x163: {  	[sflag:s26] =	ssyncset.done $0x0  }
0x164: {  	[sflag:s26] =	ssyncadd.s32 $0xFFFFF800  }
0x165: {  	_ =	swait.ge [sflag:s26], $0x800  }
0x166: {  	[sflag:s26] =	ssyncset.done $0x0  }
0x167: {  	[sflag:s26] =	ssyncadd.s32 $0xFFFFF800  }
0x168: {  	_ =	swait.ge [sflag:s26], $0x800  }
0x169: {  	[sflag:s26] =	ssyncset.done $0x0  }
0x16a: {  	[sflag:s26] =	ssyncadd.s32 $0xFFFFF800  }
0x16b: {  	_ =	swait.ge [sflag:s26], $0x800  }
0x16c: {  	[sflag:s26] =	ssyncset.done $0x0  }
0x16d: {  	[sflag:s26] =	ssyncadd.s32 $0xFFFFF800  }
0x16e: {  	_ =	swait.ge [sflag:s26], $0x800  }
0x16f: {  	[sflag:s26] =	ssyncset.done $0x0  }
0x170: {  	[sflag:s26] =	ssyncadd.s32 $0xFFFFF800  }
0x171: {  	_ =	swait.ge [sflag:s26], $0x800  }
0x172: {  	[sflag:s26] =	ssyncset.done $0x0  }
0x173: {  	[sflag:s26] =	ssyncadd.s32 $0xFFFFF800  }
0x174: {  	_ =	swait.ge [sflag:s26], $0x800  }
0x175: {  	[sflag:s26] =	ssyncset.done $0x0  }
0x176: {  	[sflag:s26] =	ssyncadd.s32 $0xFFFFF800  }
0x177: {  	_ =	swait.ge [sflag:s26], $0x800  }
0x178: {  	[sflag:s26] =	ssyncset.done $0x0  }
0x179: {  	[sflag:s26] =	ssyncadd.s32 $0xFFFFF800  }
0x17a: {  	_ =	swait.ge [sflag:s26], $0x800  }
0x17b: {  	[sflag:s26] =	ssyncset.done $0x0  }
0x17c: {  	[sflag:s26] =	ssyncadd.s32 $0xFFFFF800  }
0x17d: {  	_ =	swait.ge [sflag:s26], $0x800  }
0x17e: {  	[sflag:s26] =	ssyncset.done $0x0  }
0x17f: {  	s13 =	sadd.s32 $0x3000, s22;
	[sflag:s26] =	ssyncadd.s32 $0xFFFFF800  }
0x180: {  	[spmem:s2] =	stream.indirect.scatter.add.f32 [tilespmem:s19], [sflag:$0x7], $0x10, s13, s0, $0xb8;
	[tilespmem:$0x1CC00] =	vst v63  }
0x181: {  	_ =	swait.ge [sflag:s29], $0x800  }
0x182: {  	[sflag:s29] =	ssyncset.done $0x0  }
0x183: {  	s14 =	sadd.s32 $0x3080, s22;
	[sflag:s29] =	ssyncadd.s32 $0xFFFFF800  }
0x184: {  	[spmem:s2] =	stream.indirect.scatter.add.f32 [tilespmem:s20], [sflag:$0x7], $0x10, s14, s0, $0xb8;
	[tilespmem:$0x1CC00] =	vst v63  }
0x185: {  	_ =	swait.ge [sflag:s29], $0x800  }
0x186: {  	[sflag:s29] =	ssyncset.done $0x0  }
0x187: {  	s4 =	sadd.s32 $0x3100, s22;
	[sflag:s29] =	ssyncadd.s32 $0xFFFFF800  }
0x188: {  	[spmem:s2] =	stream.indirect.scatter.add.f32 [tilespmem:s30], [sflag:$0x7], $0x10, s4, s0, $0xb8;
	[tilespmem:$0x1CC00] =	vst v63  }
0x189: {  	_ =	swait.ge [sflag:s29], $0x800  }
0x18a: {  	[sflag:s29] =	ssyncset.done $0x0  }
0x18b: {  	s5 =	sadd.s32 $0x3180, s22;
	[sflag:s29] =	ssyncadd.s32 $0xFFFFF800  }
0x18c: {  	[spmem:s2] =	stream.indirect.scatter.add.f32 [tilespmem:s31], [sflag:$0x7], $0x10, s5, s0, $0xb8;
	[tilespmem:$0x1CC00] =	vst v63  }
0x18d: {  	_ =	swait.ge [sflag:s29], $0x800  }
0x18e: {  	[sflag:s29] =	ssyncset.done $0x0  }
0x18f: {  	s6 =	sadd.s32 $0x3200, s22;
	[sflag:s29] =	ssyncadd.s32 $0xFFFFF800  }
0x190: {  	[spmem:s2] =	stream.indirect.scatter.add.f32 [tilespmem:s21], [sflag:$0x7], $0x10, s6, s0, $0xb8;
	[tilespmem:$0x1CC00] =	vst v63  }
0x191: {  	_ =	swait.ge [sflag:s29], $0x800  }
0x192: {  	[sflag:s29] =	ssyncset.done $0x0  }
0x193: {  	s12 =	sadd.s32 $0x3280, s22;
	[sflag:s29] =	ssyncadd.s32 $0xFFFFF800  }
0x194: {  	[spmem:s2] =	stream.indirect.scatter.add.f32 [tilespmem:s1], [sflag:$0x7], $0x10, s12, s0, $0xb8;
	[tilespmem:$0x1CC00] =	vst v63  }
0x195: {  	_ =	swait.ge [sflag:s29], $0x800  }
0x196: {  	[sflag:s29] =	ssyncset.done $0x0  }
0x197: {  	s13 =	sadd.s32 $0x3300, s22;
	[sflag:s29] =	ssyncadd.s32 $0xFFFFF800  }
0x198: {  	[spmem:s2] =	stream.indirect.scatter.add.f32 [tilespmem:s23], [sflag:$0x7], $0x10, s13, s0, $0xb8;
	[tilespmem:$0x1CC00] =	vst v63  }
0x199: {  	_ =	swait.ge [sflag:s29], $0x800  }
0x19a: {  	[sflag:s29] =	ssyncset.done $0x0  }
0x19b: {  	s14 =	sadd.s32 $0x3380, s22;
	[sflag:s29] =	ssyncadd.s32 $0xFFFFF800  }
0x19c: {  	[spmem:s2] =	stream.indirect.scatter.add.f32 [tilespmem:s24], [sflag:$0x7], $0x10, s14, s0, $0xb8;
	[tilespmem:$0x1CC00] =	vst v63  }
0x19d: {  	_ =	swait.ge [sflag:s29], $0x800  }
0x19e: {  	[sflag:s29] =	ssyncset.done $0x0  }
0x19f: {  	s4 =	sadd.s32 $0x3400, s22;
	[sflag:s29] =	ssyncadd.s32 $0xFFFFF800  }
0x1a0: {  	[spmem:s2] =	stream.indirect.scatter.add.f32 [tilespmem:s25], [sflag:$0x7], $0x10, s4, s0, $0xb8;
	[tilespmem:$0x1CC00] =	vst v63  }
0x1a1: {  	_ =	swait.ge [sflag:s29], $0x800  }
0x1a2: {  	[sflag:s29] =	ssyncset.done $0x0  }
0x1a3: {  	s5 =	sadd.s32 $0x3480, s22;
	[sflag:s29] =	ssyncadd.s32 $0xFFFFF800  }
0x1a4: {  	[spmem:s2] =	stream.indirect.scatter.add.f32 [tilespmem:s9], [sflag:$0x7], $0x10, s5, s0, $0xb8;
	[tilespmem:$0x1CC00] =	vst v63  }
0x1a5: {  	_ =	swait.ge [sflag:s29], $0x800  }
0x1a6: {  	[sflag:s29] =	ssyncset.done $0x0  }
0x1a7: {  	[sflag:s29] =	ssyncadd.s32 $0xFFFFF800  }
0x1a8: {  	_ =	swait.ge [sflag:s10], $0x80  }
0x1a9: {  	[sflag:s10] =	ssyncset.done $0x0  }
0x1aa: {  	[sflag:s10] =	ssyncadd.s32 $0xFFFFFF80  }
0x1ab: {  	_ =	swait.ge [sflag:s10], $0x80  }
0x1ac: {  	[sflag:s10] =	ssyncset.done $0x0  }
0x1ad: {  	[sflag:s10] =	ssyncadd.s32 $0xFFFFFF80  }
0x1ae: {  	_ =	swait.ge [sflag:s10], $0x80  }
0x1af: {  	[sflag:s10] =	ssyncset.done $0x0  }
0x1b0: {  	[sflag:s10] =	ssyncadd.s32 $0xFFFFFF80  }
0x1b1: {  	_ =	swait.ge [sflag:s10], $0x80  }
0x1b2: {  	[sflag:s10] =	ssyncset.done $0x0  }
0x1b3: {  	[sflag:s10] =	ssyncadd.s32 $0xFFFFFF80  }
0x1b4: {  	_ =	swait.ge [sflag:s10], $0x80  }
0x1b5: {  	[sflag:s10] =	ssyncset.done $0x0  }
0x1b6: {  	[sflag:s10] =	ssyncadd.s32 $0xFFFFFF80  }
0x1b7: {  	_ =	swait.ge [sflag:s10], $0x80  }
0x1b8: {  	[sflag:s10] =	ssyncset.done $0x0  }
0x1b9: {  	[sflag:s10] =	ssyncadd.s32 $0xFFFFFF80  }
0x1ba: {  	_ =	swait.ge [sflag:s10], $0x80  }
0x1bb: {  	[sflag:s10] =	ssyncset.done $0x0  }
0x1bc: {  	[sflag:s10] =	ssyncadd.s32 $0xFFFFFF80  }
0x1bd: {  	_ =	swait.ge [sflag:s10], $0x80  }
0x1be: {  	[sflag:s10] =	ssyncset.done $0x0  }
0x1bf: {  	s4 =	simm.s32 $0x15800;
	s6 =	rddreg [dreg:$0x14];
	[sflag:s10] =	ssyncadd.s32 $0xFFFFFF80  }
0x1c0: {  	[hbm4b:s6+s3] =	stream.linear.scatter [tilespmem:s4], [sflag:$0x7], $0x200, $0x38;
	[tilespmem:$0x1CC00] =	vst v63  }
0x1c1: {  	_ =	swait.ge [sflag:s29], $0x200  }
0x1c2: {  	s13 =	simm.s32 $0x15A00;
	[sflag:s29] =	ssyncset.done $0x0  }
0x1c3: {  	s14 =	stileid.u32;
	s12 =	rddreg [dreg:$0x15];
	[sflag:s29] =	ssyncadd.s32 $0xFFFFFE00  }
0x1c4: {  	[hbm4b:s12+s3] =	stream.linear.scatter [tilespmem:s13], [sflag:$0x7], $0x200, $0x38;
	[tilespmem:$0x1CC00] =	vst v63  }
0x1c5: {  	s11 =	sshll.u32 s14, $0x6;
	_ =	swait.ge [sflag:s29], $0x200  }
0x1c6: {  	s11 =	sor.u32 $0x1C07, s11;
	[sflag:s29] =	ssyncset.done $0x0;
	s13 =	rddreg [dreg:$0x12]  }
0x1c7: {  	s14 =	rddreg [dreg:$0x16];
	[sflag:s29] =	ssyncadd.s32 $0xFFFFFE00;
	s12 =	sshrl.u32 s13, $0x3  }
0x1c8: {  	[hbm:s14], [sflag:s11] =	dma.local [spmem:s12], $0x400  }
0x1c9: {  	_ =	swait.ge [sflag:s29], $0x400  }
0x1ca: {  	s28 =	sadd.s32 $0x1, s28;
	s22 =	rddreg [dreg:$0x17]  }
0x1cb: {  	p0 =	sne.s32 s28, s22  }
.Ltmp2:
0x1cc: {  	_ = 	snop;
	(pc) =	sbr.rel @p0 .LBB2_1-.Ltmp2, $3  }
0x1cd: {  	_ =	sdelay $0x1  }
0x1ce: {  	[sflag:s29] =	ssyncset.done $0x0  }
0x1cf: {  	[sflag:s29] =	ssyncadd.s32 $0xFFFFFC00  }
0x1d0: {  	_ =	sfence.sel $0x180000  }
0x1d1: {  	[bflag:$0x0] =	sbarrier.arrive $0xFFFF  }
0x1d2: {  	_ =	strace $0x90000047  }
0x1d3: {  	s0 =	stileid.u32;
	[bflag:$0x2] =	sbarrier.arrive $0xFFFF  }
0x1d4: {  	p0 =	sne.s32 s0, $0x0;
	s0 =	rddreg [dreg:$0x4]  }
0x1d5: {  	s0 =	sadd.s32 @!p0 $0x100000, s0  }
0x1d6: {  	[sflag:s0] =	ssyncadd.tile.s32 @!p0 $0x1;
	_ =	shalt  }
.Lfunc_end2:
_tile_overlayer_lowered:
.L_overlay_start_2:
0x1d7: {  	(tag) =	ssettag $0x2  }
0x1d8: {  	s0 =	rddreg [dreg:$0x0];
	s2 =	stileid.u32  }
0x1d9: {  	s1 =	rddreg [dreg:$0x1];
	p0 =	sne.s32 s2, $0x0  }
0x1da: {  	s3 =	rddreg [dreg:$0x2];
	[bflag:$0x3] =	sbarrier.arrive $0xFFFF;
	s2 =	simm.s32 @!p0 $0x1C07  }
0x1db: {  	[timem:s3], [sflag:s2] =	dma.local @!p0 [hbm:s0], s1  }
0x1dc: {  	s0 =	simm.s32 @!p0 $0x7  }
0x1dd: {  	_ =	swait.ge @!p0 [sflag:s0], s1  }
0x1de: {  	s1 =	ssub.s32 @!p0 $0x0, s1;
	[sflag:s0] =	ssyncset.done @!p0 $0x0  }
0x1df: {  	[sflag:s0] =	ssyncadd.s32 @!p0 s1  }
0x1e0: {  	[bflag:$0x3] =	sbarrier.arrive $0xFFFF  }
0x1e1: {  	_ =	shalt  }

</sc_bundles>
